<compile_context>
chip_gen: v7x
topology: tpu7x:2x2x1
jax: 0.10.2.dev20260603
libtpu: 0.0.44.dev20260713+nightly
codegen_flags: <defaults>
</compile_context>

<pallas_src>
import math

import jax
import jax.numpy as jnp
import numpy as np
from jax import lax
from jax.experimental import pallas as pl
from jax.experimental.pallas import tpu as pltpu
from jax.experimental.pallas import tpu_sc as plsc

N_PTS = 10000
PADP = 10048
NCH = PADP // 16
NGRP = NCH // 4
R = 4096
K = 16
NTEC = 32
RPT = R // NTEC
FBASE = 1048576.0
NC = 32
BIG = 3.0e38
C2 = float(np.float32(0.866) * np.float32(0.866))
C2L = C2 * (1.0 - 1e-5)
TWO_PI = 2.0 * math.pi


def _raydir_body(az_ref, el_ref, rdx_ref, rdy_ref, rdz_ref):
    a = az_ref[...] * TWO_PI
    e = el_ref[...] * math.pi
    se = jnp.sin(e)
    rdx_ref[...] = -(jnp.cos(a) * se)
    rdy_ref[...] = -(jnp.sin(a) * se)
    rdz_ref[...] = -jnp.cos(e)


def _sc_body(px_h, py_h, pz_h, rdx_h, rdy_h, rdz_h,
             rox_h, roy_h, roz_h,
             oidx_h, ogx_h, ogy_h, ogz_h,
             pxv, pyv, pzv, dxv, dyv, dzv, n2v,
             rdxv, rdyv, rdzv, roxv, royv, rozv,
             sti, stx, sty, stz):
    cid = lax.axis_index("c")
    sid = lax.axis_index("s")
    wid = sid * 2 + cid
    base = wid * RPT
    pltpu.sync_copy(px_h, pxv)
    pltpu.sync_copy(py_h, pyv)
    pltpu.sync_copy(pz_h, pzv)
    for src, dst in ((rdx_h, rdxv), (rdy_h, rdyv), (rdz_h, rdzv),
                     (rox_h, roxv), (roy_h, royv), (roz_h, rozv)):
        pltpu.sync_copy(src.at[pl.ds(base, RPT)], dst)

    iota = lax.iota(jnp.int32, 16)

    def ftr_body(f, _):
        jb = f * 8
        jv0 = jnp.full((16,), jb, jnp.int32)
        ox = plsc.load_gather(roxv, [jv0])
        oy = plsc.load_gather(royv, [jv0])
        oz = plsc.load_gather(rozv, [jv0])

        def diff_body(g, _):
            for q in range(4):
                b = g * 64 + q * 16
                dx = pxv[pl.ds(b, 16)] - ox
                dy = pyv[pl.ds(b, 16)] - oy
                dz = pzv[pl.ds(b, 16)] - oz
                dxv[pl.ds(b, 16)] = dx
                dyv[pl.ds(b, 16)] = dy
                dzv[pl.ds(b, 16)] = dz
                n2v[pl.ds(b, 16)] = dx * dx + dy * dy + dz * dz
            return 0

        lax.fori_loop(0, NGRP, diff_body, 0)
        for q in range(3):
            n2v[pl.ds(N_PTS + 16 * q, 16)] = jnp.full((16,), 1e30,
                                                      jnp.float32)

        def ray_body(r, _):
            jv = jnp.full((16,), jb + r, jnp.int32)
            rdx = plsc.load_gather(rdxv, [jv])
            rdy = plsc.load_gather(rdyv, [jv])
            rdz = plsc.load_gather(rdzv, [jv])
            return _ray_topk(r, rdx, rdy, rdz,
                             pxv, pyv, pzv, dxv, dyv, dzv, n2v,
                             iota, sti, stx, sty, stz)

        lax.fori_loop(0, 8, ray_body, 0)
        for st, oh in ((sti, oidx_h), (stx, ogx_h), (sty, ogy_h),
                       (stz, ogz_h)):
            pltpu.sync_copy(st, oh.at[pl.ds(base + jb, 8)])
        return 0

    def _ray_topk(j, rdx, rdy, rdz, pxv, pyv, pzv,
                  dxv, dyv, dzv, n2v, iota, sti, stx, sty, stz):

        def chunk_key(b, pidx, synth):
            dx = dxv[pl.ds(b, 16)]
            dy = dyv[pl.ds(b, 16)]
            dz = dzv[pl.ds(b, 16)]
            n2 = n2v[pl.ds(b, 16)]
            dt = rdx * dx + rdy * dy + rdz * dz
            dt2 = dt * dt
            projsq = n2 - dt2
            cone = (dt >= 0.0) & (dt2 >= C2L * n2)
            key = jnp.where(cone, projsq, synth)
            return key, pidx

        def pairsplit(ak, ai, bk, bi):
            rk = lax.rev(bk, (0,))
            ri = lax.rev(bi, (0,))
            take = ak < rk
            lo = (jnp.where(take, ak, rk), jnp.where(take, ai, ri))
            hi = (jnp.where(take, rk, ak), jnp.where(take, ri, ai))
            return lo, hi

        def group_body(g, carry):
            lk, li, hk, hi, ibase, sbase = carry
            b = g * 64
            s = []
            for q in range(4):
                kq, iq = chunk_key(b + 16 * q, ibase + 16 * q,
                                   sbase + 16.0 * q)
                s.append(plsc.sort_key_val(kq, iq))
            m01, _ = pairsplit(s[0][0], s[0][1], s[1][0], s[1][1])
            m23, _ = pairsplit(s[2][0], s[2][1], s[3][0], s[3][1])
            t01 = plsc.sort_key_val(*m01)
            t23 = plsc.sort_key_val(*m23)
            m, _ = pairsplit(t01[0], t01[1], t23[0], t23[1])
            tm = plsc.sort_key_val(*m)
            mlo, spill = pairsplit(tm[0], tm[1], lk, li)
            nlk, nli = plsc.sort_key_val(*mlo)
            sp = plsc.sort_key_val(*spill)
            mhi, _ = pairsplit(sp[0], sp[1], hk, hi)
            nhk, nhi = plsc.sort_key_val(*mhi)
            return (nlk, nli, nhk, nhi, ibase + 64, sbase + 64.0)

        lk, li, hk, hi, _, _ = lax.fori_loop(
            0, NGRP, group_body,
            (jnp.full((16,), BIG, jnp.float32),
             jnp.zeros((16,), jnp.int32),
             jnp.full((16,), BIG, jnp.float32),
             jnp.zeros((16,), jnp.int32),
             iota,
             FBASE + iota.astype(jnp.float32)))
        for col, i16 in ((0, li), (1, hi)):
            sti[j, pl.ds(col * 16, 16)] = i16
            stx[j, pl.ds(col * 16, 16)] = plsc.load_gather(pxv, [i16])
            sty[j, pl.ds(col * 16, 16)] = plsc.load_gather(pyv, [i16])
            stz[j, pl.ds(col * 16, 16)] = plsc.load_gather(pzv, [i16])
        return 0

    lax.fori_loop(0, RPT // 8, ftr_body, 0)


def _acos(x):
    ax = jnp.abs(x)
    p = -0.0012624911
    for c in (0.0066700901, -0.0170881256, 0.0308918810, -0.0501743046,
              0.0889789874, -0.2145988016, 1.5707963050):
        p = p * ax + c
    r = jnp.sqrt(jnp.maximum(1.0 - ax, 0.0)) * p
    return jnp.where(x < 0.0, math.pi - r, r)


def _epilogue_body(gx_ref, gy_ref, gz_ref, idx_ref,
                   ox_ref, oy_ref, oz_ref, rdx_ref, rdy_ref, rdz_ref,
                   vx_ref, vy_ref, vz_ref, dist_ref, az_ref, el_ref,
                   npd_ref, oidx_ref):
    dx = gx_ref[...] - ox_ref[...]
    dy = gy_ref[...] - oy_ref[...]
    dz = gz_ref[...] - oz_ref[...]
    nd = jnp.sqrt(dx * dx + dy * dy + dz * dz)
    den = jnp.maximum(nd, 1e-12)
    rdx = rdx_ref[...]
    rdy = rdy_ref[...]
    rdz = rdz_ref[...]
    cos = rdx * (dx / den) + rdy * (dy / den) + rdz * (dz / den)
    proj = jnp.sqrt(jnp.clip(1.0 - cos * cos, 1e-12, None)) * nd
    v = jnp.where(cos < 0.866, 1e8, proj)
    idxf = idx_ref[...].astype(jnp.float32)
    lastv = jnp.full((1, R), -1.0, jnp.float32)
    lasti = jnp.full((1, R), -1.0, jnp.float32)
    for r in range(K):
        elig = (v > lastv) | ((v == lastv) & (idxf > lasti))
        c = jnp.where(elig, v, BIG)
        minv = jnp.min(c, axis=0, keepdims=True)
        ci = jnp.where(c == minv, idxf, BIG)
        mini = jnp.min(ci, axis=0, keepdims=True)
        sel = (c == minv) & (idxf == mini)
        selx = jnp.sum(jnp.where(sel, gx_ref[...], 0.0), axis=0)
        sely = jnp.sum(jnp.where(sel, gy_ref[...], 0.0), axis=0)
        selz = jnp.sum(jnp.where(sel, gz_ref[...], 0.0), axis=0)
        npd_ref[r, :] = minv[0]
        oidx_ref[r, :] = mini[0].astype(jnp.int32)
        vx_ref[r, :] = selx
        vy_ref[r, :] = sely
        vz_ref[r, :] = selz
        lastv, lasti = minv, mini
    wx = vx_ref[...] - ox_ref[...]
    wy = vy_ref[...] - oy_ref[...]
    wz = vz_ref[...] - oz_ref[...]
    nd16 = jnp.sqrt(wx * wx + wy * wy + wz * wz)
    rx = rdx * nd16
    ry = rdy * nd16
    rz = rdz * nd16
    dist = jnp.sqrt(rx * rx + ry * ry + rz * rz)
    dd = jnp.maximum(dist, 1e-12)
    vx = rx / dd
    vy = ry / dd
    vz = rz / dd
    elev = _acos(jnp.clip(vz, -1.0, 1.0))
    sin_el = jnp.sin(elev)
    sin_el_inv = jnp.where(jnp.abs(sin_el) < 1e-5, 0.0, 1.0 / sin_el)
    azm = _acos(jnp.clip(vx * sin_el_inv, -1.0, 1.0))
    azm = jnp.where(vy < 0.0, TWO_PI - azm, azm)
    vx_ref[...] = vx
    vy_ref[...] = vy
    vz_ref[...] = vz
    dist_ref[...] = dist
    az_ref[...] = azm
    el_ref[...] = elev


def kernel(pts, ray_o, azimuth, elevation):
    f32 = jnp.float32
    px = jnp.pad(pts[:, 0], (0, PADP - N_PTS))
    py = jnp.pad(pts[:, 1], (0, PADP - N_PTS))
    pz = jnp.pad(pts[:, 2], (0, PADP - N_PTS))
    az2 = azimuth.reshape(32, 128)
    el2 = elevation.reshape(32, 128)

    rdx, rdy, rdz = pl.pallas_call(
        _raydir_body,
        out_shape=[jax.ShapeDtypeStruct((32, 128), f32)] * 3,
    )(az2, el2)

    rd = jnp.stack([rdx.reshape(R), rdy.reshape(R), rdz.reshape(R)], axis=-1)
    ro = jnp.broadcast_to(ray_o, (512, 8, 3)).reshape(R, 3)

    mesh = plsc.VectorSubcoreMesh(core_axis_name="c", subcore_axis_name="s")
    sc = pl.kernel(
        _sc_body,
        out_type=[
            jax.ShapeDtypeStruct((R, NC), jnp.int32),
            jax.ShapeDtypeStruct((R, NC), f32),
            jax.ShapeDtypeStruct((R, NC), f32),
            jax.ShapeDtypeStruct((R, NC), f32),
        ],
        mesh=mesh,
        scratch_types=[
            pltpu.VMEM((PADP,), f32),
            pltpu.VMEM((PADP,), f32),
            pltpu.VMEM((PADP,), f32),
            pltpu.VMEM((PADP,), f32),
            pltpu.VMEM((PADP,), f32),
            pltpu.VMEM((PADP,), f32),
            pltpu.VMEM((PADP,), f32),
            pltpu.VMEM((RPT,), f32),
            pltpu.VMEM((RPT,), f32),
            pltpu.VMEM((RPT,), f32),
            pltpu.VMEM((RPT,), f32),
            pltpu.VMEM((RPT,), f32),
            pltpu.VMEM((RPT,), f32),
            pltpu.VMEM((8, NC), jnp.int32),
            pltpu.VMEM((8, NC), f32),
            pltpu.VMEM((8, NC), f32),
            pltpu.VMEM((8, NC), f32),
        ],
        compiler_params=pltpu.CompilerParams(needs_layout_passes=False),
    )
    oidx, ogx, ogy, ogz = sc(
        px, py, pz,
        rd[:, 0], rd[:, 1], rd[:, 2],
        ro[:, 0], ro[:, 1], ro[:, 2])

    row = lambda a: a.reshape(1, R)
    outs = pl.pallas_call(
        _epilogue_body,
        out_shape=[jax.ShapeDtypeStruct((K, R), f32)] * 7
        + [jax.ShapeDtypeStruct((K, R), jnp.int32)],
    )(ogx.T, ogy.T, ogz.T, oidx.T,
      row(ro[:, 0]), row(ro[:, 1]), row(ro[:, 2]),
      row(rd[:, 0]), row(rd[:, 1]), row(rd[:, 2]))
    vx, vy, vz, dist, azm, elev, npd, idx16 = outs

    def back(a):
        return a.T.reshape(512, 8, K)

    info = jnp.stack(
        [back(vx), back(vy), back(vz), back(dist), back(azm), back(elev)],
        axis=-1)
    npd_out = back(npd)
    idx_out = idx16.T.reshape(512, 8, K)
    hit_sky = npd_out >= (1e8 - 1)
    return (info, npd_out, idx_out, hit_sky)

# --- scband reference (transcript-rebuilt; emitter-appended) ---
"""Pipeline reference for scband-ray-sampler-31387620999296 (READ-ONLY COPY).

The authoritative reference and input builder live on the scoring server;
editing this copy changes nothing except your own understanding.
"""

import jax, jax.numpy as jnp
import numpy as np
import math

FTR = 512
N_RAYS = 8
N_PTS = 10000
K_CLOSEST = 16


def _get_dist_azimuth_elevation(r, eps=1e-05):
    dist = jnp.linalg.norm(r, axis=-1, keepdims=True)
    dirv = r / jnp.maximum(dist, 1e-12)
    elevation = jnp.arccos(jnp.clip(dirv[..., 2:3], -1.0, 1.0))
    sin_el = jnp.sin(elevation)
    sin_el_inv = jnp.where(jnp.abs(sin_el) < eps, jnp.zeros_like(elevation), 1.0 / sin_el)
    azimuth = jnp.arccos(jnp.clip(dirv[..., 0:1] * sin_el_inv, -1.0, 1.0))
    azimuth = jnp.where(dirv[..., 1:2] < 0, 2.0 * math.pi - azimuth, azimuth)
    return jnp.concatenate([dirv, dist, azimuth, elevation], axis=-1)


def setup_inputs(seed: int = 0):
    key = jax.random.key(seed)
    k1, k2, k3, k4 = jax.random.split(key, 4)
    pts = jax.random.normal(k1, (N_PTS, 3), dtype=jnp.float32)
    ray_o = jax.random.normal(k2, (FTR, 1, 3), dtype=jnp.float32)
    azimuth = jax.random.uniform(k3, (FTR, N_RAYS, 1), dtype=jnp.float32)
    elevation = jax.random.uniform(k4, (FTR, N_RAYS, 1), dtype=jnp.float32)
    return {"pts": pts, "ray_o": ray_o, "azimuth": azimuth, "elevation": elevation}


def reference(pts, ray_o, azimuth, elevation):
    K = K_CLOSEST
    az = azimuth * (2.0 * math.pi)
    el = elevation * math.pi
    ray_d = -jnp.concatenate([
        jnp.cos(az) * jnp.sin(el),
        jnp.sin(az) * jnp.sin(el),
        jnp.cos(el),
    ], axis=-1)  # [FTR, n_rays, 3]
    # rx -> pts geometry
    diff = pts[None, None, :, :] - ray_o[:, :, None, :]        # [FTR, 1, n_pts, 3]
    diff_norm = jnp.linalg.norm(diff, axis=-1)                 # [FTR, 1, n_pts]
    diff_dir = diff / jnp.maximum(diff_norm[..., None], 1e-12)
    rx_pts_cosphi = jnp.sum(ray_d[:, :, None, :] * diff_dir, axis=-1)  # [FTR, n_rays, n_pts]
    rx_pts_sinphi = jnp.sqrt(jnp.clip(1.0 - rx_pts_cosphi * rx_pts_cosphi, 1e-12, None))
    rx_pts_proj_distance = rx_pts_sinphi * diff_norm           # broadcast -> [FTR, n_rays, n_pts]
    rx_pts_proj_distance = jnp.where(rx_pts_cosphi < 0.866, 1e8, rx_pts_proj_distance)
    # k smallest = top_k of negated
    neg_vals, nearest_indices = jax.lax.top_k(-rx_pts_proj_distance, K)
    nearest_pts_proj_distance = -neg_vals                      # [FTR, n_rays, K]
    hit_sky = nearest_pts_proj_distance >= (1e8 - 1)
    # gather nearest points
    nearest_pts = jnp.take(pts, nearest_indices, axis=0)       # [FTR, n_rays, K, 3]
    nearest_pts_r = nearest_pts - ray_o[:, :, None, :]
    nearest_pts_distance = jnp.linalg.norm(nearest_pts_r, axis=-1, keepdims=True)  # [FTR, n_rays, K, 1]
    rx_nearest_pts_r = ray_d[:, :, None, :] * nearest_pts_distance
    rx_nearest_pts_info = _get_dist_azimuth_elevation(rx_nearest_pts_r, eps=1e-05)  # [FTR, n_rays, K, 6]
    return (rx_nearest_pts_info, nearest_pts_proj_distance, nearest_indices, hit_sky)

if __name__ == "__main__":
    import jax
    _d = setup_inputs()
    print(jax.jit(kernel)(*tuple(_d.values())))

</pallas_src>

<mosaic_0001>
#map = affine_map<(d0, d1) -> (0)>
#map1 = affine_map<(d0, d1) -> (0, 0)>
module attributes {stable_mosaic.version = 14 : i64} {
  func.func @_sc_body(%arg0: i32, %arg1: i32, %arg2: memref<10048xf32, #tpu.memory_space<hbm>>, %arg3: memref<10048xf32, #tpu.memory_space<hbm>>, %arg4: memref<10048xf32, #tpu.memory_space<hbm>>, %arg5: memref<4096xf32, #tpu.memory_space<hbm>>, %arg6: memref<4096xf32, #tpu.memory_space<hbm>>, %arg7: memref<4096xf32, #tpu.memory_space<hbm>>, %arg8: memref<4096xf32, #tpu.memory_space<hbm>>, %arg9: memref<4096xf32, #tpu.memory_space<hbm>>, %arg10: memref<4096xf32, #tpu.memory_space<hbm>>, %arg11: memref<4096x32xi32, #tpu.memory_space<hbm>>, %arg12: memref<4096x32xf32, #tpu.memory_space<hbm>>, %arg13: memref<4096x32xf32, #tpu.memory_space<hbm>>, %arg14: memref<4096x32xf32, #tpu.memory_space<hbm>>, %arg15: memref<10048xf32, #tpu.memory_space<vmem>>, %arg16: memref<10048xf32, #tpu.memory_space<vmem>>, %arg17: memref<10048xf32, #tpu.memory_space<vmem>>, %arg18: memref<10048xf32, #tpu.memory_space<vmem>>, %arg19: memref<10048xf32, #tpu.memory_space<vmem>>, %arg20: memref<10048xf32, #tpu.memory_space<vmem>>, %arg21: memref<10048xf32, #tpu.memory_space<vmem>>, %arg22: memref<128xf32, #tpu.memory_space<vmem>>, %arg23: memref<128xf32, #tpu.memory_space<vmem>>, %arg24: memref<128xf32, #tpu.memory_space<vmem>>, %arg25: memref<128xf32, #tpu.memory_space<vmem>>, %arg26: memref<128xf32, #tpu.memory_space<vmem>>, %arg27: memref<128xf32, #tpu.memory_space<vmem>>, %arg28: memref<8x32xi32, #tpu.memory_space<vmem>>, %arg29: memref<8x32xf32, #tpu.memory_space<vmem>>, %arg30: memref<8x32xf32, #tpu.memory_space<vmem>>, %arg31: memref<8x32xf32, #tpu.memory_space<vmem>>) attributes {dimension_semantics = [#tpu.dimension_semantics<core_parallel>, #tpu.dimension_semantics<subcore_parallel>], iteration_bounds = array<i64: 2, 16>, scalar_prefetch = 0 : i64, scratch_operands = 17 : i64, tpu.core_type = #tpu.core_type<sc_vector_subcore>, window_params = [{transform_indices = #map}, {transform_indices = #map}, {transform_indices = #map}, {transform_indices = #map}, {transform_indices = #map}, {transform_indices = #map}, {transform_indices = #map}, {transform_indices = #map}, {transform_indices = #map}, {transform_indices = #map1}, {transform_indices = #map1}, {transform_indices = #map1}, {transform_indices = #map1}]} {
    %mul3A = arith.constant 2 : i32
    %mul3A_0 = arith.muli %arg1, %mul3A : i32
    %add3A = arith.addi %mul3A_0, %arg0 : i32
    %mul3A_1 = arith.constant 128 : i32
    %mul3A_2 = arith.muli %add3A, %mul3A_1 : i32
    "tpu.region"() ({
      %run_scoped3A = tpu.sem_alloc : memref<!tpu.dma_semaphore, #tpu.memory_space<semaphore_mem>>
      tpu.enqueue_dma source(%arg2 : memref<10048xf32, #tpu.memory_space<hbm>>) target(%arg15 : memref<10048xf32, #tpu.memory_space<vmem>>) target_semaphore(%run_scoped3A : memref<!tpu.dma_semaphore, #tpu.memory_space<semaphore_mem>>)
      tpu.wait_dma2 semaphore(%run_scoped3A : memref<!tpu.dma_semaphore, #tpu.memory_space<semaphore_mem>>) src(%arg2 : memref<10048xf32, #tpu.memory_space<hbm>>) dst(%arg15 : memref<10048xf32, #tpu.memory_space<vmem>>)
      tpu.yield
    }) : () -> ()
    "tpu.region"() ({
      %run_scoped3A = tpu.sem_alloc : memref<!tpu.dma_semaphore, #tpu.memory_space<semaphore_mem>>
      tpu.enqueue_dma source(%arg3 : memref<10048xf32, #tpu.memory_space<hbm>>) target(%arg16 : memref<10048xf32, #tpu.memory_space<vmem>>) target_semaphore(%run_scoped3A : memref<!tpu.dma_semaphore, #tpu.memory_space<semaphore_mem>>)
      tpu.wait_dma2 semaphore(%run_scoped3A : memref<!tpu.dma_semaphore, #tpu.memory_space<semaphore_mem>>) src(%arg3 : memref<10048xf32, #tpu.memory_space<hbm>>) dst(%arg16 : memref<10048xf32, #tpu.memory_space<vmem>>)
      tpu.yield
    }) : () -> ()
    "tpu.region"() ({
      %run_scoped3A = tpu.sem_alloc : memref<!tpu.dma_semaphore, #tpu.memory_space<semaphore_mem>>
      tpu.enqueue_dma source(%arg4 : memref<10048xf32, #tpu.memory_space<hbm>>) target(%arg17 : memref<10048xf32, #tpu.memory_space<vmem>>) target_semaphore(%run_scoped3A : memref<!tpu.dma_semaphore, #tpu.memory_space<semaphore_mem>>)
      tpu.wait_dma2 semaphore(%run_scoped3A : memref<!tpu.dma_semaphore, #tpu.memory_space<semaphore_mem>>) src(%arg4 : memref<10048xf32, #tpu.memory_space<hbm>>) dst(%arg17 : memref<10048xf32, #tpu.memory_space<vmem>>)
      tpu.yield
    }) : () -> ()
    "tpu.region"() ({
      %run_scoped3A = tpu.sem_alloc : memref<!tpu.dma_semaphore, #tpu.memory_space<semaphore_mem>>
      %dma_start3A = tpu.memref_slice %arg5[%mul3A_2] : memref<4096xf32, #tpu.memory_space<hbm>> -> memref<128xf32, #tpu.memory_space<hbm>>
      %dma_start3A_9 = tpu.memref_slice %arg5[%mul3A_2] : memref<4096xf32, #tpu.memory_space<hbm>> -> memref<128xf32, #tpu.memory_space<hbm>>
      tpu.enqueue_dma source(%dma_start3A_9 : memref<128xf32, #tpu.memory_space<hbm>>) target(%arg22 : memref<128xf32, #tpu.memory_space<vmem>>) target_semaphore(%run_scoped3A : memref<!tpu.dma_semaphore, #tpu.memory_space<semaphore_mem>>)
      %dma_wait3A = tpu.memref_slice %arg5[%mul3A_2] : memref<4096xf32, #tpu.memory_space<hbm>> -> memref<128xf32, #tpu.memory_space<hbm>>
      %dma_wait3A_10 = tpu.memref_slice %arg5[%mul3A_2] : memref<4096xf32, #tpu.memory_space<hbm>> -> memref<128xf32, #tpu.memory_space<hbm>>
      tpu.wait_dma2 semaphore(%run_scoped3A : memref<!tpu.dma_semaphore, #tpu.memory_space<semaphore_mem>>) src(%dma_wait3A_10 : memref<128xf32, #tpu.memory_space<hbm>>) dst(%arg22 : memref<128xf32, #tpu.memory_space<vmem>>)
      tpu.yield
    }) : () -> ()
    "tpu.region"() ({
      %run_scoped3A = tpu.sem_alloc : memref<!tpu.dma_semaphore, #tpu.memory_space<semaphore_mem>>
      %dma_start3A = tpu.memref_slice %arg6[%mul3A_2] : memref<4096xf32, #tpu.memory_space<hbm>> -> memref<128xf32, #tpu.memory_space<hbm>>
      %dma_start3A_9 = tpu.memref_slice %arg6[%mul3A_2] : memref<4096xf32, #tpu.memory_space<hbm>> -> memref<128xf32, #tpu.memory_space<hbm>>
      tpu.enqueue_dma source(%dma_start3A_9 : memref<128xf32, #tpu.memory_space<hbm>>) target(%arg23 : memref<128xf32, #tpu.memory_space<vmem>>) target_semaphore(%run_scoped3A : memref<!tpu.dma_semaphore, #tpu.memory_space<semaphore_mem>>)
      %dma_wait3A = tpu.memref_slice %arg6[%mul3A_2] : memref<4096xf32, #tpu.memory_space<hbm>> -> memref<128xf32, #tpu.memory_space<hbm>>
      %dma_wait3A_10 = tpu.memref_slice %arg6[%mul3A_2] : memref<4096xf32, #tpu.memory_space<hbm>> -> memref<128xf32, #tpu.memory_space<hbm>>
      tpu.wait_dma2 semaphore(%run_scoped3A : memref<!tpu.dma_semaphore, #tpu.memory_space<semaphore_mem>>) src(%dma_wait3A_10 : memref<128xf32, #tpu.memory_space<hbm>>) dst(%arg23 : memref<128xf32, #tpu.memory_space<vmem>>)
      tpu.yield
    }) : () -> ()
    "tpu.region"() ({
      %run_scoped3A = tpu.sem_alloc : memref<!tpu.dma_semaphore, #tpu.memory_space<semaphore_mem>>
      %dma_start3A = tpu.memref_slice %arg7[%mul3A_2] : memref<4096xf32, #tpu.memory_space<hbm>> -> memref<128xf32, #tpu.memory_space<hbm>>
      %dma_start3A_9 = tpu.memref_slice %arg7[%mul3A_2] : memref<4096xf32, #tpu.memory_space<hbm>> -> memref<128xf32, #tpu.memory_space<hbm>>
      tpu.enqueue_dma source(%dma_start3A_9 : memref<128xf32, #tpu.memory_space<hbm>>) target(%arg24 : memref<128xf32, #tpu.memory_space<vmem>>) target_semaphore(%run_scoped3A : memref<!tpu.dma_semaphore, #tpu.memory_space<semaphore_mem>>)
      %dma_wait3A = tpu.memref_slice %arg7[%mul3A_2] : memref<4096xf32, #tpu.memory_space<hbm>> -> memref<128xf32, #tpu.memory_space<hbm>>
      %dma_wait3A_10 = tpu.memref_slice %arg7[%mul3A_2] : memref<4096xf32, #tpu.memory_space<hbm>> -> memref<128xf32, #tpu.memory_space<hbm>>
      tpu.wait_dma2 semaphore(%run_scoped3A : memref<!tpu.dma_semaphore, #tpu.memory_space<semaphore_mem>>) src(%dma_wait3A_10 : memref<128xf32, #tpu.memory_space<hbm>>) dst(%arg24 : memref<128xf32, #tpu.memory_space<vmem>>)
      tpu.yield
    }) : () -> ()
    "tpu.region"() ({
      %run_scoped3A = tpu.sem_alloc : memref<!tpu.dma_semaphore, #tpu.memory_space<semaphore_mem>>
      %dma_start3A = tpu.memref_slice %arg8[%mul3A_2] : memref<4096xf32, #tpu.memory_space<hbm>> -> memref<128xf32, #tpu.memory_space<hbm>>
      %dma_start3A_9 = tpu.memref_slice %arg8[%mul3A_2] : memref<4096xf32, #tpu.memory_space<hbm>> -> memref<128xf32, #tpu.memory_space<hbm>>
      tpu.enqueue_dma source(%dma_start3A_9 : memref<128xf32, #tpu.memory_space<hbm>>) target(%arg25 : memref<128xf32, #tpu.memory_space<vmem>>) target_semaphore(%run_scoped3A : memref<!tpu.dma_semaphore, #tpu.memory_space<semaphore_mem>>)
      %dma_wait3A = tpu.memref_slice %arg8[%mul3A_2] : memref<4096xf32, #tpu.memory_space<hbm>> -> memref<128xf32, #tpu.memory_space<hbm>>
      %dma_wait3A_10 = tpu.memref_slice %arg8[%mul3A_2] : memref<4096xf32, #tpu.memory_space<hbm>> -> memref<128xf32, #tpu.memory_space<hbm>>
      tpu.wait_dma2 semaphore(%run_scoped3A : memref<!tpu.dma_semaphore, #tpu.memory_space<semaphore_mem>>) src(%dma_wait3A_10 : memref<128xf32, #tpu.memory_space<hbm>>) dst(%arg25 : memref<128xf32, #tpu.memory_space<vmem>>)
      tpu.yield
    }) : () -> ()
    "tpu.region"() ({
      %run_scoped3A = tpu.sem_alloc : memref<!tpu.dma_semaphore, #tpu.memory_space<semaphore_mem>>
      %dma_start3A = tpu.memref_slice %arg9[%mul3A_2] : memref<4096xf32, #tpu.memory_space<hbm>> -> memref<128xf32, #tpu.memory_space<hbm>>
      %dma_start3A_9 = tpu.memref_slice %arg9[%mul3A_2] : memref<4096xf32, #tpu.memory_space<hbm>> -> memref<128xf32, #tpu.memory_space<hbm>>
      tpu.enqueue_dma source(%dma_start3A_9 : memref<128xf32, #tpu.memory_space<hbm>>) target(%arg26 : memref<128xf32, #tpu.memory_space<vmem>>) target_semaphore(%run_scoped3A : memref<!tpu.dma_semaphore, #tpu.memory_space<semaphore_mem>>)
      %dma_wait3A = tpu.memref_slice %arg9[%mul3A_2] : memref<4096xf32, #tpu.memory_space<hbm>> -> memref<128xf32, #tpu.memory_space<hbm>>
      %dma_wait3A_10 = tpu.memref_slice %arg9[%mul3A_2] : memref<4096xf32, #tpu.memory_space<hbm>> -> memref<128xf32, #tpu.memory_space<hbm>>
      tpu.wait_dma2 semaphore(%run_scoped3A : memref<!tpu.dma_semaphore, #tpu.memory_space<semaphore_mem>>) src(%dma_wait3A_10 : memref<128xf32, #tpu.memory_space<hbm>>) dst(%arg26 : memref<128xf32, #tpu.memory_space<vmem>>)
      tpu.yield
    }) : () -> ()
    "tpu.region"() ({
      %run_scoped3A = tpu.sem_alloc : memref<!tpu.dma_semaphore, #tpu.memory_space<semaphore_mem>>
      %dma_start3A = tpu.memref_slice %arg10[%mul3A_2] : memref<4096xf32, #tpu.memory_space<hbm>> -> memref<128xf32, #tpu.memory_space<hbm>>
      %dma_start3A_9 = tpu.memref_slice %arg10[%mul3A_2] : memref<4096xf32, #tpu.memory_space<hbm>> -> memref<128xf32, #tpu.memory_space<hbm>>
      tpu.enqueue_dma source(%dma_start3A_9 : memref<128xf32, #tpu.memory_space<hbm>>) target(%arg27 : memref<128xf32, #tpu.memory_space<vmem>>) target_semaphore(%run_scoped3A : memref<!tpu.dma_semaphore, #tpu.memory_space<semaphore_mem>>)
      %dma_wait3A = tpu.memref_slice %arg10[%mul3A_2] : memref<4096xf32, #tpu.memory_space<hbm>> -> memref<128xf32, #tpu.memory_space<hbm>>
      %dma_wait3A_10 = tpu.memref_slice %arg10[%mul3A_2] : memref<4096xf32, #tpu.memory_space<hbm>> -> memref<128xf32, #tpu.memory_space<hbm>>
      tpu.wait_dma2 semaphore(%run_scoped3A : memref<!tpu.dma_semaphore, #tpu.memory_space<semaphore_mem>>) src(%dma_wait3A_10 : memref<128xf32, #tpu.memory_space<hbm>>) dst(%arg27 : memref<128xf32, #tpu.memory_space<vmem>>)
      tpu.yield
    }) : () -> ()
    %iota3A = tpu.iota {dimensions = array<i32: 0>} : vector<16xi32>
    %scan3A = arith.constant 0 : i32
    %scan3A_3 = arith.constant 0 : i32
    %scan3A_4 = arith.constant 16 : i32
    %scan3A_5 = arith.addi %scan3A_3, %scan3A_4 : i32
    %scan3A_6 = arith.constant 1 : i32
    %scan3A_7 = scf.for %scan3A_9 = %scan3A_3 to %scan3A_5 step %scan3A_6 iter_args(%scan3A_10 = %scan3A) -> (i32)  : i32 {
      %mul3A_11 = arith.constant 8 : i32
      %mul3A_12 = arith.muli %scan3A_9, %mul3A_11 : i32
      %broadcast_in_dim3A = vector.broadcast %mul3A_12 : i32 to vector<16xi32>
      %gather3A = tpu.vector_load_idx %arg25[%broadcast_in_dim3A] : memref<128xf32, #tpu.memory_space<vmem>>[vector<16xi32>], vector<16xf32>,
      %gather3A_13 = tpu.vector_load_idx %arg26[%broadcast_in_dim3A] : memref<128xf32, #tpu.memory_space<vmem>>[vector<16xi32>], vector<16xf32>,
      %gather3A_14 = tpu.vector_load_idx %arg27[%broadcast_in_dim3A] : memref<128xf32, #tpu.memory_space<vmem>>[vector<16xi32>], vector<16xf32>,
      %scan3A_15 = arith.constant 0 : i32
      %scan3A_16 = arith.constant 0 : i32
      %scan3A_17 = arith.constant 157 : i32
      %scan3A_18 = arith.addi %scan3A_16, %scan3A_17 : i32
      %scan3A_19 = arith.constant 1 : i32
      %scan3A_20 = scf.for %scan3A_45 = %scan3A_16 to %scan3A_18 step %scan3A_19 iter_args(%scan3A_46 = %scan3A_15) -> (i32)  : i32 {
        %mul3A_47 = arith.constant 64 : i32
        %mul3A_48 = arith.muli %scan3A_45, %mul3A_47 : i32
        %add3A_49 = arith.constant 0 : i32
        %add3A_50 = arith.addi %mul3A_48, %add3A_49 : i32
        %get3A = arith.index_cast %add3A_50 : i32 to index
        %get3A_51 = tpu.vector_load %arg15[%get3A] {strides = array<i32>} : memref<10048xf32, #tpu.memory_space<vmem>>, vector<16xf32>,
        %sub3A = arith.subf %get3A_51, %gather3A : vector<16xf32>
        %get3A_52 = arith.index_cast %add3A_50 : i32 to index
        %get3A_53 = tpu.vector_load %arg16[%get3A_52] {strides = array<i32>} : memref<10048xf32, #tpu.memory_space<vmem>>, vector<16xf32>,
        %sub3A_54 = arith.subf %get3A_53, %gather3A_13 : vector<16xf32>
        %get3A_55 = arith.index_cast %add3A_50 : i32 to index
        %get3A_56 = tpu.vector_load %arg17[%get3A_55] {strides = array<i32>} : memref<10048xf32, #tpu.memory_space<vmem>>, vector<16xf32>,
        %sub3A_57 = arith.subf %get3A_56, %gather3A_14 : vector<16xf32>
        %swap3A_58 = arith.index_cast %add3A_50 : i32 to index
        %swap3A_59 = tpu.vector_load %arg18[%swap3A_58] {strides = array<i32>} : memref<10048xf32, #tpu.memory_space<vmem>>, vector<16xf32>,
        tpu.vector_store %arg18[%swap3A_58], %sub3A {strides = array<i32>} : memref<10048xf32, #tpu.memory_space<vmem>>, vector<16xf32>,
        %swap3A_60 = arith.index_cast %add3A_50 : i32 to index
        %swap3A_61 = tpu.vector_load %arg19[%swap3A_60] {strides = array<i32>} : memref<10048xf32, #tpu.memory_space<vmem>>, vector<16xf32>,
        tpu.vector_store %arg19[%swap3A_60], %sub3A_54 {strides = array<i32>} : memref<10048xf32, #tpu.memory_space<vmem>>, vector<16xf32>,
        %swap3A_62 = arith.index_cast %add3A_50 : i32 to index
        %swap3A_63 = tpu.vector_load %arg20[%swap3A_62] {strides = array<i32>} : memref<10048xf32, #tpu.memory_space<vmem>>, vector<16xf32>,
        tpu.vector_store %arg20[%swap3A_62], %sub3A_57 {strides = array<i32>} : memref<10048xf32, #tpu.memory_space<vmem>>, vector<16xf32>,
        %mul3A_64 = arith.mulf %sub3A, %sub3A : vector<16xf32>
        %mul3A_65 = arith.mulf %sub3A_54, %sub3A_54 : vector<16xf32>
        %add3A_66 = arith.addf %mul3A_64, %mul3A_65 : vector<16xf32>
        %mul3A_67 = arith.mulf %sub3A_57, %sub3A_57 : vector<16xf32>
        %add3A_68 = arith.addf %add3A_66, %mul3A_67 : vector<16xf32>
        %swap3A_69 = arith.index_cast %add3A_50 : i32 to index
        %swap3A_70 = tpu.vector_load %arg21[%swap3A_69] {strides = array<i32>} : memref<10048xf32, #tpu.memory_space<vmem>>, vector<16xf32>,
        tpu.vector_store %arg21[%swap3A_69], %add3A_68 {strides = array<i32>} : memref<10048xf32, #tpu.memory_space<vmem>>, vector<16xf32>,
        %mul3A_71 = arith.constant 64 : i32
        %mul3A_72 = arith.muli %scan3A_45, %mul3A_71 : i32
        %add3A_73 = arith.constant 16 : i32
        %add3A_74 = arith.addi %mul3A_72, %add3A_73 : i32
        %get3A_75 = arith.index_cast %add3A_74 : i32 to index
        %get3A_76 = tpu.vector_load %arg15[%get3A_75] {strides = array<i32>} : memref<10048xf32, #tpu.memory_space<vmem>>, vector<16xf32>,
        %sub3A_77 = arith.subf %get3A_76, %gather3A : vector<16xf32>
        %get3A_78 = arith.index_cast %add3A_74 : i32 to index
        %get3A_79 = tpu.vector_load %arg16[%get3A_78] {strides = array<i32>} : memref<10048xf32, #tpu.memory_space<vmem>>, vector<16xf32>,
        %sub3A_80 = arith.subf %get3A_79, %gather3A_13 : vector<16xf32>
        %get3A_81 = arith.index_cast %add3A_74 : i32 to index
        %get3A_82 = tpu.vector_load %arg17[%get3A_81] {strides = array<i32>} : memref<10048xf32, #tpu.memory_space<vmem>>, vector<16xf32>,
        %sub3A_83 = arith.subf %get3A_82, %gather3A_14 : vector<16xf32>
        %swap3A_84 = arith.index_cast %add3A_74 : i32 to index
        %swap3A_85 = tpu.vector_load %arg18[%swap3A_84] {strides = array<i32>} : memref<10048xf32, #tpu.memory_space<vmem>>, vector<16xf32>,
        tpu.vector_store %arg18[%swap3A_84], %sub3A_77 {strides = array<i32>} : memref<10048xf32, #tpu.memory_space<vmem>>, vector<16xf32>,
        %swap3A_86 = arith.index_cast %add3A_74 : i32 to index
        %swap3A_87 = tpu.vector_load %arg19[%swap3A_86] {strides = array<i32>} : memref<10048xf32, #tpu.memory_space<vmem>>, vector<16xf32>,
        tpu.vector_store %arg19[%swap3A_86], %sub3A_80 {strides = array<i32>} : memref<10048xf32, #tpu.memory_space<vmem>>, vector<16xf32>,
        %swap3A_88 = arith.index_cast %add3A_74 : i32 to index
        %swap3A_89 = tpu.vector_load %arg20[%swap3A_88] {strides = array<i32>} : memref<10048xf32, #tpu.memory_space<vmem>>, vector<16xf32>,
        tpu.vector_store %arg20[%swap3A_88], %sub3A_83 {strides = array<i32>} : memref<10048xf32, #tpu.memory_space<vmem>>, vector<16xf32>,
        %mul3A_90 = arith.mulf %sub3A_77, %sub3A_77 : vector<16xf32>
        %mul3A_91 = arith.mulf %sub3A_80, %sub3A_80 : vector<16xf32>
        %add3A_92 = arith.addf %mul3A_90, %mul3A_91 : vector<16xf32>
        %mul3A_93 = arith.mulf %sub3A_83, %sub3A_83 : vector<16xf32>
        %add3A_94 = arith.addf %add3A_92, %mul3A_93 : vector<16xf32>
        %swap3A_95 = arith.index_cast %add3A_74 : i32 to index
        %swap3A_96 = tpu.vector_load %arg21[%swap3A_95] {strides = array<i32>} : memref<10048xf32, #tpu.memory_space<vmem>>, vector<16xf32>,
        tpu.vector_store %arg21[%swap3A_95], %add3A_94 {strides = array<i32>} : memref<10048xf32, #tpu.memory_space<vmem>>, vector<16xf32>,
        %mul3A_97 = arith.constant 64 : i32
        %mul3A_98 = arith.muli %scan3A_45, %mul3A_97 : i32
        %add3A_99 = arith.constant 32 : i32
        %add3A_100 = arith.addi %mul3A_98, %add3A_99 : i32
        %get3A_101 = arith.index_cast %add3A_100 : i32 to index
        %get3A_102 = tpu.vector_load %arg15[%get3A_101] {strides = array<i32>} : memref<10048xf32, #tpu.memory_space<vmem>>, vector<16xf32>,
        %sub3A_103 = arith.subf %get3A_102, %gather3A : vector<16xf32>
        %get3A_104 = arith.index_cast %add3A_100 : i32 to index
        %get3A_105 = tpu.vector_load %arg16[%get3A_104] {strides = array<i32>} : memref<10048xf32, #tpu.memory_space<vmem>>, vector<16xf32>,
        %sub3A_106 = arith.subf %get3A_105, %gather3A_13 : vector<16xf32>
        %get3A_107 = arith.index_cast %add3A_100 : i32 to index
        %get3A_108 = tpu.vector_load %arg17[%get3A_107] {strides = array<i32>} : memref<10048xf32, #tpu.memory_space<vmem>>, vector<16xf32>,
        %sub3A_109 = arith.subf %get3A_108, %gather3A_14 : vector<16xf32>
        %swap3A_110 = arith.index_cast %add3A_100 : i32 to index
        %swap3A_111 = tpu.vector_load %arg18[%swap3A_110] {strides = array<i32>} : memref<10048xf32, #tpu.memory_space<vmem>>, vector<16xf32>,
        tpu.vector_store %arg18[%swap3A_110], %sub3A_103 {strides = array<i32>} : memref<10048xf32, #tpu.memory_space<vmem>>, vector<16xf32>,
        %swap3A_112 = arith.index_cast %add3A_100 : i32 to index
        %swap3A_113 = tpu.vector_load %arg19[%swap3A_112] {strides = array<i32>} : memref<10048xf32, #tpu.memory_space<vmem>>, vector<16xf32>,
        tpu.vector_store %arg19[%swap3A_112], %sub3A_106 {strides = array<i32>} : memref<10048xf32, #tpu.memory_space<vmem>>, vector<16xf32>,
        %swap3A_114 = arith.index_cast %add3A_100 : i32 to index
        %swap3A_115 = tpu.vector_load %arg20[%swap3A_114] {strides = array<i32>} : memref<10048xf32, #tpu.memory_space<vmem>>, vector<16xf32>,
        tpu.vector_store %arg20[%swap3A_114], %sub3A_109 {strides = array<i32>} : memref<10048xf32, #tpu.memory_space<vmem>>, vector<16xf32>,
        %mul3A_116 = arith.mulf %sub3A_103, %sub3A_103 : vector<16xf32>
        %mul3A_117 = arith.mulf %sub3A_106, %sub3A_106 : vector<16xf32>
        %add3A_118 = arith.addf %mul3A_116, %mul3A_117 : vector<16xf32>
        %mul3A_119 = arith.mulf %sub3A_109, %sub3A_109 : vector<16xf32>
        %add3A_120 = arith.addf %add3A_118, %mul3A_119 : vector<16xf32>
        %swap3A_121 = arith.index_cast %add3A_100 : i32 to index
        %swap3A_122 = tpu.vector_load %arg21[%swap3A_121] {strides = array<i32>} : memref<10048xf32, #tpu.memory_space<vmem>>, vector<16xf32>,
        tpu.vector_store %arg21[%swap3A_121], %add3A_120 {strides = array<i32>} : memref<10048xf32, #tpu.memory_space<vmem>>, vector<16xf32>,
        %mul3A_123 = arith.constant 64 : i32
        %mul3A_124 = arith.muli %scan3A_45, %mul3A_123 : i32
        %add3A_125 = arith.constant 48 : i32
        %add3A_126 = arith.addi %mul3A_124, %add3A_125 : i32
        %get3A_127 = arith.index_cast %add3A_126 : i32 to index
        %get3A_128 = tpu.vector_load %arg15[%get3A_127] {strides = array<i32>} : memref<10048xf32, #tpu.memory_space<vmem>>, vector<16xf32>,
        %sub3A_129 = arith.subf %get3A_128, %gather3A : vector<16xf32>
        %get3A_130 = arith.index_cast %add3A_126 : i32 to index
        %get3A_131 = tpu.vector_load %arg16[%get3A_130] {strides = array<i32>} : memref<10048xf32, #tpu.memory_space<vmem>>, vector<16xf32>,
        %sub3A_132 = arith.subf %get3A_131, %gather3A_13 : vector<16xf32>
        %get3A_133 = arith.index_cast %add3A_126 : i32 to index
        %get3A_134 = tpu.vector_load %arg17[%get3A_133] {strides = array<i32>} : memref<10048xf32, #tpu.memory_space<vmem>>, vector<16xf32>,
        %sub3A_135 = arith.subf %get3A_134, %gather3A_14 : vector<16xf32>
        %swap3A_136 = arith.index_cast %add3A_126 : i32 to index
        %swap3A_137 = tpu.vector_load %arg18[%swap3A_136] {strides = array<i32>} : memref<10048xf32, #tpu.memory_space<vmem>>, vector<16xf32>,
        tpu.vector_store %arg18[%swap3A_136], %sub3A_129 {strides = array<i32>} : memref<10048xf32, #tpu.memory_space<vmem>>, vector<16xf32>,
        %swap3A_138 = arith.index_cast %add3A_126 : i32 to index
        %swap3A_139 = tpu.vector_load %arg19[%swap3A_138] {strides = array<i32>} : memref<10048xf32, #tpu.memory_space<vmem>>, vector<16xf32>,
        tpu.vector_store %arg19[%swap3A_138], %sub3A_132 {strides = array<i32>} : memref<10048xf32, #tpu.memory_space<vmem>>, vector<16xf32>,
        %swap3A_140 = arith.index_cast %add3A_126 : i32 to index
        %swap3A_141 = tpu.vector_load %arg20[%swap3A_140] {strides = array<i32>} : memref<10048xf32, #tpu.memory_space<vmem>>, vector<16xf32>,
        tpu.vector_store %arg20[%swap3A_140], %sub3A_135 {strides = array<i32>} : memref<10048xf32, #tpu.memory_space<vmem>>, vector<16xf32>,
        %mul3A_142 = arith.mulf %sub3A_129, %sub3A_129 : vector<16xf32>
        %mul3A_143 = arith.mulf %sub3A_132, %sub3A_132 : vector<16xf32>
        %add3A_144 = arith.addf %mul3A_142, %mul3A_143 : vector<16xf32>
        %mul3A_145 = arith.mulf %sub3A_135, %sub3A_135 : vector<16xf32>
        %add3A_146 = arith.addf %add3A_144, %mul3A_145 : vector<16xf32>
        %swap3A_147 = arith.index_cast %add3A_126 : i32 to index
        %swap3A_148 = tpu.vector_load %arg21[%swap3A_147] {strides = array<i32>} : memref<10048xf32, #tpu.memory_space<vmem>>, vector<16xf32>,
        tpu.vector_store %arg21[%swap3A_147], %add3A_146 {strides = array<i32>} : memref<10048xf32, #tpu.memory_space<vmem>>, vector<16xf32>,
        %scan3A_149 = arith.constant 0 : i32
        scf.yield %scan3A_149 : i32
      }
      %scan3A_21 = arith.constant 157 : i32
      %broadcast_in_dim3A_22 = arith.constant 1.000000e+30 : f32
      %broadcast_in_dim3A_23 = vector.broadcast %broadcast_in_dim3A_22 : f32 to vector<16xf32>
      %swap3A = arith.constant 10000 : index
      %swap3A_24 = tpu.vector_load %arg21[%swap3A] {strides = array<i32>} : memref<10048xf32, #tpu.memory_space<vmem>>, vector<16xf32>,
      tpu.vector_store %arg21[%swap3A], %broadcast_in_dim3A_23 {strides = array<i32>} : memref<10048xf32, #tpu.memory_space<vmem>>, vector<16xf32>,
      %broadcast_in_dim3A_25 = arith.constant 1.000000e+30 : f32
      %broadcast_in_dim3A_26 = vector.broadcast %broadcast_in_dim3A_25 : f32 to vector<16xf32>
      %swap3A_27 = arith.constant 10016 : index
      %swap3A_28 = tpu.vector_load %arg21[%swap3A_27] {strides = array<i32>} : memref<10048xf32, #tpu.memory_space<vmem>>, vector<16xf32>,
      tpu.vector_store %arg21[%swap3A_27], %broadcast_in_dim3A_26 {strides = array<i32>} : memref<10048xf32, #tpu.memory_space<vmem>>, vector<16xf32>,
      %broadcast_in_dim3A_29 = arith.constant 1.000000e+30 : f32
      %broadcast_in_dim3A_30 = vector.broadcast %broadcast_in_dim3A_29 : f32 to vector<16xf32>
      %swap3A_31 = arith.constant 10032 : index
      %swap3A_32 = tpu.vector_load %arg21[%swap3A_31] {strides = array<i32>} : memref<10048xf32, #tpu.memory_space<vmem>>, vector<16xf32>,
      tpu.vector_store %arg21[%swap3A_31], %broadcast_in_dim3A_30 {strides = array<i32>} : memref<10048xf32, #tpu.memory_space<vmem>>, vector<16xf32>,
      %scan3A_33 = arith.constant 0 : i32
      %scan3A_34 = arith.constant 0 : i32
      %scan3A_35 = arith.constant 8 : i32
      %scan3A_36 = arith.addi %scan3A_34, %scan3A_35 : i32
      %scan3A_37 = arith.constant 1 : i32
      %scan3A_38 = scf.for %scan3A_45 = %scan3A_34 to %scan3A_36 step %scan3A_37 iter_args(%scan3A_46 = %scan3A_33) -> (i32)  : i32 {
        %add3A_47 = arith.addi %mul3A_12, %scan3A_45 : i32
        %broadcast_in_dim3A_48 = vector.broadcast %add3A_47 : i32 to vector<16xi32>
        %gather3A_49 = tpu.vector_load_idx %arg22[%broadcast_in_dim3A_48] : memref<128xf32, #tpu.memory_space<vmem>>[vector<16xi32>], vector<16xf32>,
        %gather3A_50 = tpu.vector_load_idx %arg23[%broadcast_in_dim3A_48] : memref<128xf32, #tpu.memory_space<vmem>>[vector<16xi32>], vector<16xf32>,
        %gather3A_51 = tpu.vector_load_idx %arg24[%broadcast_in_dim3A_48] : memref<128xf32, #tpu.memory_space<vmem>>[vector<16xi32>], vector<16xf32>,
        %broadcast_in_dim3A_52 = arith.constant 3.000000e+38 : f32
        %broadcast_in_dim3A_53 = vector.broadcast %broadcast_in_dim3A_52 : f32 to vector<16xf32>
        %broadcast_in_dim3A_54 = arith.constant 0 : i32
        %broadcast_in_dim3A_55 = vector.broadcast %broadcast_in_dim3A_54 : i32 to vector<16xi32>
        %broadcast_in_dim3A_56 = arith.constant 3.000000e+38 : f32
        %broadcast_in_dim3A_57 = vector.broadcast %broadcast_in_dim3A_56 : f32 to vector<16xf32>
        %broadcast_in_dim3A_58 = arith.constant 0 : i32
        %broadcast_in_dim3A_59 = vector.broadcast %broadcast_in_dim3A_58 : i32 to vector<16xi32>
        %convert_element_type3A = arith.sitofp %iota3A : vector<16xi32> to vector<16xf32>
        %add3A_60 = arith.constant 0x49800000 : f32
        %add3A_61 = vector.broadcast %add3A_60 : f32 to vector<16xf32>
        %add3A_62 = arith.addf %add3A_61, %convert_element_type3A : vector<16xf32>
        %scan3A_63 = arith.constant 0 : i32
        %scan3A_64 = arith.constant 157 : i32
        %scan3A_65 = arith.addi %scan3A_63, %scan3A_64 : i32
        %scan3A_66 = arith.constant 1 : i32
        %scan3A_67:6 = scf.for %scan3A_100 = %scan3A_63 to %scan3A_65 step %scan3A_66 iter_args(%scan3A_101 = %broadcast_in_dim3A_53, %scan3A_102 = %broadcast_in_dim3A_55, %scan3A_103 = %broadcast_in_dim3A_57, %scan3A_104 = %broadcast_in_dim3A_59, %scan3A_105 = %iota3A, %scan3A_106 = %add3A_62) -> (vector<16xf32>, vector<16xi32>, vector<16xf32>, vector<16xi32>, vector<16xi32>, vector<16xf32>)  : i32 {
          %mul3A_107 = arith.constant 64 : i32
          %mul3A_108 = arith.muli %scan3A_100, %mul3A_107 : i32
          %add3A_109 = arith.constant 0 : i32
          %add3A_110 = arith.addi %mul3A_108, %add3A_109 : i32
          %add3A_111 = arith.constant 0 : i32
          %add3A_112 = vector.broadcast %add3A_111 : i32 to vector<16xi32>
          %add3A_113 = arith.addi %scan3A_105, %add3A_112 : vector<16xi32>
          %add3A_114 = arith.constant 0.000000e+00 : f32
          %add3A_115 = vector.broadcast %add3A_114 : f32 to vector<16xf32>
          %add3A_116 = arith.addf %scan3A_106, %add3A_115 : vector<16xf32>
          %get3A = arith.index_cast %add3A_110 : i32 to index
          %get3A_117 = tpu.vector_load %arg18[%get3A] {strides = array<i32>} : memref<10048xf32, #tpu.memory_space<vmem>>, vector<16xf32>,
          %get3A_118 = arith.index_cast %add3A_110 : i32 to index
          %get3A_119 = tpu.vector_load %arg19[%get3A_118] {strides = array<i32>} : memref<10048xf32, #tpu.memory_space<vmem>>, vector<16xf32>,
          %get3A_120 = arith.index_cast %add3A_110 : i32 to index
          %get3A_121 = tpu.vector_load %arg20[%get3A_120] {strides = array<i32>} : memref<10048xf32, #tpu.memory_space<vmem>>, vector<16xf32>,
          %get3A_122 = arith.index_cast %add3A_110 : i32 to index
          %get3A_123 = tpu.vector_load %arg21[%get3A_122] {strides = array<i32>} : memref<10048xf32, #tpu.memory_space<vmem>>, vector<16xf32>,
          %mul3A_124 = arith.mulf %gather3A_49, %get3A_117 : vector<16xf32>
          %mul3A_125 = arith.mulf %gather3A_50, %get3A_119 : vector<16xf32>
          %add3A_126 = arith.addf %mul3A_124, %mul3A_125 : vector<16xf32>
          %mul3A_127 = arith.mulf %gather3A_51, %get3A_121 : vector<16xf32>
          %add3A_128 = arith.addf %add3A_126, %mul3A_127 : vector<16xf32>
          %mul3A_129 = arith.mulf %add3A_128, %add3A_128 : vector<16xf32>
          %sub3A = arith.subf %get3A_123, %mul3A_129 : vector<16xf32>
          %ge3A = arith.constant 0.000000e+00 : f32
          %ge3A_130 = vector.broadcast %ge3A : f32 to vector<16xf32>
          %ge3A_131 = arith.cmpf oge, %add3A_128, %ge3A_130 : vector<16xf32>
          %mul3A_132 = arith.constant 0.749948502 : f32
          %mul3A_133 = vector.broadcast %mul3A_132 : f32 to vector<16xf32>
          %mul3A_134 = arith.mulf %mul3A_133, %get3A_123 : vector<16xf32>
          %ge3A_135 = arith.cmpf oge, %mul3A_129, %mul3A_134 : vector<16xf32>
          %and3A = arith.andi %ge3A_131, %ge3A_135 : vector<16xi1>
          %select_n3A = arith.select %and3A, %sub3A, %add3A_116 : vector<16xi1>, vector<16xf32>
          %masked_sort3A = arith.constant dense<true> : vector<16xi1>
          %masked_sort3A_136, %masked_sort3A_137, %masked_sort3A_138 = tpu.sort %select_n3A, %add3A_113 masked %masked_sort3A : (vector<16xf32>, vector<16xi32>, vector<16xi1>) -> (vector<16xi1>, vector<16xf32>, vector<16xi32>)
          %add3A_139 = arith.constant 16 : i32
          %add3A_140 = arith.addi %mul3A_108, %add3A_139 : i32
          %add3A_141 = arith.constant 16 : i32
          %add3A_142 = vector.broadcast %add3A_141 : i32 to vector<16xi32>
          %add3A_143 = arith.addi %scan3A_105, %add3A_142 : vector<16xi32>
          %add3A_144 = arith.constant 1.600000e+01 : f32
          %add3A_145 = vector.broadcast %add3A_144 : f32 to vector<16xf32>
          %add3A_146 = arith.addf %scan3A_106, %add3A_145 : vector<16xf32>
          %get3A_147 = arith.index_cast %add3A_140 : i32 to index
          %get3A_148 = tpu.vector_load %arg18[%get3A_147] {strides = array<i32>} : memref<10048xf32, #tpu.memory_space<vmem>>, vector<16xf32>,
          %get3A_149 = arith.index_cast %add3A_140 : i32 to index
          %get3A_150 = tpu.vector_load %arg19[%get3A_149] {strides = array<i32>} : memref<10048xf32, #tpu.memory_space<vmem>>, vector<16xf32>,
          %get3A_151 = arith.index_cast %add3A_140 : i32 to index
          %get3A_152 = tpu.vector_load %arg20[%get3A_151] {strides = array<i32>} : memref<10048xf32, #tpu.memory_space<vmem>>, vector<16xf32>,
          %get3A_153 = arith.index_cast %add3A_140 : i32 to index
          %get3A_154 = tpu.vector_load %arg21[%get3A_153] {strides = array<i32>} : memref<10048xf32, #tpu.memory_space<vmem>>, vector<16xf32>,
          %mul3A_155 = arith.mulf %gather3A_49, %get3A_148 : vector<16xf32>
          %mul3A_156 = arith.mulf %gather3A_50, %get3A_150 : vector<16xf32>
          %add3A_157 = arith.addf %mul3A_155, %mul3A_156 : vector<16xf32>
          %mul3A_158 = arith.mulf %gather3A_51, %get3A_152 : vector<16xf32>
          %add3A_159 = arith.addf %add3A_157, %mul3A_158 : vector<16xf32>
          %mul3A_160 = arith.mulf %add3A_159, %add3A_159 : vector<16xf32>
          %sub3A_161 = arith.subf %get3A_154, %mul3A_160 : vector<16xf32>
          %ge3A_162 = arith.constant 0.000000e+00 : f32
          %ge3A_163 = vector.broadcast %ge3A_162 : f32 to vector<16xf32>
          %ge3A_164 = arith.cmpf oge, %add3A_159, %ge3A_163 : vector<16xf32>
          %mul3A_165 = arith.constant 0.749948502 : f32
          %mul3A_166 = vector.broadcast %mul3A_165 : f32 to vector<16xf32>
          %mul3A_167 = arith.mulf %mul3A_166, %get3A_154 : vector<16xf32>
          %ge3A_168 = arith.cmpf oge, %mul3A_160, %mul3A_167 : vector<16xf32>
          %and3A_169 = arith.andi %ge3A_164, %ge3A_168 : vector<16xi1>
          %select_n3A_170 = arith.select %and3A_169, %sub3A_161, %add3A_146 : vector<16xi1>, vector<16xf32>
          %masked_sort3A_171 = arith.constant dense<true> : vector<16xi1>
          %masked_sort3A_172, %masked_sort3A_173, %masked_sort3A_174 = tpu.sort %select_n3A_170, %add3A_143 masked %masked_sort3A_171 : (vector<16xf32>, vector<16xi32>, vector<16xi1>) -> (vector<16xi1>, vector<16xf32>, vector<16xi32>)
          %add3A_175 = arith.constant 32 : i32
          %add3A_176 = arith.addi %mul3A_108, %add3A_175 : i32
          %add3A_177 = arith.constant 32 : i32
          %add3A_178 = vector.broadcast %add3A_177 : i32 to vector<16xi32>
          %add3A_179 = arith.addi %scan3A_105, %add3A_178 : vector<16xi32>
          %add3A_180 = arith.constant 3.200000e+01 : f32
          %add3A_181 = vector.broadcast %add3A_180 : f32 to vector<16xf32>
          %add3A_182 = arith.addf %scan3A_106, %add3A_181 : vector<16xf32>
          %get3A_183 = arith.index_cast %add3A_176 : i32 to index
          %get3A_184 = tpu.vector_load %arg18[%get3A_183] {strides = array<i32>} : memref<10048xf32, #tpu.memory_space<vmem>>, vector<16xf32>,
          %get3A_185 = arith.index_cast %add3A_176 : i32 to index
          %get3A_186 = tpu.vector_load %arg19[%get3A_185] {strides = array<i32>} : memref<10048xf32, #tpu.memory_space<vmem>>, vector<16xf32>,
          %get3A_187 = arith.index_cast %add3A_176 : i32 to index
          %get3A_188 = tpu.vector_load %arg20[%get3A_187] {strides = array<i32>} : memref<10048xf32, #tpu.memory_space<vmem>>, vector<16xf32>,
          %get3A_189 = arith.index_cast %add3A_176 : i32 to index
          %get3A_190 = tpu.vector_load %arg21[%get3A_189] {strides = array<i32>} : memref<10048xf32, #tpu.memory_space<vmem>>, vector<16xf32>,
          %mul3A_191 = arith.mulf %gather3A_49, %get3A_184 : vector<16xf32>
          %mul3A_192 = arith.mulf %gather3A_50, %get3A_186 : vector<16xf32>
          %add3A_193 = arith.addf %mul3A_191, %mul3A_192 : vector<16xf32>
          %mul3A_194 = arith.mulf %gather3A_51, %get3A_188 : vector<16xf32>
          %add3A_195 = arith.addf %add3A_193, %mul3A_194 : vector<16xf32>
          %mul3A_196 = arith.mulf %add3A_195, %add3A_195 : vector<16xf32>
          %sub3A_197 = arith.subf %get3A_190, %mul3A_196 : vector<16xf32>
          %ge3A_198 = arith.constant 0.000000e+00 : f32
          %ge3A_199 = vector.broadcast %ge3A_198 : f32 to vector<16xf32>
          %ge3A_200 = arith.cmpf oge, %add3A_195, %ge3A_199 : vector<16xf32>
          %mul3A_201 = arith.constant 0.749948502 : f32
          %mul3A_202 = vector.broadcast %mul3A_201 : f32 to vector<16xf32>
          %mul3A_203 = arith.mulf %mul3A_202, %get3A_190 : vector<16xf32>
          %ge3A_204 = arith.cmpf oge, %mul3A_196, %mul3A_203 : vector<16xf32>
          %and3A_205 = arith.andi %ge3A_200, %ge3A_204 : vector<16xi1>
          %select_n3A_206 = arith.select %and3A_205, %sub3A_197, %add3A_182 : vector<16xi1>, vector<16xf32>
          %masked_sort3A_207 = arith.constant dense<true> : vector<16xi1>
          %masked_sort3A_208, %masked_sort3A_209, %masked_sort3A_210 = tpu.sort %select_n3A_206, %add3A_179 masked %masked_sort3A_207 : (vector<16xf32>, vector<16xi32>, vector<16xi1>) -> (vector<16xi1>, vector<16xf32>, vector<16xi32>)
          %add3A_211 = arith.constant 48 : i32
          %add3A_212 = arith.addi %mul3A_108, %add3A_211 : i32
          %add3A_213 = arith.constant 48 : i32
          %add3A_214 = vector.broadcast %add3A_213 : i32 to vector<16xi32>
          %add3A_215 = arith.addi %scan3A_105, %add3A_214 : vector<16xi32>
          %add3A_216 = arith.constant 4.800000e+01 : f32
          %add3A_217 = vector.broadcast %add3A_216 : f32 to vector<16xf32>
          %add3A_218 = arith.addf %scan3A_106, %add3A_217 : vector<16xf32>
          %get3A_219 = arith.index_cast %add3A_212 : i32 to index
          %get3A_220 = tpu.vector_load %arg18[%get3A_219] {strides = array<i32>} : memref<10048xf32, #tpu.memory_space<vmem>>, vector<16xf32>,
          %get3A_221 = arith.index_cast %add3A_212 : i32 to index
          %get3A_222 = tpu.vector_load %arg19[%get3A_221] {strides = array<i32>} : memref<10048xf32, #tpu.memory_space<vmem>>, vector<16xf32>,
          %get3A_223 = arith.index_cast %add3A_212 : i32 to index
          %get3A_224 = tpu.vector_load %arg20[%get3A_223] {strides = array<i32>} : memref<10048xf32, #tpu.memory_space<vmem>>, vector<16xf32>,
          %get3A_225 = arith.index_cast %add3A_212 : i32 to index
          %get3A_226 = tpu.vector_load %arg21[%get3A_225] {strides = array<i32>} : memref<10048xf32, #tpu.memory_space<vmem>>, vector<16xf32>,
          %mul3A_227 = arith.mulf %gather3A_49, %get3A_220 : vector<16xf32>
          %mul3A_228 = arith.mulf %gather3A_50, %get3A_222 : vector<16xf32>
          %add3A_229 = arith.addf %mul3A_227, %mul3A_228 : vector<16xf32>
          %mul3A_230 = arith.mulf %gather3A_51, %get3A_224 : vector<16xf32>
          %add3A_231 = arith.addf %add3A_229, %mul3A_230 : vector<16xf32>
          %mul3A_232 = arith.mulf %add3A_231, %add3A_231 : vector<16xf32>
          %sub3A_233 = arith.subf %get3A_226, %mul3A_232 : vector<16xf32>
          %ge3A_234 = arith.constant 0.000000e+00 : f32
          %ge3A_235 = vector.broadcast %ge3A_234 : f32 to vector<16xf32>
          %ge3A_236 = arith.cmpf oge, %add3A_231, %ge3A_235 : vector<16xf32>
          %mul3A_237 = arith.constant 0.749948502 : f32
          %mul3A_238 = vector.broadcast %mul3A_237 : f32 to vector<16xf32>
          %mul3A_239 = arith.mulf %mul3A_238, %get3A_226 : vector<16xf32>
          %ge3A_240 = arith.cmpf oge, %mul3A_232, %mul3A_239 : vector<16xf32>
          %and3A_241 = arith.andi %ge3A_236, %ge3A_240 : vector<16xi1>
          %select_n3A_242 = arith.select %and3A_241, %sub3A_233, %add3A_218 : vector<16xi1>, vector<16xf32>
          %masked_sort3A_243 = arith.constant dense<true> : vector<16xi1>
          %masked_sort3A_244, %masked_sort3A_245, %masked_sort3A_246 = tpu.sort %select_n3A_242, %add3A_215 masked %masked_sort3A_243 : (vector<16xf32>, vector<16xi32>, vector<16xi1>) -> (vector<16xi1>, vector<16xf32>, vector<16xi32>)
          %rev3A = arith.constant 15 : i32
          %rev3A_247 = vector.broadcast %rev3A : i32 to vector<16xi32>
          %rev3A_248 = tpu.iota {dimensions = array<i32: 0>} : vector<16xi32>
          %rev3A_249 = arith.subi %rev3A_247, %rev3A_248 : vector<16xi32>
          %rev3A_250 = tpu.dynamic_gather %masked_sort3A_173[%rev3A_249] in [0] : vector<16xf32>, vector<16xi32> -> vector<16xf32>
          %rev3A_251 = arith.constant 15 : i32
          %rev3A_252 = vector.broadcast %rev3A_251 : i32 to vector<16xi32>
          %rev3A_253 = tpu.iota {dimensions = array<i32: 0>} : vector<16xi32>
          %rev3A_254 = arith.subi %rev3A_252, %rev3A_253 : vector<16xi32>
          %rev3A_255 = tpu.dynamic_gather %masked_sort3A_174[%rev3A_254] in [0] : vector<16xi32>, vector<16xi32> -> vector<16xi32>
          %lt3A = arith.cmpf olt, %masked_sort3A_137, %rev3A_250 : vector<16xf32>
          %select_n3A_256 = arith.select %lt3A, %masked_sort3A_137, %rev3A_250 : vector<16xi1>, vector<16xf32>
          %select_n3A_257 = arith.select %lt3A, %masked_sort3A_138, %rev3A_255 : vector<16xi1>, vector<16xi32>
          %select_n3A_258 = arith.select %lt3A, %rev3A_250, %masked_sort3A_137 : vector<16xi1>, vector<16xf32>
          %select_n3A_259 = arith.select %lt3A, %rev3A_255, %masked_sort3A_138 : vector<16xi1>, vector<16xi32>
          %rev3A_260 = arith.constant 15 : i32
          %rev3A_261 = vector.broadcast %rev3A_260 : i32 to vector<16xi32>
          %rev3A_262 = tpu.iota {dimensions = array<i32: 0>} : vector<16xi32>
          %rev3A_263 = arith.subi %rev3A_261, %rev3A_262 : vector<16xi32>
          %rev3A_264 = tpu.dynamic_gather %masked_sort3A_245[%rev3A_263] in [0] : vector<16xf32>, vector<16xi32> -> vector<16xf32>
          %rev3A_265 = arith.constant 15 : i32
          %rev3A_266 = vector.broadcast %rev3A_265 : i32 to vector<16xi32>
          %rev3A_267 = tpu.iota {dimensions = array<i32: 0>} : vector<16xi32>
          %rev3A_268 = arith.subi %rev3A_266, %rev3A_267 : vector<16xi32>
          %rev3A_269 = tpu.dynamic_gather %masked_sort3A_246[%rev3A_268] in [0] : vector<16xi32>, vector<16xi32> -> vector<16xi32>
          %lt3A_270 = arith.cmpf olt, %masked_sort3A_209, %rev3A_264 : vector<16xf32>
          %select_n3A_271 = arith.select %lt3A_270, %masked_sort3A_209, %rev3A_264 : vector<16xi1>, vector<16xf32>
          %select_n3A_272 = arith.select %lt3A_270, %masked_sort3A_210, %rev3A_269 : vector<16xi1>, vector<16xi32>
          %select_n3A_273 = arith.select %lt3A_270, %rev3A_264, %masked_sort3A_209 : vector<16xi1>, vector<16xf32>
          %select_n3A_274 = arith.select %lt3A_270, %rev3A_269, %masked_sort3A_210 : vector<16xi1>, vector<16xi32>
          %masked_sort3A_275 = arith.constant dense<true> : vector<16xi1>
          %masked_sort3A_276, %masked_sort3A_277, %masked_sort3A_278 = tpu.sort %select_n3A_256, %select_n3A_257 masked %masked_sort3A_275 : (vector<16xf32>, vector<16xi32>, vector<16xi1>) -> (vector<16xi1>, vector<16xf32>, vector<16xi32>)
          %masked_sort3A_279 = arith.constant dense<true> : vector<16xi1>
          %masked_sort3A_280, %masked_sort3A_281, %masked_sort3A_282 = tpu.sort %select_n3A_271, %select_n3A_272 masked %masked_sort3A_279 : (vector<16xf32>, vector<16xi32>, vector<16xi1>) -> (vector<16xi1>, vector<16xf32>, vector<16xi32>)
          %rev3A_283 = arith.constant 15 : i32
          %rev3A_284 = vector.broadcast %rev3A_283 : i32 to vector<16xi32>
          %rev3A_285 = tpu.iota {dimensions = array<i32: 0>} : vector<16xi32>
          %rev3A_286 = arith.subi %rev3A_284, %rev3A_285 : vector<16xi32>
          %rev3A_287 = tpu.dynamic_gather %masked_sort3A_281[%rev3A_286] in [0] : vector<16xf32>, vector<16xi32> -> vector<16xf32>
          %rev3A_288 = arith.constant 15 : i32
          %rev3A_289 = vector.broadcast %rev3A_288 : i32 to vector<16xi32>
          %rev3A_290 = tpu.iota {dimensions = array<i32: 0>} : vector<16xi32>
          %rev3A_291 = arith.subi %rev3A_289, %rev3A_290 : vector<16xi32>
          %rev3A_292 = tpu.dynamic_gather %masked_sort3A_282[%rev3A_291] in [0] : vector<16xi32>, vector<16xi32> -> vector<16xi32>
          %lt3A_293 = arith.cmpf olt, %masked_sort3A_277, %rev3A_287 : vector<16xf32>
          %select_n3A_294 = arith.select %lt3A_293, %masked_sort3A_277, %rev3A_287 : vector<16xi1>, vector<16xf32>
          %select_n3A_295 = arith.select %lt3A_293, %masked_sort3A_278, %rev3A_292 : vector<16xi1>, vector<16xi32>
          %select_n3A_296 = arith.select %lt3A_293, %rev3A_287, %masked_sort3A_277 : vector<16xi1>, vector<16xf32>
          %select_n3A_297 = arith.select %lt3A_293, %rev3A_292, %masked_sort3A_278 : vector<16xi1>, vector<16xi32>
          %masked_sort3A_298 = arith.constant dense<true> : vector<16xi1>
          %masked_sort3A_299, %masked_sort3A_300, %masked_sort3A_301 = tpu.sort %select_n3A_294, %select_n3A_295 masked %masked_sort3A_298 : (vector<16xf32>, vector<16xi32>, vector<16xi1>) -> (vector<16xi1>, vector<16xf32>, vector<16xi32>)
          %rev3A_302 = arith.constant 15 : i32
          %rev3A_303 = vector.broadcast %rev3A_302 : i32 to vector<16xi32>
          %rev3A_304 = tpu.iota {dimensions = array<i32: 0>} : vector<16xi32>
          %rev3A_305 = arith.subi %rev3A_303, %rev3A_304 : vector<16xi32>
          %rev3A_306 = tpu.dynamic_gather %scan3A_101[%rev3A_305] in [0] : vector<16xf32>, vector<16xi32> -> vector<16xf32>
          %rev3A_307 = arith.constant 15 : i32
          %rev3A_308 = vector.broadcast %rev3A_307 : i32 to vector<16xi32>
          %rev3A_309 = tpu.iota {dimensions = array<i32: 0>} : vector<16xi32>
          %rev3A_310 = arith.subi %rev3A_308, %rev3A_309 : vector<16xi32>
          %rev3A_311 = tpu.dynamic_gather %scan3A_102[%rev3A_310] in [0] : vector<16xi32>, vector<16xi32> -> vector<16xi32>
          %lt3A_312 = arith.cmpf olt, %masked_sort3A_300, %rev3A_306 : vector<16xf32>
          %select_n3A_313 = arith.select %lt3A_312, %masked_sort3A_300, %rev3A_306 : vector<16xi1>, vector<16xf32>
          %select_n3A_314 = arith.select %lt3A_312, %masked_sort3A_301, %rev3A_311 : vector<16xi1>, vector<16xi32>
          %select_n3A_315 = arith.select %lt3A_312, %rev3A_306, %masked_sort3A_300 : vector<16xi1>, vector<16xf32>
          %select_n3A_316 = arith.select %lt3A_312, %rev3A_311, %masked_sort3A_301 : vector<16xi1>, vector<16xi32>
          %masked_sort3A_317 = arith.constant dense<true> : vector<16xi1>
          %masked_sort3A_318, %masked_sort3A_319, %masked_sort3A_320 = tpu.sort %select_n3A_313, %select_n3A_314 masked %masked_sort3A_317 : (vector<16xf32>, vector<16xi32>, vector<16xi1>) -> (vector<16xi1>, vector<16xf32>, vector<16xi32>)
          %masked_sort3A_321 = arith.constant dense<true> : vector<16xi1>
          %masked_sort3A_322, %masked_sort3A_323, %masked_sort3A_324 = tpu.sort %select_n3A_315, %select_n3A_316 masked %masked_sort3A_321 : (vector<16xf32>, vector<16xi32>, vector<16xi1>) -> (vector<16xi1>, vector<16xf32>, vector<16xi32>)
          %rev3A_325 = arith.constant 15 : i32
          %rev3A_326 = vector.broadcast %rev3A_325 : i32 to vector<16xi32>
          %rev3A_327 = tpu.iota {dimensions = array<i32: 0>} : vector<16xi32>
          %rev3A_328 = arith.subi %rev3A_326, %rev3A_327 : vector<16xi32>
          %rev3A_329 = tpu.dynamic_gather %scan3A_103[%rev3A_328] in [0] : vector<16xf32>, vector<16xi32> -> vector<16xf32>
          %rev3A_330 = arith.constant 15 : i32
          %rev3A_331 = vector.broadcast %rev3A_330 : i32 to vector<16xi32>
          %rev3A_332 = tpu.iota {dimensions = array<i32: 0>} : vector<16xi32>
          %rev3A_333 = arith.subi %rev3A_331, %rev3A_332 : vector<16xi32>
          %rev3A_334 = tpu.dynamic_gather %scan3A_104[%rev3A_333] in [0] : vector<16xi32>, vector<16xi32> -> vector<16xi32>
          %lt3A_335 = arith.cmpf olt, %masked_sort3A_323, %rev3A_329 : vector<16xf32>
          %select_n3A_336 = arith.select %lt3A_335, %masked_sort3A_323, %rev3A_329 : vector<16xi1>, vector<16xf32>
          %select_n3A_337 = arith.select %lt3A_335, %masked_sort3A_324, %rev3A_334 : vector<16xi1>, vector<16xi32>
          %select_n3A_338 = arith.select %lt3A_335, %rev3A_329, %masked_sort3A_323 : vector<16xi1>, vector<16xf32>
          %select_n3A_339 = arith.select %lt3A_335, %rev3A_334, %masked_sort3A_324 : vector<16xi1>, vector<16xi32>
          %masked_sort3A_340 = arith.constant dense<true> : vector<16xi1>
          %masked_sort3A_341, %masked_sort3A_342, %masked_sort3A_343 = tpu.sort %select_n3A_336, %select_n3A_337 masked %masked_sort3A_340 : (vector<16xf32>, vector<16xi32>, vector<16xi1>) -> (vector<16xi1>, vector<16xf32>, vector<16xi32>)
          %add3A_344 = arith.constant 64 : i32
          %add3A_345 = vector.broadcast %add3A_344 : i32 to vector<16xi32>
          %add3A_346 = arith.addi %scan3A_105, %add3A_345 : vector<16xi32>
          %add3A_347 = arith.constant 6.400000e+01 : f32
          %add3A_348 = vector.broadcast %add3A_347 : f32 to vector<16xf32>
          %add3A_349 = arith.addf %scan3A_106, %add3A_348 : vector<16xf32>
          scf.yield %masked_sort3A_319, %masked_sort3A_320, %masked_sort3A_342, %masked_sort3A_343, %add3A_346, %add3A_349 : vector<16xf32>, vector<16xi32>, vector<16xf32>, vector<16xi32>, vector<16xi32>, vector<16xf32>
        }
        %scan3A_68 = arith.constant 157 : i32
        %swap3A_69 = arith.index_cast %scan3A_45 : i32 to index
        %swap3A_70 = arith.constant 0 : index
        %swap3A_71 = tpu.vector_load %arg28[%swap3A_69, %swap3A_70] {strides = array<i32>} : memref<8x32xi32, #tpu.memory_space<vmem>>, vector<16xi32>,
        tpu.vector_store %arg28[%swap3A_69, %swap3A_70], %scan3A_67#1 {strides = array<i32>} : memref<8x32xi32, #tpu.memory_space<vmem>>, vector<16xi32>,
        %gather3A_72 = tpu.vector_load_idx %arg15[%scan3A_67#1] : memref<10048xf32, #tpu.memory_space<vmem>>[vector<16xi32>], vector<16xf32>,
        %swap3A_73 = arith.index_cast %scan3A_45 : i32 to index
        %swap3A_74 = arith.constant 0 : index
        %swap3A_75 = tpu.vector_load %arg29[%swap3A_73, %swap3A_74] {strides = array<i32>} : memref<8x32xf32, #tpu.memory_space<vmem>>, vector<16xf32>,
        tpu.vector_store %arg29[%swap3A_73, %swap3A_74], %gather3A_72 {strides = array<i32>} : memref<8x32xf32, #tpu.memory_space<vmem>>, vector<16xf32>,
        %gather3A_76 = tpu.vector_load_idx %arg16[%scan3A_67#1] : memref<10048xf32, #tpu.memory_space<vmem>>[vector<16xi32>], vector<16xf32>,
        %swap3A_77 = arith.index_cast %scan3A_45 : i32 to index
        %swap3A_78 = arith.constant 0 : index
        %swap3A_79 = tpu.vector_load %arg30[%swap3A_77, %swap3A_78] {strides = array<i32>} : memref<8x32xf32, #tpu.memory_space<vmem>>, vector<16xf32>,
        tpu.vector_store %arg30[%swap3A_77, %swap3A_78], %gather3A_76 {strides = array<i32>} : memref<8x32xf32, #tpu.memory_space<vmem>>, vector<16xf32>,
        %gather3A_80 = tpu.vector_load_idx %arg17[%scan3A_67#1] : memref<10048xf32, #tpu.memory_space<vmem>>[vector<16xi32>], vector<16xf32>,
        %swap3A_81 = arith.index_cast %scan3A_45 : i32 to index
        %swap3A_82 = arith.constant 0 : index
        %swap3A_83 = tpu.vector_load %arg31[%swap3A_81, %swap3A_82] {strides = array<i32>} : memref<8x32xf32, #tpu.memory_space<vmem>>, vector<16xf32>,
        tpu.vector_store %arg31[%swap3A_81, %swap3A_82], %gather3A_80 {strides = array<i32>} : memref<8x32xf32, #tpu.memory_space<vmem>>, vector<16xf32>,
        %swap3A_84 = arith.index_cast %scan3A_45 : i32 to index
        %swap3A_85 = arith.constant 16 : index
        %swap3A_86 = tpu.vector_load %arg28[%swap3A_84, %swap3A_85] {strides = array<i32>} : memref<8x32xi32, #tpu.memory_space<vmem>>, vector<16xi32>,
        tpu.vector_store %arg28[%swap3A_84, %swap3A_85], %scan3A_67#3 {strides = array<i32>} : memref<8x32xi32, #tpu.memory_space<vmem>>, vector<16xi32>,
        %gather3A_87 = tpu.vector_load_idx %arg15[%scan3A_67#3] : memref<10048xf32, #tpu.memory_space<vmem>>[vector<16xi32>], vector<16xf32>,
        %swap3A_88 = arith.index_cast %scan3A_45 : i32 to index
        %swap3A_89 = arith.constant 16 : index
        %swap3A_90 = tpu.vector_load %arg29[%swap3A_88, %swap3A_89] {strides = array<i32>} : memref<8x32xf32, #tpu.memory_space<vmem>>, vector<16xf32>,
        tpu.vector_store %arg29[%swap3A_88, %swap3A_89], %gather3A_87 {strides = array<i32>} : memref<8x32xf32, #tpu.memory_space<vmem>>, vector<16xf32>,
        %gather3A_91 = tpu.vector_load_idx %arg16[%scan3A_67#3] : memref<10048xf32, #tpu.memory_space<vmem>>[vector<16xi32>], vector<16xf32>,
        %swap3A_92 = arith.index_cast %scan3A_45 : i32 to index
        %swap3A_93 = arith.constant 16 : index
        %swap3A_94 = tpu.vector_load %arg30[%swap3A_92, %swap3A_93] {strides = array<i32>} : memref<8x32xf32, #tpu.memory_space<vmem>>, vector<16xf32>,
        tpu.vector_store %arg30[%swap3A_92, %swap3A_93], %gather3A_91 {strides = array<i32>} : memref<8x32xf32, #tpu.memory_space<vmem>>, vector<16xf32>,
        %gather3A_95 = tpu.vector_load_idx %arg17[%scan3A_67#3] : memref<10048xf32, #tpu.memory_space<vmem>>[vector<16xi32>], vector<16xf32>,
        %swap3A_96 = arith.index_cast %scan3A_45 : i32 to index
        %swap3A_97 = arith.constant 16 : index
        %swap3A_98 = tpu.vector_load %arg31[%swap3A_96, %swap3A_97] {strides = array<i32>} : memref<8x32xf32, #tpu.memory_space<vmem>>, vector<16xf32>,
        tpu.vector_store %arg31[%swap3A_96, %swap3A_97], %gather3A_95 {strides = array<i32>} : memref<8x32xf32, #tpu.memory_space<vmem>>, vector<16xf32>,
        %scan3A_99 = arith.constant 0 : i32
        scf.yield %scan3A_99 : i32
      }
      %scan3A_39 = arith.constant 8 : i32
      %add3A_40 = arith.addi %mul3A_2, %mul3A_12 : i32
      "tpu.region"() ({
        %run_scoped3A = tpu.sem_alloc : memref<!tpu.dma_semaphore, #tpu.memory_space<semaphore_mem>>
        %dma_start3A = arith.constant 0 : i32
        %dma_start3A_45 = tpu.memref_slice %arg11[%add3A_40, %dma_start3A] : memref<4096x32xi32, #tpu.memory_space<hbm>> -> memref<8x32xi32, #tpu.memory_space<hbm>>
        %dma_start3A_46 = arith.constant 0 : i32
        %dma_start3A_47 = tpu.memref_slice %arg11[%add3A_40, %dma_start3A_46] : memref<4096x32xi32, #tpu.memory_space<hbm>> -> memref<8x32xi32, #tpu.memory_space<hbm>>
        tpu.enqueue_dma source(%arg28 : memref<8x32xi32, #tpu.memory_space<vmem>>) target(%dma_start3A_47 : memref<8x32xi32, #tpu.memory_space<hbm>>) target_semaphore(%run_scoped3A : memref<!tpu.dma_semaphore, #tpu.memory_space<semaphore_mem>>)
        %dma_wait3A = arith.constant 0 : i32
        %dma_wait3A_48 = tpu.memref_slice %arg11[%add3A_40, %dma_wait3A] : memref<4096x32xi32, #tpu.memory_space<hbm>> -> memref<8x32xi32, #tpu.memory_space<hbm>>
        %dma_wait3A_49 = arith.constant 0 : i32
        %dma_wait3A_50 = tpu.memref_slice %arg11[%add3A_40, %dma_wait3A_49] : memref<4096x32xi32, #tpu.memory_space<hbm>> -> memref<8x32xi32, #tpu.memory_space<hbm>>
        tpu.wait_dma2 semaphore(%run_scoped3A : memref<!tpu.dma_semaphore, #tpu.memory_space<semaphore_mem>>) src(%arg28 : memref<8x32xi32, #tpu.memory_space<vmem>>) dst(%dma_wait3A_50 : memref<8x32xi32, #tpu.memory_space<hbm>>)
        tpu.yield
      }) : () -> ()
      %add3A_41 = arith.addi %mul3A_2, %mul3A_12 : i32
      "tpu.region"() ({
        %run_scoped3A = tpu.sem_alloc : memref<!tpu.dma_semaphore, #tpu.memory_space<semaphore_mem>>
        %dma_start3A = arith.constant 0 : i32
        %dma_start3A_45 = tpu.memref_slice %arg12[%add3A_41, %dma_start3A] : memref<4096x32xf32, #tpu.memory_space<hbm>> -> memref<8x32xf32, #tpu.memory_space<hbm>>
        %dma_start3A_46 = arith.constant 0 : i32
        %dma_start3A_47 = tpu.memref_slice %arg12[%add3A_41, %dma_start3A_46] : memref<4096x32xf32, #tpu.memory_space<hbm>> -> memref<8x32xf32, #tpu.memory_space<hbm>>
        tpu.enqueue_dma source(%arg29 : memref<8x32xf32, #tpu.memory_space<vmem>>) target(%dma_start3A_47 : memref<8x32xf32, #tpu.memory_space<hbm>>) target_semaphore(%run_scoped3A : memref<!tpu.dma_semaphore, #tpu.memory_space<semaphore_mem>>)
        %dma_wait3A = arith.constant 0 : i32
        %dma_wait3A_48 = tpu.memref_slice %arg12[%add3A_41, %dma_wait3A] : memref<4096x32xf32, #tpu.memory_space<hbm>> -> memref<8x32xf32, #tpu.memory_space<hbm>>
        %dma_wait3A_49 = arith.constant 0 : i32
        %dma_wait3A_50 = tpu.memref_slice %arg12[%add3A_41, %dma_wait3A_49] : memref<4096x32xf32, #tpu.memory_space<hbm>> -> memref<8x32xf32, #tpu.memory_space<hbm>>
        tpu.wait_dma2 semaphore(%run_scoped3A : memref<!tpu.dma_semaphore, #tpu.memory_space<semaphore_mem>>) src(%arg29 : memref<8x32xf32, #tpu.memory_space<vmem>>) dst(%dma_wait3A_50 : memref<8x32xf32, #tpu.memory_space<hbm>>)
        tpu.yield
      }) : () -> ()
      %add3A_42 = arith.addi %mul3A_2, %mul3A_12 : i32
      "tpu.region"() ({
        %run_scoped3A = tpu.sem_alloc : memref<!tpu.dma_semaphore, #tpu.memory_space<semaphore_mem>>
        %dma_start3A = arith.constant 0 : i32
        %dma_start3A_45 = tpu.memref_slice %arg13[%add3A_42, %dma_start3A] : memref<4096x32xf32, #tpu.memory_space<hbm>> -> memref<8x32xf32, #tpu.memory_space<hbm>>
        %dma_start3A_46 = arith.constant 0 : i32
        %dma_start3A_47 = tpu.memref_slice %arg13[%add3A_42, %dma_start3A_46] : memref<4096x32xf32, #tpu.memory_space<hbm>> -> memref<8x32xf32, #tpu.memory_space<hbm>>
        tpu.enqueue_dma source(%arg30 : memref<8x32xf32, #tpu.memory_space<vmem>>) target(%dma_start3A_47 : memref<8x32xf32, #tpu.memory_space<hbm>>) target_semaphore(%run_scoped3A : memref<!tpu.dma_semaphore, #tpu.memory_space<semaphore_mem>>)
        %dma_wait3A = arith.constant 0 : i32
        %dma_wait3A_48 = tpu.memref_slice %arg13[%add3A_42, %dma_wait3A] : memref<4096x32xf32, #tpu.memory_space<hbm>> -> memref<8x32xf32, #tpu.memory_space<hbm>>
        %dma_wait3A_49 = arith.constant 0 : i32
        %dma_wait3A_50 = tpu.memref_slice %arg13[%add3A_42, %dma_wait3A_49] : memref<4096x32xf32, #tpu.memory_space<hbm>> -> memref<8x32xf32, #tpu.memory_space<hbm>>
        tpu.wait_dma2 semaphore(%run_scoped3A : memref<!tpu.dma_semaphore, #tpu.memory_space<semaphore_mem>>) src(%arg30 : memref<8x32xf32, #tpu.memory_space<vmem>>) dst(%dma_wait3A_50 : memref<8x32xf32, #tpu.memory_space<hbm>>)
        tpu.yield
      }) : () -> ()
      %add3A_43 = arith.addi %mul3A_2, %mul3A_12 : i32
      "tpu.region"() ({
        %run_scoped3A = tpu.sem_alloc : memref<!tpu.dma_semaphore, #tpu.memory_space<semaphore_mem>>
        %dma_start3A = arith.constant 0 : i32
        %dma_start3A_45 = tpu.memref_slice %arg14[%add3A_43, %dma_start3A] : memref<4096x32xf32, #tpu.memory_space<hbm>> -> memref<8x32xf32, #tpu.memory_space<hbm>>
        %dma_start3A_46 = arith.constant 0 : i32
        %dma_start3A_47 = tpu.memref_slice %arg14[%add3A_43, %dma_start3A_46] : memref<4096x32xf32, #tpu.memory_space<hbm>> -> memref<8x32xf32, #tpu.memory_space<hbm>>
        tpu.enqueue_dma source(%arg31 : memref<8x32xf32, #tpu.memory_space<vmem>>) target(%dma_start3A_47 : memref<8x32xf32, #tpu.memory_space<hbm>>) target_semaphore(%run_scoped3A : memref<!tpu.dma_semaphore, #tpu.memory_space<semaphore_mem>>)
        %dma_wait3A = arith.constant 0 : i32
        %dma_wait3A_48 = tpu.memref_slice %arg14[%add3A_43, %dma_wait3A] : memref<4096x32xf32, #tpu.memory_space<hbm>> -> memref<8x32xf32, #tpu.memory_space<hbm>>
        %dma_wait3A_49 = arith.constant 0 : i32
        %dma_wait3A_50 = tpu.memref_slice %arg14[%add3A_43, %dma_wait3A_49] : memref<4096x32xf32, #tpu.memory_space<hbm>> -> memref<8x32xf32, #tpu.memory_space<hbm>>
        tpu.wait_dma2 semaphore(%run_scoped3A : memref<!tpu.dma_semaphore, #tpu.memory_space<semaphore_mem>>) src(%arg31 : memref<8x32xf32, #tpu.memory_space<vmem>>) dst(%dma_wait3A_50 : memref<8x32xf32, #tpu.memory_space<hbm>>)
        tpu.yield
      }) : () -> ()
      %scan3A_44 = arith.constant 0 : i32
      scf.yield %scan3A_44 : i32
    }
    %scan3A_8 = arith.constant 16 : i32
    return
  }
}

module attributes {stable_mosaic.version = 14 : i64} {
  func.func @_raydir_body(%arg0: memref<32x128xf32, #tpu.memory_space<vmem>>, %arg1: memref<32x128xf32, #tpu.memory_space<vmem>>, %arg2: memref<32x128xf32, #tpu.memory_space<vmem>>, %arg3: memref<32x128xf32, #tpu.memory_space<vmem>>, %arg4: memref<32x128xf32, #tpu.memory_space<vmem>>) attributes {dimension_semantics = [], scalar_prefetch = 0 : i64, scratch_operands = 0 : i64, tpu.core_type = #tpu.core_type<tc>} {
    %get3A = arith.constant 0 : index
    %get3A_0 = arith.constant 0 : index
    %get3A_1 = vector.load %arg0[%get3A, %get3A_0] : memref<32x128xf32, #tpu.memory_space<vmem>>, vector<32x128xf32>
    %mul3A = arith.constant 6.28318548 : f32
    %mul3A_2 = vector.broadcast %mul3A : f32 to vector<32x128xf32>
    %mul3A_3 = arith.mulf %get3A_1, %mul3A_2 : vector<32x128xf32>
    %get3A_4 = arith.constant 0 : index
    %get3A_5 = arith.constant 0 : index
    %get3A_6 = vector.load %arg1[%get3A_4, %get3A_5] : memref<32x128xf32, #tpu.memory_space<vmem>>, vector<32x128xf32>
    %mul3A_7 = arith.constant 3.14159274 : f32
    %mul3A_8 = vector.broadcast %mul3A_7 : f32 to vector<32x128xf32>
    %mul3A_9 = arith.mulf %get3A_6, %mul3A_8 : vector<32x128xf32>
    %sin3A = math.sin %mul3A_9 : vector<32x128xf32>
    %cos3A = math.cos %mul3A_3 : vector<32x128xf32>
    %mul3A_10 = arith.mulf %cos3A, %sin3A : vector<32x128xf32>
    %neg3A = arith.constant 0.000000e+00 : f32
    %neg3A_11 = vector.broadcast %neg3A : f32 to vector<32x128xf32>
    %neg3A_12 = arith.subf %neg3A_11, %mul3A_10 : vector<32x128xf32>
    %swap3A = arith.constant 0 : index
    %swap3A_13 = arith.constant 0 : index
    %swap3A_14 = vector.load %arg2[%swap3A, %swap3A_13] : memref<32x128xf32, #tpu.memory_space<vmem>>, vector<32x128xf32>
    tpu.vector_store %arg2[%swap3A, %swap3A_13], %neg3A_12 {strides = array<i32>} : memref<32x128xf32, #tpu.memory_space<vmem>>, vector<32x128xf32>,
    %sin3A_15 = math.sin %mul3A_3 : vector<32x128xf32>
    %mul3A_16 = arith.mulf %sin3A_15, %sin3A : vector<32x128xf32>
    %neg3A_17 = arith.constant 0.000000e+00 : f32
    %neg3A_18 = vector.broadcast %neg3A_17 : f32 to vector<32x128xf32>
    %neg3A_19 = arith.subf %neg3A_18, %mul3A_16 : vector<32x128xf32>
    %swap3A_20 = arith.constant 0 : index
    %swap3A_21 = arith.constant 0 : index
    %swap3A_22 = vector.load %arg3[%swap3A_20, %swap3A_21] : memref<32x128xf32, #tpu.memory_space<vmem>>, vector<32x128xf32>
    tpu.vector_store %arg3[%swap3A_20, %swap3A_21], %neg3A_19 {strides = array<i32>} : memref<32x128xf32, #tpu.memory_space<vmem>>, vector<32x128xf32>,
    %cos3A_23 = math.cos %mul3A_9 : vector<32x128xf32>
    %neg3A_24 = arith.constant 0.000000e+00 : f32
    %neg3A_25 = vector.broadcast %neg3A_24 : f32 to vector<32x128xf32>
    %neg3A_26 = arith.subf %neg3A_25, %cos3A_23 : vector<32x128xf32>
    %swap3A_27 = arith.constant 0 : index
    %swap3A_28 = arith.constant 0 : index
    %swap3A_29 = vector.load %arg4[%swap3A_27, %swap3A_28] : memref<32x128xf32, #tpu.memory_space<vmem>>, vector<32x128xf32>
    tpu.vector_store %arg4[%swap3A_27, %swap3A_28], %neg3A_26 {strides = array<i32>} : memref<32x128xf32, #tpu.memory_space<vmem>>, vector<32x128xf32>,
    return
  }
}

module attributes {stable_mosaic.version = 14 : i64} {
  func.func @_epilogue_body(%arg0: memref<32x4096xf32, #tpu.memory_space<vmem>>, %arg1: memref<32x4096xf32, #tpu.memory_space<vmem>>, %arg2: memref<32x4096xf32, #tpu.memory_space<vmem>>, %arg3: memref<32x4096xi32, #tpu.memory_space<vmem>>, %arg4: memref<1x4096xf32, #tpu.memory_space<vmem>>, %arg5: memref<1x4096xf32, #tpu.memory_space<vmem>>, %arg6: memref<1x4096xf32, #tpu.memory_space<vmem>>, %arg7: memref<1x4096xf32, #tpu.memory_space<vmem>>, %arg8: memref<1x4096xf32, #tpu.memory_space<vmem>>, %arg9: memref<1x4096xf32, #tpu.memory_space<vmem>>, %arg10: memref<16x4096xf32, #tpu.memory_space<vmem>>, %arg11: memref<16x4096xf32, #tpu.memory_space<vmem>>, %arg12: memref<16x4096xf32, #tpu.memory_space<vmem>>, %arg13: memref<16x4096xf32, #tpu.memory_space<vmem>>, %arg14: memref<16x4096xf32, #tpu.memory_space<vmem>>, %arg15: memref<16x4096xf32, #tpu.memory_space<vmem>>, %arg16: memref<16x4096xf32, #tpu.memory_space<vmem>>, %arg17: memref<16x4096xi32, #tpu.memory_space<vmem>>) attributes {dimension_semantics = [], scalar_prefetch = 0 : i64, scratch_operands = 0 : i64, tpu.core_type = #tpu.core_type<tc>} {
    %get3A = arith.constant 0 : index
    %get3A_0 = arith.constant 0 : index
    %get3A_1 = vector.load %arg0[%get3A, %get3A_0] : memref<32x4096xf32, #tpu.memory_space<vmem>>, vector<32x4096xf32>
    %get3A_2 = arith.constant 0 : index
    %get3A_3 = arith.constant 0 : index
    %get3A_4 = vector.load %arg4[%get3A_2, %get3A_3] : memref<1x4096xf32, #tpu.memory_space<vmem>>, vector<1x4096xf32>
    %sub3A = vector.broadcast %get3A_4 : vector<1x4096xf32> to vector<32x4096xf32>
    %sub3A_5 = arith.subf %get3A_1, %sub3A : vector<32x4096xf32>
    %get3A_6 = arith.constant 0 : index
    %get3A_7 = arith.constant 0 : index
    %get3A_8 = vector.load %arg1[%get3A_6, %get3A_7] : memref<32x4096xf32, #tpu.memory_space<vmem>>, vector<32x4096xf32>
    %get3A_9 = arith.constant 0 : index
    %get3A_10 = arith.constant 0 : index
    %get3A_11 = vector.load %arg5[%get3A_9, %get3A_10] : memref<1x4096xf32, #tpu.memory_space<vmem>>, vector<1x4096xf32>
    %sub3A_12 = vector.broadcast %get3A_11 : vector<1x4096xf32> to vector<32x4096xf32>
    %sub3A_13 = arith.subf %get3A_8, %sub3A_12 : vector<32x4096xf32>
    %get3A_14 = arith.constant 0 : index
    %get3A_15 = arith.constant 0 : index
    %get3A_16 = vector.load %arg2[%get3A_14, %get3A_15] : memref<32x4096xf32, #tpu.memory_space<vmem>>, vector<32x4096xf32>
    %get3A_17 = arith.constant 0 : index
    %get3A_18 = arith.constant 0 : index
    %get3A_19 = vector.load %arg6[%get3A_17, %get3A_18] : memref<1x4096xf32, #tpu.memory_space<vmem>>, vector<1x4096xf32>
    %sub3A_20 = vector.broadcast %get3A_19 : vector<1x4096xf32> to vector<32x4096xf32>
    %sub3A_21 = arith.subf %get3A_16, %sub3A_20 : vector<32x4096xf32>
    %mul3A = arith.mulf %sub3A_5, %sub3A_5 : vector<32x4096xf32>
    %mul3A_22 = arith.mulf %sub3A_13, %sub3A_13 : vector<32x4096xf32>
    %add3A = arith.addf %mul3A, %mul3A_22 : vector<32x4096xf32>
    %mul3A_23 = arith.mulf %sub3A_21, %sub3A_21 : vector<32x4096xf32>
    %add3A_24 = arith.addf %add3A, %mul3A_23 : vector<32x4096xf32>
    %sqrt3A = math.sqrt %add3A_24 : vector<32x4096xf32>
    %max3A = arith.constant 9.99999996E-13 : f32
    %max3A_25 = vector.broadcast %max3A : f32 to vector<32x4096xf32>
    %max3A_26 = arith.maximumf %sqrt3A, %max3A_25 : vector<32x4096xf32>
    %get3A_27 = arith.constant 0 : index
    %get3A_28 = arith.constant 0 : index
    %get3A_29 = vector.load %arg7[%get3A_27, %get3A_28] : memref<1x4096xf32, #tpu.memory_space<vmem>>, vector<1x4096xf32>
    %get3A_30 = arith.constant 0 : index
    %get3A_31 = arith.constant 0 : index
    %get3A_32 = vector.load %arg8[%get3A_30, %get3A_31] : memref<1x4096xf32, #tpu.memory_space<vmem>>, vector<1x4096xf32>
    %get3A_33 = arith.constant 0 : index
    %get3A_34 = arith.constant 0 : index
    %get3A_35 = vector.load %arg9[%get3A_33, %get3A_34] : memref<1x4096xf32, #tpu.memory_space<vmem>>, vector<1x4096xf32>
    %div3A = arith.divf %sub3A_5, %max3A_26 : vector<32x4096xf32>
    %mul3A_36 = vector.broadcast %get3A_29 : vector<1x4096xf32> to vector<32x4096xf32>
    %mul3A_37 = arith.mulf %mul3A_36, %div3A : vector<32x4096xf32>
    %div3A_38 = arith.divf %sub3A_13, %max3A_26 : vector<32x4096xf32>
    %mul3A_39 = vector.broadcast %get3A_32 : vector<1x4096xf32> to vector<32x4096xf32>
    %mul3A_40 = arith.mulf %mul3A_39, %div3A_38 : vector<32x4096xf32>
    %add3A_41 = arith.addf %mul3A_37, %mul3A_40 : vector<32x4096xf32>
    %div3A_42 = arith.divf %sub3A_21, %max3A_26 : vector<32x4096xf32>
    %mul3A_43 = vector.broadcast %get3A_35 : vector<1x4096xf32> to vector<32x4096xf32>
    %mul3A_44 = arith.mulf %mul3A_43, %div3A_42 : vector<32x4096xf32>
    %add3A_45 = arith.addf %add3A_41, %mul3A_44 : vector<32x4096xf32>
    %mul3A_46 = arith.mulf %add3A_45, %add3A_45 : vector<32x4096xf32>
    %sub3A_47 = arith.constant 1.000000e+00 : f32
    %sub3A_48 = vector.broadcast %sub3A_47 : f32 to vector<32x4096xf32>
    %sub3A_49 = arith.subf %sub3A_48, %mul3A_46 : vector<32x4096xf32>
    %jit3A = arith.constant 9.99999996E-13 : f32
    %max3A_50 = vector.broadcast %jit3A : f32 to vector<32x4096xf32>
    %max3A_51 = arith.maximumf %max3A_50, %sub3A_49 : vector<32x4096xf32>
    %sqrt3A_52 = math.sqrt %max3A_51 : vector<32x4096xf32>
    %mul3A_53 = arith.mulf %sqrt3A_52, %sqrt3A : vector<32x4096xf32>
    %lt3A = arith.constant 0.865999996 : f32
    %lt3A_54 = vector.broadcast %lt3A : f32 to vector<32x4096xf32>
    %lt3A_55 = arith.cmpf olt, %add3A_45, %lt3A_54 : vector<32x4096xf32>
    %jit3A_56 = arith.constant 1.000000e+08 : f32
    %broadcast_in_dim3A = vector.broadcast %jit3A_56 : f32 to vector<32x4096xf32>
    %select_n3A = arith.select %lt3A_55, %broadcast_in_dim3A, %mul3A_53 : vector<32x4096xi1>, vector<32x4096xf32>
    %get3A_57 = arith.constant 0 : index
    %get3A_58 = arith.constant 0 : index
    %get3A_59 = vector.load %arg3[%get3A_57, %get3A_58] : memref<32x4096xi32, #tpu.memory_space<vmem>>, vector<32x4096xi32>
    %convert_element_type3A = arith.sitofp %get3A_59 : vector<32x4096xi32> to vector<32x4096xf32>
    %broadcast_in_dim3A_60 = arith.constant -1.000000e+00 : f32
    %broadcast_in_dim3A_61 = vector.broadcast %broadcast_in_dim3A_60 : f32 to vector<1x4096xf32>
    %broadcast_in_dim3A_62 = arith.constant -1.000000e+00 : f32
    %broadcast_in_dim3A_63 = vector.broadcast %broadcast_in_dim3A_62 : f32 to vector<1x4096xf32>
    %gt3A = vector.broadcast %broadcast_in_dim3A_61 : vector<1x4096xf32> to vector<32x4096xf32>
    %gt3A_64 = arith.cmpf ogt, %select_n3A, %gt3A : vector<32x4096xf32>
    %eq3A = vector.broadcast %broadcast_in_dim3A_61 : vector<1x4096xf32> to vector<32x4096xf32>
    %eq3A_65 = arith.cmpf oeq, %select_n3A, %eq3A : vector<32x4096xf32>
    %gt3A_66 = vector.broadcast %broadcast_in_dim3A_63 : vector<1x4096xf32> to vector<32x4096xf32>
    %gt3A_67 = arith.cmpf ogt, %convert_element_type3A, %gt3A_66 : vector<32x4096xf32>
    %and3A = arith.andi %eq3A_65, %gt3A_67 : vector<32x4096xi1>
    %or3A = arith.ori %gt3A_64, %and3A : vector<32x4096xi1>
    %jit3A_68 = arith.constant 3.000000e+38 : f32
    %broadcast_in_dim3A_69 = vector.broadcast %jit3A_68 : f32 to vector<32x4096xf32>
    %select_n3A_70 = arith.select %or3A, %select_n3A, %broadcast_in_dim3A_69 : vector<32x4096xi1>, vector<32x4096xf32>
    %reduce_min3A = arith.constant dense<0x7F800000> : vector<4096xf32>
    %reduce_min3A_71 = vector.multi_reduction <minimumf>, %select_n3A_70, %reduce_min3A [0] : vector<32x4096xf32> to vector<4096xf32>
    %broadcast_in_dim3A_72 = vector.shape_cast %reduce_min3A_71 : vector<4096xf32> to vector<1x4096xf32>
    %eq3A_73 = vector.broadcast %broadcast_in_dim3A_72 : vector<1x4096xf32> to vector<32x4096xf32>
    %eq3A_74 = arith.cmpf oeq, %select_n3A_70, %eq3A_73 : vector<32x4096xf32>
    %jit3A_75 = arith.constant 3.000000e+38 : f32
    %broadcast_in_dim3A_76 = vector.broadcast %jit3A_75 : f32 to vector<32x4096xf32>
    %select_n3A_77 = arith.select %eq3A_74, %convert_element_type3A, %broadcast_in_dim3A_76 : vector<32x4096xi1>, vector<32x4096xf32>
    %reduce_min3A_78 = arith.constant dense<0x7F800000> : vector<4096xf32>
    %reduce_min3A_79 = vector.multi_reduction <minimumf>, %select_n3A_77, %reduce_min3A_78 [0] : vector<32x4096xf32> to vector<4096xf32>
    %broadcast_in_dim3A_80 = vector.shape_cast %reduce_min3A_79 : vector<4096xf32> to vector<1x4096xf32>
    %eq3A_81 = vector.broadcast %broadcast_in_dim3A_72 : vector<1x4096xf32> to vector<32x4096xf32>
    %eq3A_82 = arith.cmpf oeq, %select_n3A_70, %eq3A_81 : vector<32x4096xf32>
    %eq3A_83 = vector.broadcast %broadcast_in_dim3A_80 : vector<1x4096xf32> to vector<32x4096xf32>
    %eq3A_84 = arith.cmpf oeq, %convert_element_type3A, %eq3A_83 : vector<32x4096xf32>
    %and3A_85 = arith.andi %eq3A_82, %eq3A_84 : vector<32x4096xi1>
    %get3A_86 = arith.constant 0 : index
    %get3A_87 = arith.constant 0 : index
    %get3A_88 = vector.load %arg0[%get3A_86, %get3A_87] : memref<32x4096xf32, #tpu.memory_space<vmem>>, vector<32x4096xf32>
    %jit3A_89 = arith.constant 0.000000e+00 : f32
    %broadcast_in_dim3A_90 = vector.broadcast %jit3A_89 : f32 to vector<32x4096xf32>
    %select_n3A_91 = arith.select %and3A_85, %get3A_88, %broadcast_in_dim3A_90 : vector<32x4096xi1>, vector<32x4096xf32>
    %reduce_sum3A = arith.constant dense<0.000000e+00> : vector<4096xf32>
    %reduce_sum3A_92 = vector.multi_reduction <add>, %select_n3A_91, %reduce_sum3A [0] : vector<32x4096xf32> to vector<4096xf32>
    %get3A_93 = arith.constant 0 : index
    %get3A_94 = arith.constant 0 : index
    %get3A_95 = vector.load %arg1[%get3A_93, %get3A_94] : memref<32x4096xf32, #tpu.memory_space<vmem>>, vector<32x4096xf32>
    %jit3A_96 = arith.constant 0.000000e+00 : f32
    %broadcast_in_dim3A_97 = vector.broadcast %jit3A_96 : f32 to vector<32x4096xf32>
    %select_n3A_98 = arith.select %and3A_85, %get3A_95, %broadcast_in_dim3A_97 : vector<32x4096xi1>, vector<32x4096xf32>
    %reduce_sum3A_99 = arith.constant dense<0.000000e+00> : vector<4096xf32>
    %reduce_sum3A_100 = vector.multi_reduction <add>, %select_n3A_98, %reduce_sum3A_99 [0] : vector<32x4096xf32> to vector<4096xf32>
    %get3A_101 = arith.constant 0 : index
    %get3A_102 = arith.constant 0 : index
    %get3A_103 = vector.load %arg2[%get3A_101, %get3A_102] : memref<32x4096xf32, #tpu.memory_space<vmem>>, vector<32x4096xf32>
    %jit3A_104 = arith.constant 0.000000e+00 : f32
    %broadcast_in_dim3A_105 = vector.broadcast %jit3A_104 : f32 to vector<32x4096xf32>
    %select_n3A_106 = arith.select %and3A_85, %get3A_103, %broadcast_in_dim3A_105 : vector<32x4096xi1>, vector<32x4096xf32>
    %reduce_sum3A_107 = arith.constant dense<0.000000e+00> : vector<4096xf32>
    %reduce_sum3A_108 = vector.multi_reduction <add>, %select_n3A_106, %reduce_sum3A_107 [0] : vector<32x4096xf32> to vector<4096xf32>
    %squeeze3A = vector.shape_cast %broadcast_in_dim3A_72 : vector<1x4096xf32> to vector<4096xf32>
    %swap3A = arith.constant 0 : index
    %swap3A_109 = arith.constant 0 : index
    %swap3A_110 = vector.load %arg16[%swap3A, %swap3A_109] : memref<16x4096xf32, #tpu.memory_space<vmem>>, vector<1x4096xf32>
    %swap3A_111 = vector.shape_cast %swap3A_110 : vector<1x4096xf32> to vector<4096xf32>
    %swap3A_112 = vector.shape_cast %squeeze3A : vector<4096xf32> to vector<1x4096xf32>
    tpu.vector_store %arg16[%swap3A, %swap3A_109], %swap3A_112 {strides = array<i32>} : memref<16x4096xf32, #tpu.memory_space<vmem>>, vector<1x4096xf32>,
    %squeeze3A_113 = vector.shape_cast %broadcast_in_dim3A_80 : vector<1x4096xf32> to vector<4096xf32>
    %convert_element_type3A_114 = arith.fptosi %squeeze3A_113 : vector<4096xf32> to vector<4096xi32>
    %swap3A_115 = arith.constant 0 : index
    %swap3A_116 = arith.constant 0 : index
    %swap3A_117 = vector.load %arg17[%swap3A_115, %swap3A_116] : memref<16x4096xi32, #tpu.memory_space<vmem>>, vector<1x4096xi32>
    %swap3A_118 = vector.shape_cast %swap3A_117 : vector<1x4096xi32> to vector<4096xi32>
    %swap3A_119 = vector.shape_cast %convert_element_type3A_114 : vector<4096xi32> to vector<1x4096xi32>
    tpu.vector_store %arg17[%swap3A_115, %swap3A_116], %swap3A_119 {strides = array<i32>} : memref<16x4096xi32, #tpu.memory_space<vmem>>, vector<1x4096xi32>,
    %swap3A_120 = arith.constant 0 : index
    %swap3A_121 = arith.constant 0 : index
    %swap3A_122 = vector.load %arg10[%swap3A_120, %swap3A_121] : memref<16x4096xf32, #tpu.memory_space<vmem>>, vector<1x4096xf32>
    %swap3A_123 = vector.shape_cast %swap3A_122 : vector<1x4096xf32> to vector<4096xf32>
    %swap3A_124 = vector.shape_cast %reduce_sum3A_92 : vector<4096xf32> to vector<1x4096xf32>
    tpu.vector_store %arg10[%swap3A_120, %swap3A_121], %swap3A_124 {strides = array<i32>} : memref<16x4096xf32, #tpu.memory_space<vmem>>, vector<1x4096xf32>,
    %swap3A_125 = arith.constant 0 : index
    %swap3A_126 = arith.constant 0 : index
    %swap3A_127 = vector.load %arg11[%swap3A_125, %swap3A_126] : memref<16x4096xf32, #tpu.memory_space<vmem>>, vector<1x4096xf32>
    %swap3A_128 = vector.shape_cast %swap3A_127 : vector<1x4096xf32> to vector<4096xf32>
    %swap3A_129 = vector.shape_cast %reduce_sum3A_100 : vector<4096xf32> to vector<1x4096xf32>
    tpu.vector_store %arg11[%swap3A_125, %swap3A_126], %swap3A_129 {strides = array<i32>} : memref<16x4096xf32, #tpu.memory_space<vmem>>, vector<1x4096xf32>,
    %swap3A_130 = arith.constant 0 : index
    %swap3A_131 = arith.constant 0 : index
    %swap3A_132 = vector.load %arg12[%swap3A_130, %swap3A_131] : memref<16x4096xf32, #tpu.memory_space<vmem>>, vector<1x4096xf32>
    %swap3A_133 = vector.shape_cast %swap3A_132 : vector<1x4096xf32> to vector<4096xf32>
    %swap3A_134 = vector.shape_cast %reduce_sum3A_108 : vector<4096xf32> to vector<1x4096xf32>
    tpu.vector_store %arg12[%swap3A_130, %swap3A_131], %swap3A_134 {strides = array<i32>} : memref<16x4096xf32, #tpu.memory_space<vmem>>, vector<1x4096xf32>,
    %gt3A_135 = vector.broadcast %broadcast_in_dim3A_72 : vector<1x4096xf32> to vector<32x4096xf32>
    %gt3A_136 = arith.cmpf ogt, %select_n3A, %gt3A_135 : vector<32x4096xf32>
    %eq3A_137 = vector.broadcast %broadcast_in_dim3A_72 : vector<1x4096xf32> to vector<32x4096xf32>
    %eq3A_138 = arith.cmpf oeq, %select_n3A, %eq3A_137 : vector<32x4096xf32>
    %gt3A_139 = vector.broadcast %broadcast_in_dim3A_80 : vector<1x4096xf32> to vector<32x4096xf32>
    %gt3A_140 = arith.cmpf ogt, %convert_element_type3A, %gt3A_139 : vector<32x4096xf32>
    %and3A_141 = arith.andi %eq3A_138, %gt3A_140 : vector<32x4096xi1>
    %or3A_142 = arith.ori %gt3A_136, %and3A_141 : vector<32x4096xi1>
    %jit3A_143 = arith.constant 3.000000e+38 : f32
    %broadcast_in_dim3A_144 = vector.broadcast %jit3A_143 : f32 to vector<32x4096xf32>
    %select_n3A_145 = arith.select %or3A_142, %select_n3A, %broadcast_in_dim3A_144 : vector<32x4096xi1>, vector<32x4096xf32>
    %reduce_min3A_146 = arith.constant dense<0x7F800000> : vector<4096xf32>
    %reduce_min3A_147 = vector.multi_reduction <minimumf>, %select_n3A_145, %reduce_min3A_146 [0] : vector<32x4096xf32> to vector<4096xf32>
    %broadcast_in_dim3A_148 = vector.shape_cast %reduce_min3A_147 : vector<4096xf32> to vector<1x4096xf32>
    %eq3A_149 = vector.broadcast %broadcast_in_dim3A_148 : vector<1x4096xf32> to vector<32x4096xf32>
    %eq3A_150 = arith.cmpf oeq, %select_n3A_145, %eq3A_149 : vector<32x4096xf32>
    %jit3A_151 = arith.constant 3.000000e+38 : f32
    %broadcast_in_dim3A_152 = vector.broadcast %jit3A_151 : f32 to vector<32x4096xf32>
    %select_n3A_153 = arith.select %eq3A_150, %convert_element_type3A, %broadcast_in_dim3A_152 : vector<32x4096xi1>, vector<32x4096xf32>
    %reduce_min3A_154 = arith.constant dense<0x7F800000> : vector<4096xf32>
    %reduce_min3A_155 = vector.multi_reduction <minimumf>, %select_n3A_153, %reduce_min3A_154 [0] : vector<32x4096xf32> to vector<4096xf32>
    %broadcast_in_dim3A_156 = vector.shape_cast %reduce_min3A_155 : vector<4096xf32> to vector<1x4096xf32>
    %eq3A_157 = vector.broadcast %broadcast_in_dim3A_148 : vector<1x4096xf32> to vector<32x4096xf32>
    %eq3A_158 = arith.cmpf oeq, %select_n3A_145, %eq3A_157 : vector<32x4096xf32>
    %eq3A_159 = vector.broadcast %broadcast_in_dim3A_156 : vector<1x4096xf32> to vector<32x4096xf32>
    %eq3A_160 = arith.cmpf oeq, %convert_element_type3A, %eq3A_159 : vector<32x4096xf32>
    %and3A_161 = arith.andi %eq3A_158, %eq3A_160 : vector<32x4096xi1>
    %get3A_162 = arith.constant 0 : index
    %get3A_163 = arith.constant 0 : index
    %get3A_164 = vector.load %arg0[%get3A_162, %get3A_163] : memref<32x4096xf32, #tpu.memory_space<vmem>>, vector<32x4096xf32>
    %jit3A_165 = arith.constant 0.000000e+00 : f32
    %broadcast_in_dim3A_166 = vector.broadcast %jit3A_165 : f32 to vector<32x4096xf32>
    %select_n3A_167 = arith.select %and3A_161, %get3A_164, %broadcast_in_dim3A_166 : vector<32x4096xi1>, vector<32x4096xf32>
    %reduce_sum3A_168 = arith.constant dense<0.000000e+00> : vector<4096xf32>
    %reduce_sum3A_169 = vector.multi_reduction <add>, %select_n3A_167, %reduce_sum3A_168 [0] : vector<32x4096xf32> to vector<4096xf32>
    %get3A_170 = arith.constant 0 : index
    %get3A_171 = arith.constant 0 : index
    %get3A_172 = vector.load %arg1[%get3A_170, %get3A_171] : memref<32x4096xf32, #tpu.memory_space<vmem>>, vector<32x4096xf32>
    %jit3A_173 = arith.constant 0.000000e+00 : f32
    %broadcast_in_dim3A_174 = vector.broadcast %jit3A_173 : f32 to vector<32x4096xf32>
    %select_n3A_175 = arith.select %and3A_161, %get3A_172, %broadcast_in_dim3A_174 : vector<32x4096xi1>, vector<32x4096xf32>
    %reduce_sum3A_176 = arith.constant dense<0.000000e+00> : vector<4096xf32>
    %reduce_sum3A_177 = vector.multi_reduction <add>, %select_n3A_175, %reduce_sum3A_176 [0] : vector<32x4096xf32> to vector<4096xf32>
    %get3A_178 = arith.constant 0 : index
    %get3A_179 = arith.constant 0 : index
    %get3A_180 = vector.load %arg2[%get3A_178, %get3A_179] : memref<32x4096xf32, #tpu.memory_space<vmem>>, vector<32x4096xf32>
    %jit3A_181 = arith.constant 0.000000e+00 : f32
    %broadcast_in_dim3A_182 = vector.broadcast %jit3A_181 : f32 to vector<32x4096xf32>
    %select_n3A_183 = arith.select %and3A_161, %get3A_180, %broadcast_in_dim3A_182 : vector<32x4096xi1>, vector<32x4096xf32>
    %reduce_sum3A_184 = arith.constant dense<0.000000e+00> : vector<4096xf32>
    %reduce_sum3A_185 = vector.multi_reduction <add>, %select_n3A_183, %reduce_sum3A_184 [0] : vector<32x4096xf32> to vector<4096xf32>
    %squeeze3A_186 = vector.shape_cast %broadcast_in_dim3A_148 : vector<1x4096xf32> to vector<4096xf32>
    %swap3A_187 = arith.constant 1 : index
    %swap3A_188 = arith.constant 0 : index
    %swap3A_189 = vector.load %arg16[%swap3A_187, %swap3A_188] : memref<16x4096xf32, #tpu.memory_space<vmem>>, vector<1x4096xf32>
    %swap3A_190 = vector.shape_cast %swap3A_189 : vector<1x4096xf32> to vector<4096xf32>
    %swap3A_191 = vector.shape_cast %squeeze3A_186 : vector<4096xf32> to vector<1x4096xf32>
    tpu.vector_store %arg16[%swap3A_187, %swap3A_188], %swap3A_191 {strides = array<i32>} : memref<16x4096xf32, #tpu.memory_space<vmem>>, vector<1x4096xf32>,
    %squeeze3A_192 = vector.shape_cast %broadcast_in_dim3A_156 : vector<1x4096xf32> to vector<4096xf32>
    %convert_element_type3A_193 = arith.fptosi %squeeze3A_192 : vector<4096xf32> to vector<4096xi32>
    %swap3A_194 = arith.constant 1 : index
    %swap3A_195 = arith.constant 0 : index
    %swap3A_196 = vector.load %arg17[%swap3A_194, %swap3A_195] : memref<16x4096xi32, #tpu.memory_space<vmem>>, vector<1x4096xi32>
    %swap3A_197 = vector.shape_cast %swap3A_196 : vector<1x4096xi32> to vector<4096xi32>
    %swap3A_198 = vector.shape_cast %convert_element_type3A_193 : vector<4096xi32> to vector<1x4096xi32>
    tpu.vector_store %arg17[%swap3A_194, %swap3A_195], %swap3A_198 {strides = array<i32>} : memref<16x4096xi32, #tpu.memory_space<vmem>>, vector<1x4096xi32>,
    %swap3A_199 = arith.constant 1 : index
    %swap3A_200 = arith.constant 0 : index
    %swap3A_201 = vector.load %arg10[%swap3A_199, %swap3A_200] : memref<16x4096xf32, #tpu.memory_space<vmem>>, vector<1x4096xf32>
    %swap3A_202 = vector.shape_cast %swap3A_201 : vector<1x4096xf32> to vector<4096xf32>
    %swap3A_203 = vector.shape_cast %reduce_sum3A_169 : vector<4096xf32> to vector<1x4096xf32>
    tpu.vector_store %arg10[%swap3A_199, %swap3A_200], %swap3A_203 {strides = array<i32>} : memref<16x4096xf32, #tpu.memory_space<vmem>>, vector<1x4096xf32>,
    %swap3A_204 = arith.constant 1 : index
    %swap3A_205 = arith.constant 0 : index
    %swap3A_206 = vector.load %arg11[%swap3A_204, %swap3A_205] : memref<16x4096xf32, #tpu.memory_space<vmem>>, vector<1x4096xf32>
    %swap3A_207 = vector.shape_cast %swap3A_206 : vector<1x4096xf32> to vector<4096xf32>
    %swap3A_208 = vector.shape_cast %reduce_sum3A_177 : vector<4096xf32> to vector<1x4096xf32>
    tpu.vector_store %arg11[%swap3A_204, %swap3A_205], %swap3A_208 {strides = array<i32>} : memref<16x4096xf32, #tpu.memory_space<vmem>>, vector<1x4096xf32>,
    %swap3A_209 = arith.constant 1 : index
    %swap3A_210 = arith.constant 0 : index
    %swap3A_211 = vector.load %arg12[%swap3A_209, %swap3A_210] : memref<16x4096xf32, #tpu.memory_space<vmem>>, vector<1x4096xf32>
    %swap3A_212 = vector.shape_cast %swap3A_211 : vector<1x4096xf32> to vector<4096xf32>
    %swap3A_213 = vector.shape_cast %reduce_sum3A_185 : vector<4096xf32> to vector<1x4096xf32>
    tpu.vector_store %arg12[%swap3A_209, %swap3A_210], %swap3A_213 {strides = array<i32>} : memref<16x4096xf32, #tpu.memory_space<vmem>>, vector<1x4096xf32>,
    %gt3A_214 = vector.broadcast %broadcast_in_dim3A_148 : vector<1x4096xf32> to vector<32x4096xf32>
    %gt3A_215 = arith.cmpf ogt, %select_n3A, %gt3A_214 : vector<32x4096xf32>
    %eq3A_216 = vector.broadcast %broadcast_in_dim3A_148 : vector<1x4096xf32> to vector<32x4096xf32>
    %eq3A_217 = arith.cmpf oeq, %select_n3A, %eq3A_216 : vector<32x4096xf32>
    %gt3A_218 = vector.broadcast %broadcast_in_dim3A_156 : vector<1x4096xf32> to vector<32x4096xf32>
    %gt3A_219 = arith.cmpf ogt, %convert_element_type3A, %gt3A_218 : vector<32x4096xf32>
    %and3A_220 = arith.andi %eq3A_217, %gt3A_219 : vector<32x4096xi1>
    %or3A_221 = arith.ori %gt3A_215, %and3A_220 : vector<32x4096xi1>
    %jit3A_222 = arith.constant 3.000000e+38 : f32
    %broadcast_in_dim3A_223 = vector.broadcast %jit3A_222 : f32 to vector<32x4096xf32>
    %select_n3A_224 = arith.select %or3A_221, %select_n3A, %broadcast_in_dim3A_223 : vector<32x4096xi1>, vector<32x4096xf32>
    %reduce_min3A_225 = arith.constant dense<0x7F800000> : vector<4096xf32>
    %reduce_min3A_226 = vector.multi_reduction <minimumf>, %select_n3A_224, %reduce_min3A_225 [0] : vector<32x4096xf32> to vector<4096xf32>
    %broadcast_in_dim3A_227 = vector.shape_cast %reduce_min3A_226 : vector<4096xf32> to vector<1x4096xf32>
    %eq3A_228 = vector.broadcast %broadcast_in_dim3A_227 : vector<1x4096xf32> to vector<32x4096xf32>
    %eq3A_229 = arith.cmpf oeq, %select_n3A_224, %eq3A_228 : vector<32x4096xf32>
    %jit3A_230 = arith.constant 3.000000e+38 : f32
    %broadcast_in_dim3A_231 = vector.broadcast %jit3A_230 : f32 to vector<32x4096xf32>
    %select_n3A_232 = arith.select %eq3A_229, %convert_element_type3A, %broadcast_in_dim3A_231 : vector<32x4096xi1>, vector<32x4096xf32>
    %reduce_min3A_233 = arith.constant dense<0x7F800000> : vector<4096xf32>
    %reduce_min3A_234 = vector.multi_reduction <minimumf>, %select_n3A_232, %reduce_min3A_233 [0] : vector<32x4096xf32> to vector<4096xf32>
    %broadcast_in_dim3A_235 = vector.shape_cast %reduce_min3A_234 : vector<4096xf32> to vector<1x4096xf32>
    %eq3A_236 = vector.broadcast %broadcast_in_dim3A_227 : vector<1x4096xf32> to vector<32x4096xf32>
    %eq3A_237 = arith.cmpf oeq, %select_n3A_224, %eq3A_236 : vector<32x4096xf32>
    %eq3A_238 = vector.broadcast %broadcast_in_dim3A_235 : vector<1x4096xf32> to vector<32x4096xf32>
    %eq3A_239 = arith.cmpf oeq, %convert_element_type3A, %eq3A_238 : vector<32x4096xf32>
    %and3A_240 = arith.andi %eq3A_237, %eq3A_239 : vector<32x4096xi1>
    %get3A_241 = arith.constant 0 : index
    %get3A_242 = arith.constant 0 : index
    %get3A_243 = vector.load %arg0[%get3A_241, %get3A_242] : memref<32x4096xf32, #tpu.memory_space<vmem>>, vector<32x4096xf32>
    %jit3A_244 = arith.constant 0.000000e+00 : f32
    %broadcast_in_dim3A_245 = vector.broadcast %jit3A_244 : f32 to vector<32x4096xf32>
    %select_n3A_246 = arith.select %and3A_240, %get3A_243, %broadcast_in_dim3A_245 : vector<32x4096xi1>, vector<32x4096xf32>
    %reduce_sum3A_247 = arith.constant dense<0.000000e+00> : vector<4096xf32>
    %reduce_sum3A_248 = vector.multi_reduction <add>, %select_n3A_246, %reduce_sum3A_247 [0] : vector<32x4096xf32> to vector<4096xf32>
    %get3A_249 = arith.constant 0 : index
    %get3A_250 = arith.constant 0 : index
    %get3A_251 = vector.load %arg1[%get3A_249, %get3A_250] : memref<32x4096xf32, #tpu.memory_space<vmem>>, vector<32x4096xf32>
    %jit3A_252 = arith.constant 0.000000e+00 : f32
    %broadcast_in_dim3A_253 = vector.broadcast %jit3A_252 : f32 to vector<32x4096xf32>
    %select_n3A_254 = arith.select %and3A_240, %get3A_251, %broadcast_in_dim3A_253 : vector<32x4096xi1>, vector<32x4096xf32>
    %reduce_sum3A_255 = arith.constant dense<0.000000e+00> : vector<4096xf32>
    %reduce_sum3A_256 = vector.multi_reduction <add>, %select_n3A_254, %reduce_sum3A_255 [0] : vector<32x4096xf32> to vector<4096xf32>
    %get3A_257 = arith.constant 0 : index
    %get3A_258 = arith.constant 0 : index
    %get3A_259 = vector.load %arg2[%get3A_257, %get3A_258] : memref<32x4096xf32, #tpu.memory_space<vmem>>, vector<32x4096xf32>
    %jit3A_260 = arith.constant 0.000000e+00 : f32
    %broadcast_in_dim3A_261 = vector.broadcast %jit3A_260 : f32 to vector<32x4096xf32>
    %select_n3A_262 = arith.select %and3A_240, %get3A_259, %broadcast_in_dim3A_261 : vector<32x4096xi1>, vector<32x4096xf32>
    %reduce_sum3A_263 = arith.constant dense<0.000000e+00> : vector<4096xf32>
    %reduce_sum3A_264 = vector.multi_reduction <add>, %select_n3A_262, %reduce_sum3A_263 [0] : vector<32x4096xf32> to vector<4096xf32>
    %squeeze3A_265 = vector.shape_cast %broadcast_in_dim3A_227 : vector<1x4096xf32> to vector<4096xf32>
    %swap3A_266 = arith.constant 2 : index
    %swap3A_267 = arith.constant 0 : index
    %swap3A_268 = vector.load %arg16[%swap3A_266, %swap3A_267] : memref<16x4096xf32, #tpu.memory_space<vmem>>, vector<1x4096xf32>
    %swap3A_269 = vector.shape_cast %swap3A_268 : vector<1x4096xf32> to vector<4096xf32>
    %swap3A_270 = vector.shape_cast %squeeze3A_265 : vector<4096xf32> to vector<1x4096xf32>
    tpu.vector_store %arg16[%swap3A_266, %swap3A_267], %swap3A_270 {strides = array<i32>} : memref<16x4096xf32, #tpu.memory_space<vmem>>, vector<1x4096xf32>,
    %squeeze3A_271 = vector.shape_cast %broadcast_in_dim3A_235 : vector<1x4096xf32> to vector<4096xf32>
    %convert_element_type3A_272 = arith.fptosi %squeeze3A_271 : vector<4096xf32> to vector<4096xi32>
    %swap3A_273 = arith.constant 2 : index
    %swap3A_274 = arith.constant 0 : index
    %swap3A_275 = vector.load %arg17[%swap3A_273, %swap3A_274] : memref<16x4096xi32, #tpu.memory_space<vmem>>, vector<1x4096xi32>
    %swap3A_276 = vector.shape_cast %swap3A_275 : vector<1x4096xi32> to vector<4096xi32>
    %swap3A_277 = vector.shape_cast %convert_element_type3A_272 : vector<4096xi32> to vector<1x4096xi32>
    tpu.vector_store %arg17[%swap3A_273, %swap3A_274], %swap3A_277 {strides = array<i32>} : memref<16x4096xi32, #tpu.memory_space<vmem>>, vector<1x4096xi32>,
    %swap3A_278 = arith.constant 2 : index
    %swap3A_279 = arith.constant 0 : index
    %swap3A_280 = vector.load %arg10[%swap3A_278, %swap3A_279] : memref<16x4096xf32, #tpu.memory_space<vmem>>, vector<1x4096xf32>
    %swap3A_281 = vector.shape_cast %swap3A_280 : vector<1x4096xf32> to vector<4096xf32>
    %swap3A_282 = vector.shape_cast %reduce_sum3A_248 : vector<4096xf32> to vector<1x4096xf32>
    tpu.vector_store %arg10[%swap3A_278, %swap3A_279], %swap3A_282 {strides = array<i32>} : memref<16x4096xf32, #tpu.memory_space<vmem>>, vector<1x4096xf32>,
    %swap3A_283 = arith.constant 2 : index
    %swap3A_284 = arith.constant 0 : index
    %swap3A_285 = vector.load %arg11[%swap3A_283, %swap3A_284] : memref<16x4096xf32, #tpu.memory_space<vmem>>, vector<1x4096xf32>
    %swap3A_286 = vector.shape_cast %swap3A_285 : vector<1x4096xf32> to vector<4096xf32>
    %swap3A_287 = vector.shape_cast %reduce_sum3A_256 : vector<4096xf32> to vector<1x4096xf32>
    tpu.vector_store %arg11[%swap3A_283, %swap3A_284], %swap3A_287 {strides = array<i32>} : memref<16x4096xf32, #tpu.memory_space<vmem>>, vector<1x4096xf32>,
    %swap3A_288 = arith.constant 2 : index
    %swap3A_289 = arith.constant 0 : index
    %swap3A_290 = vector.load %arg12[%swap3A_288, %swap3A_289] : memref<16x4096xf32, #tpu.memory_space<vmem>>, vector<1x4096xf32>
    %swap3A_291 = vector.shape_cast %swap3A_290 : vector<1x4096xf32> to vector<4096xf32>
    %swap3A_292 = vector.shape_cast %reduce_sum3A_264 : vector<4096xf32> to vector<1x4096xf32>
    tpu.vector_store %arg12[%swap3A_288, %swap3A_289], %swap3A_292 {strides = array<i32>} : memref<16x4096xf32, #tpu.memory_space<vmem>>, vector<1x4096xf32>,
    %gt3A_293 = vector.broadcast %broadcast_in_dim3A_227 : vector<1x4096xf32> to vector<32x4096xf32>
    %gt3A_294 = arith.cmpf ogt, %select_n3A, %gt3A_293 : vector<32x4096xf32>
    %eq3A_295 = vector.broadcast %broadcast_in_dim3A_227 : vector<1x4096xf32> to vector<32x4096xf32>
    %eq3A_296 = arith.cmpf oeq, %select_n3A, %eq3A_295 : vector<32x4096xf32>
    %gt3A_297 = vector.broadcast %broadcast_in_dim3A_235 : vector<1x4096xf32> to vector<32x4096xf32>
    %gt3A_298 = arith.cmpf ogt, %convert_element_type3A, %gt3A_297 : vector<32x4096xf32>
    %and3A_299 = arith.andi %eq3A_296, %gt3A_298 : vector<32x4096xi1>
    %or3A_300 = arith.ori %gt3A_294, %and3A_299 : vector<32x4096xi1>
    %jit3A_301 = arith.constant 3.000000e+38 : f32
    %broadcast_in_dim3A_302 = vector.broadcast %jit3A_301 : f32 to vector<32x4096xf32>
    %select_n3A_303 = arith.select %or3A_300, %select_n3A, %broadcast_in_dim3A_302 : vector<32x4096xi1>, vector<32x4096xf32>
    %reduce_min3A_304 = arith.constant dense<0x7F800000> : vector<4096xf32>
    %reduce_min3A_305 = vector.multi_reduction <minimumf>, %select_n3A_303, %reduce_min3A_304 [0] : vector<32x4096xf32> to vector<4096xf32>
    %broadcast_in_dim3A_306 = vector.shape_cast %reduce_min3A_305 : vector<4096xf32> to vector<1x4096xf32>
    %eq3A_307 = vector.broadcast %broadcast_in_dim3A_306 : vector<1x4096xf32> to vector<32x4096xf32>
    %eq3A_308 = arith.cmpf oeq, %select_n3A_303, %eq3A_307 : vector<32x4096xf32>
    %jit3A_309 = arith.constant 3.000000e+38 : f32
    %broadcast_in_dim3A_310 = vector.broadcast %jit3A_309 : f32 to vector<32x4096xf32>
    %select_n3A_311 = arith.select %eq3A_308, %convert_element_type3A, %broadcast_in_dim3A_310 : vector<32x4096xi1>, vector<32x4096xf32>
    %reduce_min3A_312 = arith.constant dense<0x7F800000> : vector<4096xf32>
    %reduce_min3A_313 = vector.multi_reduction <minimumf>, %select_n3A_311, %reduce_min3A_312 [0] : vector<32x4096xf32> to vector<4096xf32>
    %broadcast_in_dim3A_314 = vector.shape_cast %reduce_min3A_313 : vector<4096xf32> to vector<1x4096xf32>
    %eq3A_315 = vector.broadcast %broadcast_in_dim3A_306 : vector<1x4096xf32> to vector<32x4096xf32>
    %eq3A_316 = arith.cmpf oeq, %select_n3A_303, %eq3A_315 : vector<32x4096xf32>
    %eq3A_317 = vector.broadcast %broadcast_in_dim3A_314 : vector<1x4096xf32> to vector<32x4096xf32>
    %eq3A_318 = arith.cmpf oeq, %convert_element_type3A, %eq3A_317 : vector<32x4096xf32>
    %and3A_319 = arith.andi %eq3A_316, %eq3A_318 : vector<32x4096xi1>
    %get3A_320 = arith.constant 0 : index
    %get3A_321 = arith.constant 0 : index
    %get3A_322 = vector.load %arg0[%get3A_320, %get3A_321] : memref<32x4096xf32, #tpu.memory_space<vmem>>, vector<32x4096xf32>
    %jit3A_323 = arith.constant 0.000000e+00 : f32
    %broadcast_in_dim3A_324 = vector.broadcast %jit3A_323 : f32 to vector<32x4096xf32>
    %select_n3A_325 = arith.select %and3A_319, %get3A_322, %broadcast_in_dim3A_324 : vector<32x4096xi1>, vector<32x4096xf32>
    %reduce_sum3A_326 = arith.constant dense<0.000000e+00> : vector<4096xf32>
    %reduce_sum3A_327 = vector.multi_reduction <add>, %select_n3A_325, %reduce_sum3A_326 [0] : vector<32x4096xf32> to vector<4096xf32>
    %get3A_328 = arith.constant 0 : index
    %get3A_329 = arith.constant 0 : index
    %get3A_330 = vector.load %arg1[%get3A_328, %get3A_329] : memref<32x4096xf32, #tpu.memory_space<vmem>>, vector<32x4096xf32>
    %jit3A_331 = arith.constant 0.000000e+00 : f32
    %broadcast_in_dim3A_332 = vector.broadcast %jit3A_331 : f32 to vector<32x4096xf32>
    %select_n3A_333 = arith.select %and3A_319, %get3A_330, %broadcast_in_dim3A_332 : vector<32x4096xi1>, vector<32x4096xf32>
    %reduce_sum3A_334 = arith.constant dense<0.000000e+00> : vector<4096xf32>
    %reduce_sum3A_335 = vector.multi_reduction <add>, %select_n3A_333, %reduce_sum3A_334 [0] : vector<32x4096xf32> to vector<4096xf32>
    %get3A_336 = arith.constant 0 : index
    %get3A_337 = arith.constant 0 : index
    %get3A_338 = vector.load %arg2[%get3A_336, %get3A_337] : memref<32x4096xf32, #tpu.memory_space<vmem>>, vector<32x4096xf32>
    %jit3A_339 = arith.constant 0.000000e+00 : f32
    %broadcast_in_dim3A_340 = vector.broadcast %jit3A_339 : f32 to vector<32x4096xf32>
    %select_n3A_341 = arith.select %and3A_319, %get3A_338, %broadcast_in_dim3A_340 : vector<32x4096xi1>, vector<32x4096xf32>
    %reduce_sum3A_342 = arith.constant dense<0.000000e+00> : vector<4096xf32>
    %reduce_sum3A_343 = vector.multi_reduction <add>, %select_n3A_341, %reduce_sum3A_342 [0] : vector<32x4096xf32> to vector<4096xf32>
    %squeeze3A_344 = vector.shape_cast %broadcast_in_dim3A_306 : vector<1x4096xf32> to vector<4096xf32>
    %swap3A_345 = arith.constant 3 : index
    %swap3A_346 = arith.constant 0 : index
    %swap3A_347 = vector.load %arg16[%swap3A_345, %swap3A_346] : memref<16x4096xf32, #tpu.memory_space<vmem>>, vector<1x4096xf32>
    %swap3A_348 = vector.shape_cast %swap3A_347 : vector<1x4096xf32> to vector<4096xf32>
    %swap3A_349 = vector.shape_cast %squeeze3A_344 : vector<4096xf32> to vector<1x4096xf32>
    tpu.vector_store %arg16[%swap3A_345, %swap3A_346], %swap3A_349 {strides = array<i32>} : memref<16x4096xf32, #tpu.memory_space<vmem>>, vector<1x4096xf32>,
    %squeeze3A_350 = vector.shape_cast %broadcast_in_dim3A_314 : vector<1x4096xf32> to vector<4096xf32>
    %convert_element_type3A_351 = arith.fptosi %squeeze3A_350 : vector<4096xf32> to vector<4096xi32>
    %swap3A_352 = arith.constant 3 : index
    %swap3A_353 = arith.constant 0 : index
    %swap3A_354 = vector.load %arg17[%swap3A_352, %swap3A_353] : memref<16x4096xi32, #tpu.memory_space<vmem>>, vector<1x4096xi32>
    %swap3A_355 = vector.shape_cast %swap3A_354 : vector<1x4096xi32> to vector<4096xi32>
    %swap3A_356 = vector.shape_cast %convert_element_type3A_351 : vector<4096xi32> to vector<1x4096xi32>
    tpu.vector_store %arg17[%swap3A_352, %swap3A_353], %swap3A_356 {strides = array<i32>} : memref<16x4096xi32, #tpu.memory_space<vmem>>, vector<1x4096xi32>,
    %swap3A_357 = arith.constant 3 : index
    %swap3A_358 = arith.constant 0 : index
    %swap3A_359 = vector.load %arg10[%swap3A_357, %swap3A_358] : memref<16x4096xf32, #tpu.memory_space<vmem>>, vector<1x4096xf32>
    %swap3A_360 = vector.shape_cast %swap3A_359 : vector<1x4096xf32> to vector<4096xf32>
    %swap3A_361 = vector.shape_cast %reduce_sum3A_327 : vector<4096xf32> to vector<1x4096xf32>
    tpu.vector_store %arg10[%swap3A_357, %swap3A_358], %swap3A_361 {strides = array<i32>} : memref<16x4096xf32, #tpu.memory_space<vmem>>, vector<1x4096xf32>,
    %swap3A_362 = arith.constant 3 : index
    %swap3A_363 = arith.constant 0 : index
    %swap3A_364 = vector.load %arg11[%swap3A_362, %swap3A_363] : memref<16x4096xf32, #tpu.memory_space<vmem>>, vector<1x4096xf32>
    %swap3A_365 = vector.shape_cast %swap3A_364 : vector<1x4096xf32> to vector<4096xf32>
    %swap3A_366 = vector.shape_cast %reduce_sum3A_335 : vector<4096xf32> to vector<1x4096xf32>
    tpu.vector_store %arg11[%swap3A_362, %swap3A_363], %swap3A_366 {strides = array<i32>} : memref<16x4096xf32, #tpu.memory_space<vmem>>, vector<1x4096xf32>,
    %swap3A_367 = arith.constant 3 : index
    %swap3A_368 = arith.constant 0 : index
    %swap3A_369 = vector.load %arg12[%swap3A_367, %swap3A_368] : memref<16x4096xf32, #tpu.memory_space<vmem>>, vector<1x4096xf32>
    %swap3A_370 = vector.shape_cast %swap3A_369 : vector<1x4096xf32> to vector<4096xf32>
    %swap3A_371 = vector.shape_cast %reduce_sum3A_343 : vector<4096xf32> to vector<1x4096xf32>
    tpu.vector_store %arg12[%swap3A_367, %swap3A_368], %swap3A_371 {strides = array<i32>} : memref<16x4096xf32, #tpu.memory_space<vmem>>, vector<1x4096xf32>,
    %gt3A_372 = vector.broadcast %broadcast_in_dim3A_306 : vector<1x4096xf32> to vector<32x4096xf32>
    %gt3A_373 = arith.cmpf ogt, %select_n3A, %gt3A_372 : vector<32x4096xf32>
    %eq3A_374 = vector.broadcast %broadcast_in_dim3A_306 : vector<1x4096xf32> to vector<32x4096xf32>
    %eq3A_375 = arith.cmpf oeq, %select_n3A, %eq3A_374 : vector<32x4096xf32>
    %gt3A_376 = vector.broadcast %broadcast_in_dim3A_314 : vector<1x4096xf32> to vector<32x4096xf32>
    %gt3A_377 = arith.cmpf ogt, %convert_element_type3A, %gt3A_376 : vector<32x4096xf32>
    %and3A_378 = arith.andi %eq3A_375, %gt3A_377 : vector<32x4096xi1>
    %or3A_379 = arith.ori %gt3A_373, %and3A_378 : vector<32x4096xi1>
    %jit3A_380 = arith.constant 3.000000e+38 : f32
    %broadcast_in_dim3A_381 = vector.broadcast %jit3A_380 : f32 to vector<32x4096xf32>
    %select_n3A_382 = arith.select %or3A_379, %select_n3A, %broadcast_in_dim3A_381 : vector<32x4096xi1>, vector<32x4096xf32>
    %reduce_min3A_383 = arith.constant dense<0x7F800000> : vector<4096xf32>
    %reduce_min3A_384 = vector.multi_reduction <minimumf>, %select_n3A_382, %reduce_min3A_383 [0] : vector<32x4096xf32> to vector<4096xf32>
    %broadcast_in_dim3A_385 = vector.shape_cast %reduce_min3A_384 : vector<4096xf32> to vector<1x4096xf32>
    %eq3A_386 = vector.broadcast %broadcast_in_dim3A_385 : vector<1x4096xf32> to vector<32x4096xf32>
    %eq3A_387 = arith.cmpf oeq, %select_n3A_382, %eq3A_386 : vector<32x4096xf32>
    %jit3A_388 = arith.constant 3.000000e+38 : f32
    %broadcast_in_dim3A_389 = vector.broadcast %jit3A_388 : f32 to vector<32x4096xf32>
    %select_n3A_390 = arith.select %eq3A_387, %convert_element_type3A, %broadcast_in_dim3A_389 : vector<32x4096xi1>, vector<32x4096xf32>
    %reduce_min3A_391 = arith.constant dense<0x7F800000> : vector<4096xf32>
    %reduce_min3A_392 = vector.multi_reduction <minimumf>, %select_n3A_390, %reduce_min3A_391 [0] : vector<32x4096xf32> to vector<4096xf32>
    %broadcast_in_dim3A_393 = vector.shape_cast %reduce_min3A_392 : vector<4096xf32> to vector<1x4096xf32>
    %eq3A_394 = vector.broadcast %broadcast_in_dim3A_385 : vector<1x4096xf32> to vector<32x4096xf32>
    %eq3A_395 = arith.cmpf oeq, %select_n3A_382, %eq3A_394 : vector<32x4096xf32>
    %eq3A_396 = vector.broadcast %broadcast_in_dim3A_393 : vector<1x4096xf32> to vector<32x4096xf32>
    %eq3A_397 = arith.cmpf oeq, %convert_element_type3A, %eq3A_396 : vector<32x4096xf32>
    %and3A_398 = arith.andi %eq3A_395, %eq3A_397 : vector<32x4096xi1>
    %get3A_399 = arith.constant 0 : index
    %get3A_400 = arith.constant 0 : index
    %get3A_401 = vector.load %arg0[%get3A_399, %get3A_400] : memref<32x4096xf32, #tpu.memory_space<vmem>>, vector<32x4096xf32>
    %jit3A_402 = arith.constant 0.000000e+00 : f32
    %broadcast_in_dim3A_403 = vector.broadcast %jit3A_402 : f32 to vector<32x4096xf32>
    %select_n3A_404 = arith.select %and3A_398, %get3A_401, %broadcast_in_dim3A_403 : vector<32x4096xi1>, vector<32x4096xf32>
    %reduce_sum3A_405 = arith.constant dense<0.000000e+00> : vector<4096xf32>
    %reduce_sum3A_406 = vector.multi_reduction <add>, %select_n3A_404, %reduce_sum3A_405 [0] : vector<32x4096xf32> to vector<4096xf32>
    %get3A_407 = arith.constant 0 : index
    %get3A_408 = arith.constant 0 : index
    %get3A_409 = vector.load %arg1[%get3A_407, %get3A_408] : memref<32x4096xf32, #tpu.memory_space<vmem>>, vector<32x4096xf32>
    %jit3A_410 = arith.constant 0.000000e+00 : f32
    %broadcast_in_dim3A_411 = vector.broadcast %jit3A_410 : f32 to vector<32x4096xf32>
    %select_n3A_412 = arith.select %and3A_398, %get3A_409, %broadcast_in_dim3A_411 : vector<32x4096xi1>, vector<32x4096xf32>
    %reduce_sum3A_413 = arith.constant dense<0.000000e+00> : vector<4096xf32>
    %reduce_sum3A_414 = vector.multi_reduction <add>, %select_n3A_412, %reduce_sum3A_413 [0] : vector<32x4096xf32> to vector<4096xf32>
    %get3A_415 = arith.constant 0 : index
    %get3A_416 = arith.constant 0 : index
    %get3A_417 = vector.load %arg2[%get3A_415, %get3A_416] : memref<32x4096xf32, #tpu.memory_space<vmem>>, vector<32x4096xf32>
    %jit3A_418 = arith.constant 0.000000e+00 : f32
    %broadcast_in_dim3A_419 = vector.broadcast %jit3A_418 : f32 to vector<32x4096xf32>
    %select_n3A_420 = arith.select %and3A_398, %get3A_417, %broadcast_in_dim3A_419 : vector<32x4096xi1>, vector<32x4096xf32>
    %reduce_sum3A_421 = arith.constant dense<0.000000e+00> : vector<4096xf32>
    %reduce_sum3A_422 = vector.multi_reduction <add>, %select_n3A_420, %reduce_sum3A_421 [0] : vector<32x4096xf32> to vector<4096xf32>
    %squeeze3A_423 = vector.shape_cast %broadcast_in_dim3A_385 : vector<1x4096xf32> to vector<4096xf32>
    %swap3A_424 = arith.constant 4 : index
    %swap3A_425 = arith.constant 0 : index
    %swap3A_426 = vector.load %arg16[%swap3A_424, %swap3A_425] : memref<16x4096xf32, #tpu.memory_space<vmem>>, vector<1x4096xf32>
    %swap3A_427 = vector.shape_cast %swap3A_426 : vector<1x4096xf32> to vector<4096xf32>
    %swap3A_428 = vector.shape_cast %squeeze3A_423 : vector<4096xf32> to vector<1x4096xf32>
    tpu.vector_store %arg16[%swap3A_424, %swap3A_425], %swap3A_428 {strides = array<i32>} : memref<16x4096xf32, #tpu.memory_space<vmem>>, vector<1x4096xf32>,
    %squeeze3A_429 = vector.shape_cast %broadcast_in_dim3A_393 : vector<1x4096xf32> to vector<4096xf32>
    %convert_element_type3A_430 = arith.fptosi %squeeze3A_429 : vector<4096xf32> to vector<4096xi32>
    %swap3A_431 = arith.constant 4 : index
    %swap3A_432 = arith.constant 0 : index
    %swap3A_433 = vector.load %arg17[%swap3A_431, %swap3A_432] : memref<16x4096xi32, #tpu.memory_space<vmem>>, vector<1x4096xi32>
    %swap3A_434 = vector.shape_cast %swap3A_433 : vector<1x4096xi32> to vector<4096xi32>
    %swap3A_435 = vector.shape_cast %convert_element_type3A_430 : vector<4096xi32> to vector<1x4096xi32>
    tpu.vector_store %arg17[%swap3A_431, %swap3A_432], %swap3A_435 {strides = array<i32>} : memref<16x4096xi32, #tpu.memory_space<vmem>>, vector<1x4096xi32>,
    %swap3A_436 = arith.constant 4 : index
    %swap3A_437 = arith.constant 0 : index
    %swap3A_438 = vector.load %arg10[%swap3A_436, %swap3A_437] : memref<16x4096xf32, #tpu.memory_space<vmem>>, vector<1x4096xf32>
    %swap3A_439 = vector.shape_cast %swap3A_438 : vector<1x4096xf32> to vector<4096xf32>
    %swap3A_440 = vector.shape_cast %reduce_sum3A_406 : vector<4096xf32> to vector<1x4096xf32>
    tpu.vector_store %arg10[%swap3A_436, %swap3A_437], %swap3A_440 {strides = array<i32>} : memref<16x4096xf32, #tpu.memory_space<vmem>>, vector<1x4096xf32>,
    %swap3A_441 = arith.constant 4 : index
    %swap3A_442 = arith.constant 0 : index
    %swap3A_443 = vector.load %arg11[%swap3A_441, %swap3A_442] : memref<16x4096xf32, #tpu.memory_space<vmem>>, vector<1x4096xf32>
    %swap3A_444 = vector.shape_cast %swap3A_443 : vector<1x4096xf32> to vector<4096xf32>
    %swap3A_445 = vector.shape_cast %reduce_sum3A_414 : vector<4096xf32> to vector<1x4096xf32>
    tpu.vector_store %arg11[%swap3A_441, %swap3A_442], %swap3A_445 {strides = array<i32>} : memref<16x4096xf32, #tpu.memory_space<vmem>>, vector<1x4096xf32>,
    %swap3A_446 = arith.constant 4 : index
    %swap3A_447 = arith.constant 0 : index
    %swap3A_448 = vector.load %arg12[%swap3A_446, %swap3A_447] : memref<16x4096xf32, #tpu.memory_space<vmem>>, vector<1x4096xf32>
    %swap3A_449 = vector.shape_cast %swap3A_448 : vector<1x4096xf32> to vector<4096xf32>
    %swap3A_450 = vector.shape_cast %reduce_sum3A_422 : vector<4096xf32> to vector<1x4096xf32>
    tpu.vector_store %arg12[%swap3A_446, %swap3A_447], %swap3A_450 {strides = array<i32>} : memref<16x4096xf32, #tpu.memory_space<vmem>>, vector<1x4096xf32>,
    %gt3A_451 = vector.broadcast %broadcast_in_dim3A_385 : vector<1x4096xf32> to vector<32x4096xf32>
    %gt3A_452 = arith.cmpf ogt, %select_n3A, %gt3A_451 : vector<32x4096xf32>
    %eq3A_453 = vector.broadcast %broadcast_in_dim3A_385 : vector<1x4096xf32> to vector<32x4096xf32>
    %eq3A_454 = arith.cmpf oeq, %select_n3A, %eq3A_453 : vector<32x4096xf32>
    %gt3A_455 = vector.broadcast %broadcast_in_dim3A_393 : vector<1x4096xf32> to vector<32x4096xf32>
    %gt3A_456 = arith.cmpf ogt, %convert_element_type3A, %gt3A_455 : vector<32x4096xf32>
    %and3A_457 = arith.andi %eq3A_454, %gt3A_456 : vector<32x4096xi1>
    %or3A_458 = arith.ori %gt3A_452, %and3A_457 : vector<32x4096xi1>
    %jit3A_459 = arith.constant 3.000000e+38 : f32
    %broadcast_in_dim3A_460 = vector.broadcast %jit3A_459 : f32 to vector<32x4096xf32>
    %select_n3A_461 = arith.select %or3A_458, %select_n3A, %broadcast_in_dim3A_460 : vector<32x4096xi1>, vector<32x4096xf32>
    %reduce_min3A_462 = arith.constant dense<0x7F800000> : vector<4096xf32>
    %reduce_min3A_463 = vector.multi_reduction <minimumf>, %select_n3A_461, %reduce_min3A_462 [0] : vector<32x4096xf32> to vector<4096xf32>
    %broadcast_in_dim3A_464 = vector.shape_cast %reduce_min3A_463 : vector<4096xf32> to vector<1x4096xf32>
    %eq3A_465 = vector.broadcast %broadcast_in_dim3A_464 : vector<1x4096xf32> to vector<32x4096xf32>
    %eq3A_466 = arith.cmpf oeq, %select_n3A_461, %eq3A_465 : vector<32x4096xf32>
    %jit3A_467 = arith.constant 3.000000e+38 : f32
    %broadcast_in_dim3A_468 = vector.broadcast %jit3A_467 : f32 to vector<32x4096xf32>
    %select_n3A_469 = arith.select %eq3A_466, %convert_element_type3A, %broadcast_in_dim3A_468 : vector<32x4096xi1>, vector<32x4096xf32>
    %reduce_min3A_470 = arith.constant dense<0x7F800000> : vector<4096xf32>
    %reduce_min3A_471 = vector.multi_reduction <minimumf>, %select_n3A_469, %reduce_min3A_470 [0] : vector<32x4096xf32> to vector<4096xf32>
    %broadcast_in_dim3A_472 = vector.shape_cast %reduce_min3A_471 : vector<4096xf32> to vector<1x4096xf32>
    %eq3A_473 = vector.broadcast %broadcast_in_dim3A_464 : vector<1x4096xf32> to vector<32x4096xf32>
    %eq3A_474 = arith.cmpf oeq, %select_n3A_461, %eq3A_473 : vector<32x4096xf32>
    %eq3A_475 = vector.broadcast %broadcast_in_dim3A_472 : vector<1x4096xf32> to vector<32x4096xf32>
    %eq3A_476 = arith.cmpf oeq, %convert_element_type3A, %eq3A_475 : vector<32x4096xf32>
    %and3A_477 = arith.andi %eq3A_474, %eq3A_476 : vector<32x4096xi1>
    %get3A_478 = arith.constant 0 : index
    %get3A_479 = arith.constant 0 : index
    %get3A_480 = vector.load %arg0[%get3A_478, %get3A_479] : memref<32x4096xf32, #tpu.memory_space<vmem>>, vector<32x4096xf32>
    %jit3A_481 = arith.constant 0.000000e+00 : f32
    %broadcast_in_dim3A_482 = vector.broadcast %jit3A_481 : f32 to vector<32x4096xf32>
    %select_n3A_483 = arith.select %and3A_477, %get3A_480, %broadcast_in_dim3A_482 : vector<32x4096xi1>, vector<32x4096xf32>
    %reduce_sum3A_484 = arith.constant dense<0.000000e+00> : vector<4096xf32>
    %reduce_sum3A_485 = vector.multi_reduction <add>, %select_n3A_483, %reduce_sum3A_484 [0] : vector<32x4096xf32> to vector<4096xf32>
    %get3A_486 = arith.constant 0 : index
    %get3A_487 = arith.constant 0 : index
    %get3A_488 = vector.load %arg1[%get3A_486, %get3A_487] : memref<32x4096xf32, #tpu.memory_space<vmem>>, vector<32x4096xf32>
    %jit3A_489 = arith.constant 0.000000e+00 : f32
    %broadcast_in_dim3A_490 = vector.broadcast %jit3A_489 : f32 to vector<32x4096xf32>
    %select_n3A_491 = arith.select %and3A_477, %get3A_488, %broadcast_in_dim3A_490 : vector<32x4096xi1>, vector<32x4096xf32>
    %reduce_sum3A_492 = arith.constant dense<0.000000e+00> : vector<4096xf32>
    %reduce_sum3A_493 = vector.multi_reduction <add>, %select_n3A_491, %reduce_sum3A_492 [0] : vector<32x4096xf32> to vector<4096xf32>
    %get3A_494 = arith.constant 0 : index
    %get3A_495 = arith.constant 0 : index
    %get3A_496 = vector.load %arg2[%get3A_494, %get3A_495] : memref<32x4096xf32, #tpu.memory_space<vmem>>, vector<32x4096xf32>
    %jit3A_497 = arith.constant 0.000000e+00 : f32
    %broadcast_in_dim3A_498 = vector.broadcast %jit3A_497 : f32 to vector<32x4096xf32>
    %select_n3A_499 = arith.select %and3A_477, %get3A_496, %broadcast_in_dim3A_498 : vector<32x4096xi1>, vector<32x4096xf32>
    %reduce_sum3A_500 = arith.constant dense<0.000000e+00> : vector<4096xf32>
    %reduce_sum3A_501 = vector.multi_reduction <add>, %select_n3A_499, %reduce_sum3A_500 [0] : vector<32x4096xf32> to vector<4096xf32>
    %squeeze3A_502 = vector.shape_cast %broadcast_in_dim3A_464 : vector<1x4096xf32> to vector<4096xf32>
    %swap3A_503 = arith.constant 5 : index
    %swap3A_504 = arith.constant 0 : index
    %swap3A_505 = vector.load %arg16[%swap3A_503, %swap3A_504] : memref<16x4096xf32, #tpu.memory_space<vmem>>, vector<1x4096xf32>
    %swap3A_506 = vector.shape_cast %swap3A_505 : vector<1x4096xf32> to vector<4096xf32>
    %swap3A_507 = vector.shape_cast %squeeze3A_502 : vector<4096xf32> to vector<1x4096xf32>
    tpu.vector_store %arg16[%swap3A_503, %swap3A_504], %swap3A_507 {strides = array<i32>} : memref<16x4096xf32, #tpu.memory_space<vmem>>, vector<1x4096xf32>,
    %squeeze3A_508 = vector.shape_cast %broadcast_in_dim3A_472 : vector<1x4096xf32> to vector<4096xf32>
    %convert_element_type3A_509 = arith.fptosi %squeeze3A_508 : vector<4096xf32> to vector<4096xi32>
    %swap3A_510 = arith.constant 5 : index
    %swap3A_511 = arith.constant 0 : index
    %swap3A_512 = vector.load %arg17[%swap3A_510, %swap3A_511] : memref<16x4096xi32, #tpu.memory_space<vmem>>, vector<1x4096xi32>
    %swap3A_513 = vector.shape_cast %swap3A_512 : vector<1x4096xi32> to vector<4096xi32>
    %swap3A_514 = vector.shape_cast %convert_element_type3A_509 : vector<4096xi32> to vector<1x4096xi32>
    tpu.vector_store %arg17[%swap3A_510, %swap3A_511], %swap3A_514 {strides = array<i32>} : memref<16x4096xi32, #tpu.memory_space<vmem>>, vector<1x4096xi32>,
    %swap3A_515 = arith.constant 5 : index
    %swap3A_516 = arith.constant 0 : index
    %swap3A_517 = vector.load %arg10[%swap3A_515, %swap3A_516] : memref<16x4096xf32, #tpu.memory_space<vmem>>, vector<1x4096xf32>
    %swap3A_518 = vector.shape_cast %swap3A_517 : vector<1x4096xf32> to vector<4096xf32>
    %swap3A_519 = vector.shape_cast %reduce_sum3A_485 : vector<4096xf32> to vector<1x4096xf32>
    tpu.vector_store %arg10[%swap3A_515, %swap3A_516], %swap3A_519 {strides = array<i32>} : memref<16x4096xf32, #tpu.memory_space<vmem>>, vector<1x4096xf32>,
    %swap3A_520 = arith.constant 5 : index
    %swap3A_521 = arith.constant 0 : index
    %swap3A_522 = vector.load %arg11[%swap3A_520, %swap3A_521] : memref<16x4096xf32, #tpu.memory_space<vmem>>, vector<1x4096xf32>
    %swap3A_523 = vector.shape_cast %swap3A_522 : vector<1x4096xf32> to vector<4096xf32>
    %swap3A_524 = vector.shape_cast %reduce_sum3A_493 : vector<4096xf32> to vector<1x4096xf32>
    tpu.vector_store %arg11[%swap3A_520, %swap3A_521], %swap3A_524 {strides = array<i32>} : memref<16x4096xf32, #tpu.memory_space<vmem>>, vector<1x4096xf32>,
    %swap3A_525 = arith.constant 5 : index
    %swap3A_526 = arith.constant 0 : index
    %swap3A_527 = vector.load %arg12[%swap3A_525, %swap3A_526] : memref<16x4096xf32, #tpu.memory_space<vmem>>, vector<1x4096xf32>
    %swap3A_528 = vector.shape_cast %swap3A_527 : vector<1x4096xf32> to vector<4096xf32>
    %swap3A_529 = vector.shape_cast %reduce_sum3A_501 : vector<4096xf32> to vector<1x4096xf32>
    tpu.vector_store %arg12[%swap3A_525, %swap3A_526], %swap3A_529 {strides = array<i32>} : memref<16x4096xf32, #tpu.memory_space<vmem>>, vector<1x4096xf32>,
    %gt3A_530 = vector.broadcast %broadcast_in_dim3A_464 : vector<1x4096xf32> to vector<32x4096xf32>
    %gt3A_531 = arith.cmpf ogt, %select_n3A, %gt3A_530 : vector<32x4096xf32>
    %eq3A_532 = vector.broadcast %broadcast_in_dim3A_464 : vector<1x4096xf32> to vector<32x4096xf32>
    %eq3A_533 = arith.cmpf oeq, %select_n3A, %eq3A_532 : vector<32x4096xf32>
    %gt3A_534 = vector.broadcast %broadcast_in_dim3A_472 : vector<1x4096xf32> to vector<32x4096xf32>
    %gt3A_535 = arith.cmpf ogt, %convert_element_type3A, %gt3A_534 : vector<32x4096xf32>
    %and3A_536 = arith.andi %eq3A_533, %gt3A_535 : vector<32x4096xi1>
    %or3A_537 = arith.ori %gt3A_531, %and3A_536 : vector<32x4096xi1>
    %jit3A_538 = arith.constant 3.000000e+38 : f32
    %broadcast_in_dim3A_539 = vector.broadcast %jit3A_538 : f32 to vector<32x4096xf32>
    %select_n3A_540 = arith.select %or3A_537, %select_n3A, %broadcast_in_dim3A_539 : vector<32x4096xi1>, vector<32x4096xf32>
    %reduce_min3A_541 = arith.constant dense<0x7F800000> : vector<4096xf32>
    %reduce_min3A_542 = vector.multi_reduction <minimumf>, %select_n3A_540, %reduce_min3A_541 [0] : vector<32x4096xf32> to vector<4096xf32>
    %broadcast_in_dim3A_543 = vector.shape_cast %reduce_min3A_542 : vector<4096xf32> to vector<1x4096xf32>
    %eq3A_544 = vector.broadcast %broadcast_in_dim3A_543 : vector<1x4096xf32> to vector<32x4096xf32>
    %eq3A_545 = arith.cmpf oeq, %select_n3A_540, %eq3A_544 : vector<32x4096xf32>
    %jit3A_546 = arith.constant 3.000000e+38 : f32
    %broadcast_in_dim3A_547 = vector.broadcast %jit3A_546 : f32 to vector<32x4096xf32>
    %select_n3A_548 = arith.select %eq3A_545, %convert_element_type3A, %broadcast_in_dim3A_547 : vector<32x4096xi1>, vector<32x4096xf32>
    %reduce_min3A_549 = arith.constant dense<0x7F800000> : vector<4096xf32>
    %reduce_min3A_550 = vector.multi_reduction <minimumf>, %select_n3A_548, %reduce_min3A_549 [0] : vector<32x4096xf32> to vector<4096xf32>
    %broadcast_in_dim3A_551 = vector.shape_cast %reduce_min3A_550 : vector<4096xf32> to vector<1x4096xf32>
    %eq3A_552 = vector.broadcast %broadcast_in_dim3A_543 : vector<1x4096xf32> to vector<32x4096xf32>
    %eq3A_553 = arith.cmpf oeq, %select_n3A_540, %eq3A_552 : vector<32x4096xf32>
    %eq3A_554 = vector.broadcast %broadcast_in_dim3A_551 : vector<1x4096xf32> to vector<32x4096xf32>
    %eq3A_555 = arith.cmpf oeq, %convert_element_type3A, %eq3A_554 : vector<32x4096xf32>
    %and3A_556 = arith.andi %eq3A_553, %eq3A_555 : vector<32x4096xi1>
    %get3A_557 = arith.constant 0 : index
    %get3A_558 = arith.constant 0 : index
    %get3A_559 = vector.load %arg0[%get3A_557, %get3A_558] : memref<32x4096xf32, #tpu.memory_space<vmem>>, vector<32x4096xf32>
    %jit3A_560 = arith.constant 0.000000e+00 : f32
    %broadcast_in_dim3A_561 = vector.broadcast %jit3A_560 : f32 to vector<32x4096xf32>
    %select_n3A_562 = arith.select %and3A_556, %get3A_559, %broadcast_in_dim3A_561 : vector<32x4096xi1>, vector<32x4096xf32>
    %reduce_sum3A_563 = arith.constant dense<0.000000e+00> : vector<4096xf32>
    %reduce_sum3A_564 = vector.multi_reduction <add>, %select_n3A_562, %reduce_sum3A_563 [0] : vector<32x4096xf32> to vector<4096xf32>
    %get3A_565 = arith.constant 0 : index
    %get3A_566 = arith.constant 0 : index
    %get3A_567 = vector.load %arg1[%get3A_565, %get3A_566] : memref<32x4096xf32, #tpu.memory_space<vmem>>, vector<32x4096xf32>
    %jit3A_568 = arith.constant 0.000000e+00 : f32
    %broadcast_in_dim3A_569 = vector.broadcast %jit3A_568 : f32 to vector<32x4096xf32>
    %select_n3A_570 = arith.select %and3A_556, %get3A_567, %broadcast_in_dim3A_569 : vector<32x4096xi1>, vector<32x4096xf32>
    %reduce_sum3A_571 = arith.constant dense<0.000000e+00> : vector<4096xf32>
    %reduce_sum3A_572 = vector.multi_reduction <add>, %select_n3A_570, %reduce_sum3A_571 [0] : vector<32x4096xf32> to vector<4096xf32>
    %get3A_573 = arith.constant 0 : index
    %get3A_574 = arith.constant 0 : index
    %get3A_575 = vector.load %arg2[%get3A_573, %get3A_574] : memref<32x4096xf32, #tpu.memory_space<vmem>>, vector<32x4096xf32>
    %jit3A_576 = arith.constant 0.000000e+00 : f32
    %broadcast_in_dim3A_577 = vector.broadcast %jit3A_576 : f32 to vector<32x4096xf32>
    %select_n3A_578 = arith.select %and3A_556, %get3A_575, %broadcast_in_dim3A_577 : vector<32x4096xi1>, vector<32x4096xf32>
    %reduce_sum3A_579 = arith.constant dense<0.000000e+00> : vector<4096xf32>
    %reduce_sum3A_580 = vector.multi_reduction <add>, %select_n3A_578, %reduce_sum3A_579 [0] : vector<32x4096xf32> to vector<4096xf32>
    %squeeze3A_581 = vector.shape_cast %broadcast_in_dim3A_543 : vector<1x4096xf32> to vector<4096xf32>
    %swap3A_582 = arith.constant 6 : index
    %swap3A_583 = arith.constant 0 : index
    %swap3A_584 = vector.load %arg16[%swap3A_582, %swap3A_583] : memref<16x4096xf32, #tpu.memory_space<vmem>>, vector<1x4096xf32>
    %swap3A_585 = vector.shape_cast %swap3A_584 : vector<1x4096xf32> to vector<4096xf32>
    %swap3A_586 = vector.shape_cast %squeeze3A_581 : vector<4096xf32> to vector<1x4096xf32>
    tpu.vector_store %arg16[%swap3A_582, %swap3A_583], %swap3A_586 {strides = array<i32>} : memref<16x4096xf32, #tpu.memory_space<vmem>>, vector<1x4096xf32>,
    %squeeze3A_587 = vector.shape_cast %broadcast_in_dim3A_551 : vector<1x4096xf32> to vector<4096xf32>
    %convert_element_type3A_588 = arith.fptosi %squeeze3A_587 : vector<4096xf32> to vector<4096xi32>
    %swap3A_589 = arith.constant 6 : index
    %swap3A_590 = arith.constant 0 : index
    %swap3A_591 = vector.load %arg17[%swap3A_589, %swap3A_590] : memref<16x4096xi32, #tpu.memory_space<vmem>>, vector<1x4096xi32>
    %swap3A_592 = vector.shape_cast %swap3A_591 : vector<1x4096xi32> to vector<4096xi32>
    %swap3A_593 = vector.shape_cast %convert_element_type3A_588 : vector<4096xi32> to vector<1x4096xi32>
    tpu.vector_store %arg17[%swap3A_589, %swap3A_590], %swap3A_593 {strides = array<i32>} : memref<16x4096xi32, #tpu.memory_space<vmem>>, vector<1x4096xi32>,
    %swap3A_594 = arith.constant 6 : index
    %swap3A_595 = arith.constant 0 : index
    %swap3A_596 = vector.load %arg10[%swap3A_594, %swap3A_595] : memref<16x4096xf32, #tpu.memory_space<vmem>>, vector<1x4096xf32>
    %swap3A_597 = vector.shape_cast %swap3A_596 : vector<1x4096xf32> to vector<4096xf32>
    %swap3A_598 = vector.shape_cast %reduce_sum3A_564 : vector<4096xf32> to vector<1x4096xf32>
    tpu.vector_store %arg10[%swap3A_594, %swap3A_595], %swap3A_598 {strides = array<i32>} : memref<16x4096xf32, #tpu.memory_space<vmem>>, vector<1x4096xf32>,
    %swap3A_599 = arith.constant 6 : index
    %swap3A_600 = arith.constant 0 : index
    %swap3A_601 = vector.load %arg11[%swap3A_599, %swap3A_600] : memref<16x4096xf32, #tpu.memory_space<vmem>>, vector<1x4096xf32>
    %swap3A_602 = vector.shape_cast %swap3A_601 : vector<1x4096xf32> to vector<4096xf32>
    %swap3A_603 = vector.shape_cast %reduce_sum3A_572 : vector<4096xf32> to vector<1x4096xf32>
    tpu.vector_store %arg11[%swap3A_599, %swap3A_600], %swap3A_603 {strides = array<i32>} : memref<16x4096xf32, #tpu.memory_space<vmem>>, vector<1x4096xf32>,
    %swap3A_604 = arith.constant 6 : index
    %swap3A_605 = arith.constant 0 : index
    %swap3A_606 = vector.load %arg12[%swap3A_604, %swap3A_605] : memref<16x4096xf32, #tpu.memory_space<vmem>>, vector<1x4096xf32>
    %swap3A_607 = vector.shape_cast %swap3A_606 : vector<1x4096xf32> to vector<4096xf32>
    %swap3A_608 = vector.shape_cast %reduce_sum3A_580 : vector<4096xf32> to vector<1x4096xf32>
    tpu.vector_store %arg12[%swap3A_604, %swap3A_605], %swap3A_608 {strides = array<i32>} : memref<16x4096xf32, #tpu.memory_space<vmem>>, vector<1x4096xf32>,
    %gt3A_609 = vector.broadcast %broadcast_in_dim3A_543 : vector<1x4096xf32> to vector<32x4096xf32>
    %gt3A_610 = arith.cmpf ogt, %select_n3A, %gt3A_609 : vector<32x4096xf32>
    %eq3A_611 = vector.broadcast %broadcast_in_dim3A_543 : vector<1x4096xf32> to vector<32x4096xf32>
    %eq3A_612 = arith.cmpf oeq, %select_n3A, %eq3A_611 : vector<32x4096xf32>
    %gt3A_613 = vector.broadcast %broadcast_in_dim3A_551 : vector<1x4096xf32> to vector<32x4096xf32>
    %gt3A_614 = arith.cmpf ogt, %convert_element_type3A, %gt3A_613 : vector<32x4096xf32>
    %and3A_615 = arith.andi %eq3A_612, %gt3A_614 : vector<32x4096xi1>
    %or3A_616 = arith.ori %gt3A_610, %and3A_615 : vector<32x4096xi1>
    %jit3A_617 = arith.constant 3.000000e+38 : f32
    %broadcast_in_dim3A_618 = vector.broadcast %jit3A_617 : f32 to vector<32x4096xf32>
    %select_n3A_619 = arith.select %or3A_616, %select_n3A, %broadcast_in_dim3A_618 : vector<32x4096xi1>, vector<32x4096xf32>
    %reduce_min3A_620 = arith.constant dense<0x7F800000> : vector<4096xf32>
    %reduce_min3A_621 = vector.multi_reduction <minimumf>, %select_n3A_619, %reduce_min3A_620 [0] : vector<32x4096xf32> to vector<4096xf32>
    %broadcast_in_dim3A_622 = vector.shape_cast %reduce_min3A_621 : vector<4096xf32> to vector<1x4096xf32>
    %eq3A_623 = vector.broadcast %broadcast_in_dim3A_622 : vector<1x4096xf32> to vector<32x4096xf32>
    %eq3A_624 = arith.cmpf oeq, %select_n3A_619, %eq3A_623 : vector<32x4096xf32>
    %jit3A_625 = arith.constant 3.000000e+38 : f32
    %broadcast_in_dim3A_626 = vector.broadcast %jit3A_625 : f32 to vector<32x4096xf32>
    %select_n3A_627 = arith.select %eq3A_624, %convert_element_type3A, %broadcast_in_dim3A_626 : vector<32x4096xi1>, vector<32x4096xf32>
    %reduce_min3A_628 = arith.constant dense<0x7F800000> : vector<4096xf32>
    %reduce_min3A_629 = vector.multi_reduction <minimumf>, %select_n3A_627, %reduce_min3A_628 [0] : vector<32x4096xf32> to vector<4096xf32>
    %broadcast_in_dim3A_630 = vector.shape_cast %reduce_min3A_629 : vector<4096xf32> to vector<1x4096xf32>
    %eq3A_631 = vector.broadcast %broadcast_in_dim3A_622 : vector<1x4096xf32> to vector<32x4096xf32>
    %eq3A_632 = arith.cmpf oeq, %select_n3A_619, %eq3A_631 : vector<32x4096xf32>
    %eq3A_633 = vector.broadcast %broadcast_in_dim3A_630 : vector<1x4096xf32> to vector<32x4096xf32>
    %eq3A_634 = arith.cmpf oeq, %convert_element_type3A, %eq3A_633 : vector<32x4096xf32>
    %and3A_635 = arith.andi %eq3A_632, %eq3A_634 : vector<32x4096xi1>
    %get3A_636 = arith.constant 0 : index
    %get3A_637 = arith.constant 0 : index
    %get3A_638 = vector.load %arg0[%get3A_636, %get3A_637] : memref<32x4096xf32, #tpu.memory_space<vmem>>, vector<32x4096xf32>
    %jit3A_639 = arith.constant 0.000000e+00 : f32
    %broadcast_in_dim3A_640 = vector.broadcast %jit3A_639 : f32 to vector<32x4096xf32>
    %select_n3A_641 = arith.select %and3A_635, %get3A_638, %broadcast_in_dim3A_640 : vector<32x4096xi1>, vector<32x4096xf32>
    %reduce_sum3A_642 = arith.constant dense<0.000000e+00> : vector<4096xf32>
    %reduce_sum3A_643 = vector.multi_reduction <add>, %select_n3A_641, %reduce_sum3A_642 [0] : vector<32x4096xf32> to vector<4096xf32>
    %get3A_644 = arith.constant 0 : index
    %get3A_645 = arith.constant 0 : index
    %get3A_646 = vector.load %arg1[%get3A_644, %get3A_645] : memref<32x4096xf32, #tpu.memory_space<vmem>>, vector<32x4096xf32>
    %jit3A_647 = arith.constant 0.000000e+00 : f32
    %broadcast_in_dim3A_648 = vector.broadcast %jit3A_647 : f32 to vector<32x4096xf32>
    %select_n3A_649 = arith.select %and3A_635, %get3A_646, %broadcast_in_dim3A_648 : vector<32x4096xi1>, vector<32x4096xf32>
    %reduce_sum3A_650 = arith.constant dense<0.000000e+00> : vector<4096xf32>
    %reduce_sum3A_651 = vector.multi_reduction <add>, %select_n3A_649, %reduce_sum3A_650 [0] : vector<32x4096xf32> to vector<4096xf32>
    %get3A_652 = arith.constant 0 : index
    %get3A_653 = arith.constant 0 : index
    %get3A_654 = vector.load %arg2[%get3A_652, %get3A_653] : memref<32x4096xf32, #tpu.memory_space<vmem>>, vector<32x4096xf32>
    %jit3A_655 = arith.constant 0.000000e+00 : f32
    %broadcast_in_dim3A_656 = vector.broadcast %jit3A_655 : f32 to vector<32x4096xf32>
    %select_n3A_657 = arith.select %and3A_635, %get3A_654, %broadcast_in_dim3A_656 : vector<32x4096xi1>, vector<32x4096xf32>
    %reduce_sum3A_658 = arith.constant dense<0.000000e+00> : vector<4096xf32>
    %reduce_sum3A_659 = vector.multi_reduction <add>, %select_n3A_657, %reduce_sum3A_658 [0] : vector<32x4096xf32> to vector<4096xf32>
    %squeeze3A_660 = vector.shape_cast %broadcast_in_dim3A_622 : vector<1x4096xf32> to vector<4096xf32>
    %swap3A_661 = arith.constant 7 : index
    %swap3A_662 = arith.constant 0 : index
    %swap3A_663 = vector.load %arg16[%swap3A_661, %swap3A_662] : memref<16x4096xf32, #tpu.memory_space<vmem>>, vector<1x4096xf32>
    %swap3A_664 = vector.shape_cast %swap3A_663 : vector<1x4096xf32> to vector<4096xf32>
    %swap3A_665 = vector.shape_cast %squeeze3A_660 : vector<4096xf32> to vector<1x4096xf32>
    tpu.vector_store %arg16[%swap3A_661, %swap3A_662], %swap3A_665 {strides = array<i32>} : memref<16x4096xf32, #tpu.memory_space<vmem>>, vector<1x4096xf32>,
    %squeeze3A_666 = vector.shape_cast %broadcast_in_dim3A_630 : vector<1x4096xf32> to vector<4096xf32>
    %convert_element_type3A_667 = arith.fptosi %squeeze3A_666 : vector<4096xf32> to vector<4096xi32>
    %swap3A_668 = arith.constant 7 : index
    %swap3A_669 = arith.constant 0 : index
    %swap3A_670 = vector.load %arg17[%swap3A_668, %swap3A_669] : memref<16x4096xi32, #tpu.memory_space<vmem>>, vector<1x4096xi32>
    %swap3A_671 = vector.shape_cast %swap3A_670 : vector<1x4096xi32> to vector<4096xi32>
    %swap3A_672 = vector.shape_cast %convert_element_type3A_667 : vector<4096xi32> to vector<1x4096xi32>
    tpu.vector_store %arg17[%swap3A_668, %swap3A_669], %swap3A_672 {strides = array<i32>} : memref<16x4096xi32, #tpu.memory_space<vmem>>, vector<1x4096xi32>,
    %swap3A_673 = arith.constant 7 : index
    %swap3A_674 = arith.constant 0 : index
    %swap3A_675 = vector.load %arg10[%swap3A_673, %swap3A_674] : memref<16x4096xf32, #tpu.memory_space<vmem>>, vector<1x4096xf32>
    %swap3A_676 = vector.shape_cast %swap3A_675 : vector<1x4096xf32> to vector<4096xf32>
    %swap3A_677 = vector.shape_cast %reduce_sum3A_643 : vector<4096xf32> to vector<1x4096xf32>
    tpu.vector_store %arg10[%swap3A_673, %swap3A_674], %swap3A_677 {strides = array<i32>} : memref<16x4096xf32, #tpu.memory_space<vmem>>, vector<1x4096xf32>,
    %swap3A_678 = arith.constant 7 : index
    %swap3A_679 = arith.constant 0 : index
    %swap3A_680 = vector.load %arg11[%swap3A_678, %swap3A_679] : memref<16x4096xf32, #tpu.memory_space<vmem>>, vector<1x4096xf32>
    %swap3A_681 = vector.shape_cast %swap3A_680 : vector<1x4096xf32> to vector<4096xf32>
    %swap3A_682 = vector.shape_cast %reduce_sum3A_651 : vector<4096xf32> to vector<1x4096xf32>
    tpu.vector_store %arg11[%swap3A_678, %swap3A_679], %swap3A_682 {strides = array<i32>} : memref<16x4096xf32, #tpu.memory_space<vmem>>, vector<1x4096xf32>,
    %swap3A_683 = arith.constant 7 : index
    %swap3A_684 = arith.constant 0 : index
    %swap3A_685 = vector.load %arg12[%swap3A_683, %swap3A_684] : memref<16x4096xf32, #tpu.memory_space<vmem>>, vector<1x4096xf32>
    %swap3A_686 = vector.shape_cast %swap3A_685 : vector<1x4096xf32> to vector<4096xf32>
    %swap3A_687 = vector.shape_cast %reduce_sum3A_659 : vector<4096xf32> to vector<1x4096xf32>
    tpu.vector_store %arg12[%swap3A_683, %swap3A_684], %swap3A_687 {strides = array<i32>} : memref<16x4096xf32, #tpu.memory_space<vmem>>, vector<1x4096xf32>,
    %gt3A_688 = vector.broadcast %broadcast_in_dim3A_622 : vector<1x4096xf32> to vector<32x4096xf32>
    %gt3A_689 = arith.cmpf ogt, %select_n3A, %gt3A_688 : vector<32x4096xf32>
    %eq3A_690 = vector.broadcast %broadcast_in_dim3A_622 : vector<1x4096xf32> to vector<32x4096xf32>
    %eq3A_691 = arith.cmpf oeq, %select_n3A, %eq3A_690 : vector<32x4096xf32>
    %gt3A_692 = vector.broadcast %broadcast_in_dim3A_630 : vector<1x4096xf32> to vector<32x4096xf32>
    %gt3A_693 = arith.cmpf ogt, %convert_element_type3A, %gt3A_692 : vector<32x4096xf32>
    %and3A_694 = arith.andi %eq3A_691, %gt3A_693 : vector<32x4096xi1>
    %or3A_695 = arith.ori %gt3A_689, %and3A_694 : vector<32x4096xi1>
    %jit3A_696 = arith.constant 3.000000e+38 : f32
    %broadcast_in_dim3A_697 = vector.broadcast %jit3A_696 : f32 to vector<32x4096xf32>
    %select_n3A_698 = arith.select %or3A_695, %select_n3A, %broadcast_in_dim3A_697 : vector<32x4096xi1>, vector<32x4096xf32>
    %reduce_min3A_699 = arith.constant dense<0x7F800000> : vector<4096xf32>
    %reduce_min3A_700 = vector.multi_reduction <minimumf>, %select_n3A_698, %reduce_min3A_699 [0] : vector<32x4096xf32> to vector<4096xf32>
    %broadcast_in_dim3A_701 = vector.shape_cast %reduce_min3A_700 : vector<4096xf32> to vector<1x4096xf32>
    %eq3A_702 = vector.broadcast %broadcast_in_dim3A_701 : vector<1x4096xf32> to vector<32x4096xf32>
    %eq3A_703 = arith.cmpf oeq, %select_n3A_698, %eq3A_702 : vector<32x4096xf32>
    %jit3A_704 = arith.constant 3.000000e+38 : f32
    %broadcast_in_dim3A_705 = vector.broadcast %jit3A_704 : f32 to vector<32x4096xf32>
    %select_n3A_706 = arith.select %eq3A_703, %convert_element_type3A, %broadcast_in_dim3A_705 : vector<32x4096xi1>, vector<32x4096xf32>
    %reduce_min3A_707 = arith.constant dense<0x7F800000> : vector<4096xf32>
    %reduce_min3A_708 = vector.multi_reduction <minimumf>, %select_n3A_706, %reduce_min3A_707 [0] : vector<32x4096xf32> to vector<4096xf32>
    %broadcast_in_dim3A_709 = vector.shape_cast %reduce_min3A_708 : vector<4096xf32> to vector<1x4096xf32>
    %eq3A_710 = vector.broadcast %broadcast_in_dim3A_701 : vector<1x4096xf32> to vector<32x4096xf32>
    %eq3A_711 = arith.cmpf oeq, %select_n3A_698, %eq3A_710 : vector<32x4096xf32>
    %eq3A_712 = vector.broadcast %broadcast_in_dim3A_709 : vector<1x4096xf32> to vector<32x4096xf32>
    %eq3A_713 = arith.cmpf oeq, %convert_element_type3A, %eq3A_712 : vector<32x4096xf32>
    %and3A_714 = arith.andi %eq3A_711, %eq3A_713 : vector<32x4096xi1>
    %get3A_715 = arith.constant 0 : index
    %get3A_716 = arith.constant 0 : index
    %get3A_717 = vector.load %arg0[%get3A_715, %get3A_716] : memref<32x4096xf32, #tpu.memory_space<vmem>>, vector<32x4096xf32>
    %jit3A_718 = arith.constant 0.000000e+00 : f32
    %broadcast_in_dim3A_719 = vector.broadcast %jit3A_718 : f32 to vector<32x4096xf32>
    %select_n3A_720 = arith.select %and3A_714, %get3A_717, %broadcast_in_dim3A_719 : vector<32x4096xi1>, vector<32x4096xf32>
    %reduce_sum3A_721 = arith.constant dense<0.000000e+00> : vector<4096xf32>
    %reduce_sum3A_722 = vector.multi_reduction <add>, %select_n3A_720, %reduce_sum3A_721 [0] : vector<32x4096xf32> to vector<4096xf32>
    %get3A_723 = arith.constant 0 : index
    %get3A_724 = arith.constant 0 : index
    %get3A_725 = vector.load %arg1[%get3A_723, %get3A_724] : memref<32x4096xf32, #tpu.memory_space<vmem>>, vector<32x4096xf32>
    %jit3A_726 = arith.constant 0.000000e+00 : f32
    %broadcast_in_dim3A_727 = vector.broadcast %jit3A_726 : f32 to vector<32x4096xf32>
    %select_n3A_728 = arith.select %and3A_714, %get3A_725, %broadcast_in_dim3A_727 : vector<32x4096xi1>, vector<32x4096xf32>
    %reduce_sum3A_729 = arith.constant dense<0.000000e+00> : vector<4096xf32>
    %reduce_sum3A_730 = vector.multi_reduction <add>, %select_n3A_728, %reduce_sum3A_729 [0] : vector<32x4096xf32> to vector<4096xf32>
    %get3A_731 = arith.constant 0 : index
    %get3A_732 = arith.constant 0 : index
    %get3A_733 = vector.load %arg2[%get3A_731, %get3A_732] : memref<32x4096xf32, #tpu.memory_space<vmem>>, vector<32x4096xf32>
    %jit3A_734 = arith.constant 0.000000e+00 : f32
    %broadcast_in_dim3A_735 = vector.broadcast %jit3A_734 : f32 to vector<32x4096xf32>
    %select_n3A_736 = arith.select %and3A_714, %get3A_733, %broadcast_in_dim3A_735 : vector<32x4096xi1>, vector<32x4096xf32>
    %reduce_sum3A_737 = arith.constant dense<0.000000e+00> : vector<4096xf32>
    %reduce_sum3A_738 = vector.multi_reduction <add>, %select_n3A_736, %reduce_sum3A_737 [0] : vector<32x4096xf32> to vector<4096xf32>
    %squeeze3A_739 = vector.shape_cast %broadcast_in_dim3A_701 : vector<1x4096xf32> to vector<4096xf32>
    %swap3A_740 = arith.constant 8 : index
    %swap3A_741 = arith.constant 0 : index
    %swap3A_742 = vector.load %arg16[%swap3A_740, %swap3A_741] : memref<16x4096xf32, #tpu.memory_space<vmem>>, vector<1x4096xf32>
    %swap3A_743 = vector.shape_cast %swap3A_742 : vector<1x4096xf32> to vector<4096xf32>
    %swap3A_744 = vector.shape_cast %squeeze3A_739 : vector<4096xf32> to vector<1x4096xf32>
    tpu.vector_store %arg16[%swap3A_740, %swap3A_741], %swap3A_744 {strides = array<i32>} : memref<16x4096xf32, #tpu.memory_space<vmem>>, vector<1x4096xf32>,
    %squeeze3A_745 = vector.shape_cast %broadcast_in_dim3A_709 : vector<1x4096xf32> to vector<4096xf32>
    %convert_element_type3A_746 = arith.fptosi %squeeze3A_745 : vector<4096xf32> to vector<4096xi32>
    %swap3A_747 = arith.constant 8 : index
    %swap3A_748 = arith.constant 0 : index
    %swap3A_749 = vector.load %arg17[%swap3A_747, %swap3A_748] : memref<16x4096xi32, #tpu.memory_space<vmem>>, vector<1x4096xi32>
    %swap3A_750 = vector.shape_cast %swap3A_749 : vector<1x4096xi32> to vector<4096xi32>
    %swap3A_751 = vector.shape_cast %convert_element_type3A_746 : vector<4096xi32> to vector<1x4096xi32>
    tpu.vector_store %arg17[%swap3A_747, %swap3A_748], %swap3A_751 {strides = array<i32>} : memref<16x4096xi32, #tpu.memory_space<vmem>>, vector<1x4096xi32>,
    %swap3A_752 = arith.constant 8 : index
    %swap3A_753 = arith.constant 0 : index
    %swap3A_754 = vector.load %arg10[%swap3A_752, %swap3A_753] : memref<16x4096xf32, #tpu.memory_space<vmem>>, vector<1x4096xf32>
    %swap3A_755 = vector.shape_cast %swap3A_754 : vector<1x4096xf32> to vector<4096xf32>
    %swap3A_756 = vector.shape_cast %reduce_sum3A_722 : vector<4096xf32> to vector<1x4096xf32>
    tpu.vector_store %arg10[%swap3A_752, %swap3A_753], %swap3A_756 {strides = array<i32>} : memref<16x4096xf32, #tpu.memory_space<vmem>>, vector<1x4096xf32>,
    %swap3A_757 = arith.constant 8 : index
    %swap3A_758 = arith.constant 0 : index
    %swap3A_759 = vector.load %arg11[%swap3A_757, %swap3A_758] : memref<16x4096xf32, #tpu.memory_space<vmem>>, vector<1x4096xf32>
    %swap3A_760 = vector.shape_cast %swap3A_759 : vector<1x4096xf32> to vector<4096xf32>
    %swap3A_761 = vector.shape_cast %reduce_sum3A_730 : vector<4096xf32> to vector<1x4096xf32>
    tpu.vector_store %arg11[%swap3A_757, %swap3A_758], %swap3A_761 {strides = array<i32>} : memref<16x4096xf32, #tpu.memory_space<vmem>>, vector<1x4096xf32>,
    %swap3A_762 = arith.constant 8 : index
    %swap3A_763 = arith.constant 0 : index
    %swap3A_764 = vector.load %arg12[%swap3A_762, %swap3A_763] : memref<16x4096xf32, #tpu.memory_space<vmem>>, vector<1x4096xf32>
    %swap3A_765 = vector.shape_cast %swap3A_764 : vector<1x4096xf32> to vector<4096xf32>
    %swap3A_766 = vector.shape_cast %reduce_sum3A_738 : vector<4096xf32> to vector<1x4096xf32>
    tpu.vector_store %arg12[%swap3A_762, %swap3A_763], %swap3A_766 {strides = array<i32>} : memref<16x4096xf32, #tpu.memory_space<vmem>>, vector<1x4096xf32>,
    %gt3A_767 = vector.broadcast %broadcast_in_dim3A_701 : vector<1x4096xf32> to vector<32x4096xf32>
    %gt3A_768 = arith.cmpf ogt, %select_n3A, %gt3A_767 : vector<32x4096xf32>
    %eq3A_769 = vector.broadcast %broadcast_in_dim3A_701 : vector<1x4096xf32> to vector<32x4096xf32>
    %eq3A_770 = arith.cmpf oeq, %select_n3A, %eq3A_769 : vector<32x4096xf32>
    %gt3A_771 = vector.broadcast %broadcast_in_dim3A_709 : vector<1x4096xf32> to vector<32x4096xf32>
    %gt3A_772 = arith.cmpf ogt, %convert_element_type3A, %gt3A_771 : vector<32x4096xf32>
    %and3A_773 = arith.andi %eq3A_770, %gt3A_772 : vector<32x4096xi1>
    %or3A_774 = arith.ori %gt3A_768, %and3A_773 : vector<32x4096xi1>
    %jit3A_775 = arith.constant 3.000000e+38 : f32
    %broadcast_in_dim3A_776 = vector.broadcast %jit3A_775 : f32 to vector<32x4096xf32>
    %select_n3A_777 = arith.select %or3A_774, %select_n3A, %broadcast_in_dim3A_776 : vector<32x4096xi1>, vector<32x4096xf32>
    %reduce_min3A_778 = arith.constant dense<0x7F800000> : vector<4096xf32>
    %reduce_min3A_779 = vector.multi_reduction <minimumf>, %select_n3A_777, %reduce_min3A_778 [0] : vector<32x4096xf32> to vector<4096xf32>
    %broadcast_in_dim3A_780 = vector.shape_cast %reduce_min3A_779 : vector<4096xf32> to vector<1x4096xf32>
    %eq3A_781 = vector.broadcast %broadcast_in_dim3A_780 : vector<1x4096xf32> to vector<32x4096xf32>
    %eq3A_782 = arith.cmpf oeq, %select_n3A_777, %eq3A_781 : vector<32x4096xf32>
    %jit3A_783 = arith.constant 3.000000e+38 : f32
    %broadcast_in_dim3A_784 = vector.broadcast %jit3A_783 : f32 to vector<32x4096xf32>
    %select_n3A_785 = arith.select %eq3A_782, %convert_element_type3A, %broadcast_in_dim3A_784 : vector<32x4096xi1>, vector<32x4096xf32>
    %reduce_min3A_786 = arith.constant dense<0x7F800000> : vector<4096xf32>
    %reduce_min3A_787 = vector.multi_reduction <minimumf>, %select_n3A_785, %reduce_min3A_786 [0] : vector<32x4096xf32> to vector<4096xf32>
    %broadcast_in_dim3A_788 = vector.shape_cast %reduce_min3A_787 : vector<4096xf32> to vector<1x4096xf32>
    %eq3A_789 = vector.broadcast %broadcast_in_dim3A_780 : vector<1x4096xf32> to vector<32x4096xf32>
    %eq3A_790 = arith.cmpf oeq, %select_n3A_777, %eq3A_789 : vector<32x4096xf32>
    %eq3A_791 = vector.broadcast %broadcast_in_dim3A_788 : vector<1x4096xf32> to vector<32x4096xf32>
    %eq3A_792 = arith.cmpf oeq, %convert_element_type3A, %eq3A_791 : vector<32x4096xf32>
    %and3A_793 = arith.andi %eq3A_790, %eq3A_792 : vector<32x4096xi1>
    %get3A_794 = arith.constant 0 : index
    %get3A_795 = arith.constant 0 : index
    %get3A_796 = vector.load %arg0[%get3A_794, %get3A_795] : memref<32x4096xf32, #tpu.memory_space<vmem>>, vector<32x4096xf32>
    %jit3A_797 = arith.constant 0.000000e+00 : f32
    %broadcast_in_dim3A_798 = vector.broadcast %jit3A_797 : f32 to vector<32x4096xf32>
    %select_n3A_799 = arith.select %and3A_793, %get3A_796, %broadcast_in_dim3A_798 : vector<32x4096xi1>, vector<32x4096xf32>
    %reduce_sum3A_800 = arith.constant dense<0.000000e+00> : vector<4096xf32>
    %reduce_sum3A_801 = vector.multi_reduction <add>, %select_n3A_799, %reduce_sum3A_800 [0] : vector<32x4096xf32> to vector<4096xf32>
    %get3A_802 = arith.constant 0 : index
    %get3A_803 = arith.constant 0 : index
    %get3A_804 = vector.load %arg1[%get3A_802, %get3A_803] : memref<32x4096xf32, #tpu.memory_space<vmem>>, vector<32x4096xf32>
    %jit3A_805 = arith.constant 0.000000e+00 : f32
    %broadcast_in_dim3A_806 = vector.broadcast %jit3A_805 : f32 to vector<32x4096xf32>
    %select_n3A_807 = arith.select %and3A_793, %get3A_804, %broadcast_in_dim3A_806 : vector<32x4096xi1>, vector<32x4096xf32>
    %reduce_sum3A_808 = arith.constant dense<0.000000e+00> : vector<4096xf32>
    %reduce_sum3A_809 = vector.multi_reduction <add>, %select_n3A_807, %reduce_sum3A_808 [0] : vector<32x4096xf32> to vector<4096xf32>
    %get3A_810 = arith.constant 0 : index
    %get3A_811 = arith.constant 0 : index
    %get3A_812 = vector.load %arg2[%get3A_810, %get3A_811] : memref<32x4096xf32, #tpu.memory_space<vmem>>, vector<32x4096xf32>
    %jit3A_813 = arith.constant 0.000000e+00 : f32
    %broadcast_in_dim3A_814 = vector.broadcast %jit3A_813 : f32 to vector<32x4096xf32>
    %select_n3A_815 = arith.select %and3A_793, %get3A_812, %broadcast_in_dim3A_814 : vector<32x4096xi1>, vector<32x4096xf32>
    %reduce_sum3A_816 = arith.constant dense<0.000000e+00> : vector<4096xf32>
    %reduce_sum3A_817 = vector.multi_reduction <add>, %select_n3A_815, %reduce_sum3A_816 [0] : vector<32x4096xf32> to vector<4096xf32>
    %squeeze3A_818 = vector.shape_cast %broadcast_in_dim3A_780 : vector<1x4096xf32> to vector<4096xf32>
    %swap3A_819 = arith.constant 9 : index
    %swap3A_820 = arith.constant 0 : index
    %swap3A_821 = vector.load %arg16[%swap3A_819, %swap3A_820] : memref<16x4096xf32, #tpu.memory_space<vmem>>, vector<1x4096xf32>
    %swap3A_822 = vector.shape_cast %swap3A_821 : vector<1x4096xf32> to vector<4096xf32>
    %swap3A_823 = vector.shape_cast %squeeze3A_818 : vector<4096xf32> to vector<1x4096xf32>
    tpu.vector_store %arg16[%swap3A_819, %swap3A_820], %swap3A_823 {strides = array<i32>} : memref<16x4096xf32, #tpu.memory_space<vmem>>, vector<1x4096xf32>,
    %squeeze3A_824 = vector.shape_cast %broadcast_in_dim3A_788 : vector<1x4096xf32> to vector<4096xf32>
    %convert_element_type3A_825 = arith.fptosi %squeeze3A_824 : vector<4096xf32> to vector<4096xi32>
    %swap3A_826 = arith.constant 9 : index
    %swap3A_827 = arith.constant 0 : index
    %swap3A_828 = vector.load %arg17[%swap3A_826, %swap3A_827] : memref<16x4096xi32, #tpu.memory_space<vmem>>, vector<1x4096xi32>
    %swap3A_829 = vector.shape_cast %swap3A_828 : vector<1x4096xi32> to vector<4096xi32>
    %swap3A_830 = vector.shape_cast %convert_element_type3A_825 : vector<4096xi32> to vector<1x4096xi32>
    tpu.vector_store %arg17[%swap3A_826, %swap3A_827], %swap3A_830 {strides = array<i32>} : memref<16x4096xi32, #tpu.memory_space<vmem>>, vector<1x4096xi32>,
    %swap3A_831 = arith.constant 9 : index
    %swap3A_832 = arith.constant 0 : index
    %swap3A_833 = vector.load %arg10[%swap3A_831, %swap3A_832] : memref<16x4096xf32, #tpu.memory_space<vmem>>, vector<1x4096xf32>
    %swap3A_834 = vector.shape_cast %swap3A_833 : vector<1x4096xf32> to vector<4096xf32>
    %swap3A_835 = vector.shape_cast %reduce_sum3A_801 : vector<4096xf32> to vector<1x4096xf32>
    tpu.vector_store %arg10[%swap3A_831, %swap3A_832], %swap3A_835 {strides = array<i32>} : memref<16x4096xf32, #tpu.memory_space<vmem>>, vector<1x4096xf32>,
    %swap3A_836 = arith.constant 9 : index
    %swap3A_837 = arith.constant 0 : index
    %swap3A_838 = vector.load %arg11[%swap3A_836, %swap3A_837] : memref<16x4096xf32, #tpu.memory_space<vmem>>, vector<1x4096xf32>
    %swap3A_839 = vector.shape_cast %swap3A_838 : vector<1x4096xf32> to vector<4096xf32>
    %swap3A_840 = vector.shape_cast %reduce_sum3A_809 : vector<4096xf32> to vector<1x4096xf32>
    tpu.vector_store %arg11[%swap3A_836, %swap3A_837], %swap3A_840 {strides = array<i32>} : memref<16x4096xf32, #tpu.memory_space<vmem>>, vector<1x4096xf32>,
    %swap3A_841 = arith.constant 9 : index
    %swap3A_842 = arith.constant 0 : index
    %swap3A_843 = vector.load %arg12[%swap3A_841, %swap3A_842] : memref<16x4096xf32, #tpu.memory_space<vmem>>, vector<1x4096xf32>
    %swap3A_844 = vector.shape_cast %swap3A_843 : vector<1x4096xf32> to vector<4096xf32>
    %swap3A_845 = vector.shape_cast %reduce_sum3A_817 : vector<4096xf32> to vector<1x4096xf32>
    tpu.vector_store %arg12[%swap3A_841, %swap3A_842], %swap3A_845 {strides = array<i32>} : memref<16x4096xf32, #tpu.memory_space<vmem>>, vector<1x4096xf32>,
    %gt3A_846 = vector.broadcast %broadcast_in_dim3A_780 : vector<1x4096xf32> to vector<32x4096xf32>
    %gt3A_847 = arith.cmpf ogt, %select_n3A, %gt3A_846 : vector<32x4096xf32>
    %eq3A_848 = vector.broadcast %broadcast_in_dim3A_780 : vector<1x4096xf32> to vector<32x4096xf32>
    %eq3A_849 = arith.cmpf oeq, %select_n3A, %eq3A_848 : vector<32x4096xf32>
    %gt3A_850 = vector.broadcast %broadcast_in_dim3A_788 : vector<1x4096xf32> to vector<32x4096xf32>
    %gt3A_851 = arith.cmpf ogt, %convert_element_type3A, %gt3A_850 : vector<32x4096xf32>
    %and3A_852 = arith.andi %eq3A_849, %gt3A_851 : vector<32x4096xi1>
    %or3A_853 = arith.ori %gt3A_847, %and3A_852 : vector<32x4096xi1>
    %jit3A_854 = arith.constant 3.000000e+38 : f32
    %broadcast_in_dim3A_855 = vector.broadcast %jit3A_854 : f32 to vector<32x4096xf32>
    %select_n3A_856 = arith.select %or3A_853, %select_n3A, %broadcast_in_dim3A_855 : vector<32x4096xi1>, vector<32x4096xf32>
    %reduce_min3A_857 = arith.constant dense<0x7F800000> : vector<4096xf32>
    %reduce_min3A_858 = vector.multi_reduction <minimumf>, %select_n3A_856, %reduce_min3A_857 [0] : vector<32x4096xf32> to vector<4096xf32>
    %broadcast_in_dim3A_859 = vector.shape_cast %reduce_min3A_858 : vector<4096xf32> to vector<1x4096xf32>
    %eq3A_860 = vector.broadcast %broadcast_in_dim3A_859 : vector<1x4096xf32> to vector<32x4096xf32>
    %eq3A_861 = arith.cmpf oeq, %select_n3A_856, %eq3A_860 : vector<32x4096xf32>
    %jit3A_862 = arith.constant 3.000000e+38 : f32
    %broadcast_in_dim3A_863 = vector.broadcast %jit3A_862 : f32 to vector<32x4096xf32>
    %select_n3A_864 = arith.select %eq3A_861, %convert_element_type3A, %broadcast_in_dim3A_863 : vector<32x4096xi1>, vector<32x4096xf32>
    %reduce_min3A_865 = arith.constant dense<0x7F800000> : vector<4096xf32>
    %reduce_min3A_866 = vector.multi_reduction <minimumf>, %select_n3A_864, %reduce_min3A_865 [0] : vector<32x4096xf32> to vector<4096xf32>
    %broadcast_in_dim3A_867 = vector.shape_cast %reduce_min3A_866 : vector<4096xf32> to vector<1x4096xf32>
    %eq3A_868 = vector.broadcast %broadcast_in_dim3A_859 : vector<1x4096xf32> to vector<32x4096xf32>
    %eq3A_869 = arith.cmpf oeq, %select_n3A_856, %eq3A_868 : vector<32x4096xf32>
    %eq3A_870 = vector.broadcast %broadcast_in_dim3A_867 : vector<1x4096xf32> to vector<32x4096xf32>
    %eq3A_871 = arith.cmpf oeq, %convert_element_type3A, %eq3A_870 : vector<32x4096xf32>
    %and3A_872 = arith.andi %eq3A_869, %eq3A_871 : vector<32x4096xi1>
    %get3A_873 = arith.constant 0 : index
    %get3A_874 = arith.constant 0 : index
    %get3A_875 = vector.load %arg0[%get3A_873, %get3A_874] : memref<32x4096xf32, #tpu.memory_space<vmem>>, vector<32x4096xf32>
    %jit3A_876 = arith.constant 0.000000e+00 : f32
    %broadcast_in_dim3A_877 = vector.broadcast %jit3A_876 : f32 to vector<32x4096xf32>
    %select_n3A_878 = arith.select %and3A_872, %get3A_875, %broadcast_in_dim3A_877 : vector<32x4096xi1>, vector<32x4096xf32>
    %reduce_sum3A_879 = arith.constant dense<0.000000e+00> : vector<4096xf32>
    %reduce_sum3A_880 = vector.multi_reduction <add>, %select_n3A_878, %reduce_sum3A_879 [0] : vector<32x4096xf32> to vector<4096xf32>
    %get3A_881 = arith.constant 0 : index
    %get3A_882 = arith.constant 0 : index
    %get3A_883 = vector.load %arg1[%get3A_881, %get3A_882] : memref<32x4096xf32, #tpu.memory_space<vmem>>, vector<32x4096xf32>
    %jit3A_884 = arith.constant 0.000000e+00 : f32
    %broadcast_in_dim3A_885 = vector.broadcast %jit3A_884 : f32 to vector<32x4096xf32>
    %select_n3A_886 = arith.select %and3A_872, %get3A_883, %broadcast_in_dim3A_885 : vector<32x4096xi1>, vector<32x4096xf32>
    %reduce_sum3A_887 = arith.constant dense<0.000000e+00> : vector<4096xf32>
    %reduce_sum3A_888 = vector.multi_reduction <add>, %select_n3A_886, %reduce_sum3A_887 [0] : vector<32x4096xf32> to vector<4096xf32>
    %get3A_889 = arith.constant 0 : index
    %get3A_890 = arith.constant 0 : index
    %get3A_891 = vector.load %arg2[%get3A_889, %get3A_890] : memref<32x4096xf32, #tpu.memory_space<vmem>>, vector<32x4096xf32>
    %jit3A_892 = arith.constant 0.000000e+00 : f32
    %broadcast_in_dim3A_893 = vector.broadcast %jit3A_892 : f32 to vector<32x4096xf32>
    %select_n3A_894 = arith.select %and3A_872, %get3A_891, %broadcast_in_dim3A_893 : vector<32x4096xi1>, vector<32x4096xf32>
    %reduce_sum3A_895 = arith.constant dense<0.000000e+00> : vector<4096xf32>
    %reduce_sum3A_896 = vector.multi_reduction <add>, %select_n3A_894, %reduce_sum3A_895 [0] : vector<32x4096xf32> to vector<4096xf32>
    %squeeze3A_897 = vector.shape_cast %broadcast_in_dim3A_859 : vector<1x4096xf32> to vector<4096xf32>
    %swap3A_898 = arith.constant 10 : index
    %swap3A_899 = arith.constant 0 : index
    %swap3A_900 = vector.load %arg16[%swap3A_898, %swap3A_899] : memref<16x4096xf32, #tpu.memory_space<vmem>>, vector<1x4096xf32>
    %swap3A_901 = vector.shape_cast %swap3A_900 : vector<1x4096xf32> to vector<4096xf32>
    %swap3A_902 = vector.shape_cast %squeeze3A_897 : vector<4096xf32> to vector<1x4096xf32>
    tpu.vector_store %arg16[%swap3A_898, %swap3A_899], %swap3A_902 {strides = array<i32>} : memref<16x4096xf32, #tpu.memory_space<vmem>>, vector<1x4096xf32>,
    %squeeze3A_903 = vector.shape_cast %broadcast_in_dim3A_867 : vector<1x4096xf32> to vector<4096xf32>
    %convert_element_type3A_904 = arith.fptosi %squeeze3A_903 : vector<4096xf32> to vector<4096xi32>
    %swap3A_905 = arith.constant 10 : index
    %swap3A_906 = arith.constant 0 : index
    %swap3A_907 = vector.load %arg17[%swap3A_905, %swap3A_906] : memref<16x4096xi32, #tpu.memory_space<vmem>>, vector<1x4096xi32>
    %swap3A_908 = vector.shape_cast %swap3A_907 : vector<1x4096xi32> to vector<4096xi32>
    %swap3A_909 = vector.shape_cast %convert_element_type3A_904 : vector<4096xi32> to vector<1x4096xi32>
    tpu.vector_store %arg17[%swap3A_905, %swap3A_906], %swap3A_909 {strides = array<i32>} : memref<16x4096xi32, #tpu.memory_space<vmem>>, vector<1x4096xi32>,
    %swap3A_910 = arith.constant 10 : index
    %swap3A_911 = arith.constant 0 : index
    %swap3A_912 = vector.load %arg10[%swap3A_910, %swap3A_911] : memref<16x4096xf32, #tpu.memory_space<vmem>>, vector<1x4096xf32>
    %swap3A_913 = vector.shape_cast %swap3A_912 : vector<1x4096xf32> to vector<4096xf32>
    %swap3A_914 = vector.shape_cast %reduce_sum3A_880 : vector<4096xf32> to vector<1x4096xf32>
    tpu.vector_store %arg10[%swap3A_910, %swap3A_911], %swap3A_914 {strides = array<i32>} : memref<16x4096xf32, #tpu.memory_space<vmem>>, vector<1x4096xf32>,
    %swap3A_915 = arith.constant 10 : index
    %swap3A_916 = arith.constant 0 : index
    %swap3A_917 = vector.load %arg11[%swap3A_915, %swap3A_916] : memref<16x4096xf32, #tpu.memory_space<vmem>>, vector<1x4096xf32>
    %swap3A_918 = vector.shape_cast %swap3A_917 : vector<1x4096xf32> to vector<4096xf32>
    %swap3A_919 = vector.shape_cast %reduce_sum3A_888 : vector<4096xf32> to vector<1x4096xf32>
    tpu.vector_store %arg11[%swap3A_915, %swap3A_916], %swap3A_919 {strides = array<i32>} : memref<16x4096xf32, #tpu.memory_space<vmem>>, vector<1x4096xf32>,
    %swap3A_920 = arith.constant 10 : index
    %swap3A_921 = arith.constant 0 : index
    %swap3A_922 = vector.load %arg12[%swap3A_920, %swap3A_921] : memref<16x4096xf32, #tpu.memory_space<vmem>>, vector<1x4096xf32>
    %swap3A_923 = vector.shape_cast %swap3A_922 : vector<1x4096xf32> to vector<4096xf32>
    %swap3A_924 = vector.shape_cast %reduce_sum3A_896 : vector<4096xf32> to vector<1x4096xf32>
    tpu.vector_store %arg12[%swap3A_920, %swap3A_921], %swap3A_924 {strides = array<i32>} : memref<16x4096xf32, #tpu.memory_space<vmem>>, vector<1x4096xf32>,
    %gt3A_925 = vector.broadcast %broadcast_in_dim3A_859 : vector<1x4096xf32> to vector<32x4096xf32>
    %gt3A_926 = arith.cmpf ogt, %select_n3A, %gt3A_925 : vector<32x4096xf32>
    %eq3A_927 = vector.broadcast %broadcast_in_dim3A_859 : vector<1x4096xf32> to vector<32x4096xf32>
    %eq3A_928 = arith.cmpf oeq, %select_n3A, %eq3A_927 : vector<32x4096xf32>
    %gt3A_929 = vector.broadcast %broadcast_in_dim3A_867 : vector<1x4096xf32> to vector<32x4096xf32>
    %gt3A_930 = arith.cmpf ogt, %convert_element_type3A, %gt3A_929 : vector<32x4096xf32>
    %and3A_931 = arith.andi %eq3A_928, %gt3A_930 : vector<32x4096xi1>
    %or3A_932 = arith.ori %gt3A_926, %and3A_931 : vector<32x4096xi1>
    %jit3A_933 = arith.constant 3.000000e+38 : f32
    %broadcast_in_dim3A_934 = vector.broadcast %jit3A_933 : f32 to vector<32x4096xf32>
    %select_n3A_935 = arith.select %or3A_932, %select_n3A, %broadcast_in_dim3A_934 : vector<32x4096xi1>, vector<32x4096xf32>
    %reduce_min3A_936 = arith.constant dense<0x7F800000> : vector<4096xf32>
    %reduce_min3A_937 = vector.multi_reduction <minimumf>, %select_n3A_935, %reduce_min3A_936 [0] : vector<32x4096xf32> to vector<4096xf32>
    %broadcast_in_dim3A_938 = vector.shape_cast %reduce_min3A_937 : vector<4096xf32> to vector<1x4096xf32>
    %eq3A_939 = vector.broadcast %broadcast_in_dim3A_938 : vector<1x4096xf32> to vector<32x4096xf32>
    %eq3A_940 = arith.cmpf oeq, %select_n3A_935, %eq3A_939 : vector<32x4096xf32>
    %jit3A_941 = arith.constant 3.000000e+38 : f32
    %broadcast_in_dim3A_942 = vector.broadcast %jit3A_941 : f32 to vector<32x4096xf32>
    %select_n3A_943 = arith.select %eq3A_940, %convert_element_type3A, %broadcast_in_dim3A_942 : vector<32x4096xi1>, vector<32x4096xf32>
    %reduce_min3A_944 = arith.constant dense<0x7F800000> : vector<4096xf32>
    %reduce_min3A_945 = vector.multi_reduction <minimumf>, %select_n3A_943, %reduce_min3A_944 [0] : vector<32x4096xf32> to vector<4096xf32>
    %broadcast_in_dim3A_946 = vector.shape_cast %reduce_min3A_945 : vector<4096xf32> to vector<1x4096xf32>
    %eq3A_947 = vector.broadcast %broadcast_in_dim3A_938 : vector<1x4096xf32> to vector<32x4096xf32>
    %eq3A_948 = arith.cmpf oeq, %select_n3A_935, %eq3A_947 : vector<32x4096xf32>
    %eq3A_949 = vector.broadcast %broadcast_in_dim3A_946 : vector<1x4096xf32> to vector<32x4096xf32>
    %eq3A_950 = arith.cmpf oeq, %convert_element_type3A, %eq3A_949 : vector<32x4096xf32>
    %and3A_951 = arith.andi %eq3A_948, %eq3A_950 : vector<32x4096xi1>
    %get3A_952 = arith.constant 0 : index
    %get3A_953 = arith.constant 0 : index
    %get3A_954 = vector.load %arg0[%get3A_952, %get3A_953] : memref<32x4096xf32, #tpu.memory_space<vmem>>, vector<32x4096xf32>
    %jit3A_955 = arith.constant 0.000000e+00 : f32
    %broadcast_in_dim3A_956 = vector.broadcast %jit3A_955 : f32 to vector<32x4096xf32>
    %select_n3A_957 = arith.select %and3A_951, %get3A_954, %broadcast_in_dim3A_956 : vector<32x4096xi1>, vector<32x4096xf32>
    %reduce_sum3A_958 = arith.constant dense<0.000000e+00> : vector<4096xf32>
    %reduce_sum3A_959 = vector.multi_reduction <add>, %select_n3A_957, %reduce_sum3A_958 [0] : vector<32x4096xf32> to vector<4096xf32>
    %get3A_960 = arith.constant 0 : index
    %get3A_961 = arith.constant 0 : index
    %get3A_962 = vector.load %arg1[%get3A_960, %get3A_961] : memref<32x4096xf32, #tpu.memory_space<vmem>>, vector<32x4096xf32>
    %jit3A_963 = arith.constant 0.000000e+00 : f32
    %broadcast_in_dim3A_964 = vector.broadcast %jit3A_963 : f32 to vector<32x4096xf32>
    %select_n3A_965 = arith.select %and3A_951, %get3A_962, %broadcast_in_dim3A_964 : vector<32x4096xi1>, vector<32x4096xf32>
    %reduce_sum3A_966 = arith.constant dense<0.000000e+00> : vector<4096xf32>
    %reduce_sum3A_967 = vector.multi_reduction <add>, %select_n3A_965, %reduce_sum3A_966 [0] : vector<32x4096xf32> to vector<4096xf32>
    %get3A_968 = arith.constant 0 : index
    %get3A_969 = arith.constant 0 : index
    %get3A_970 = vector.load %arg2[%get3A_968, %get3A_969] : memref<32x4096xf32, #tpu.memory_space<vmem>>, vector<32x4096xf32>
    %jit3A_971 = arith.constant 0.000000e+00 : f32
    %broadcast_in_dim3A_972 = vector.broadcast %jit3A_971 : f32 to vector<32x4096xf32>
    %select_n3A_973 = arith.select %and3A_951, %get3A_970, %broadcast_in_dim3A_972 : vector<32x4096xi1>, vector<32x4096xf32>
    %reduce_sum3A_974 = arith.constant dense<0.000000e+00> : vector<4096xf32>
    %reduce_sum3A_975 = vector.multi_reduction <add>, %select_n3A_973, %reduce_sum3A_974 [0] : vector<32x4096xf32> to vector<4096xf32>
    %squeeze3A_976 = vector.shape_cast %broadcast_in_dim3A_938 : vector<1x4096xf32> to vector<4096xf32>
    %swap3A_977 = arith.constant 11 : index
    %swap3A_978 = arith.constant 0 : index
    %swap3A_979 = vector.load %arg16[%swap3A_977, %swap3A_978] : memref<16x4096xf32, #tpu.memory_space<vmem>>, vector<1x4096xf32>
    %swap3A_980 = vector.shape_cast %swap3A_979 : vector<1x4096xf32> to vector<4096xf32>
    %swap3A_981 = vector.shape_cast %squeeze3A_976 : vector<4096xf32> to vector<1x4096xf32>
    tpu.vector_store %arg16[%swap3A_977, %swap3A_978], %swap3A_981 {strides = array<i32>} : memref<16x4096xf32, #tpu.memory_space<vmem>>, vector<1x4096xf32>,
    %squeeze3A_982 = vector.shape_cast %broadcast_in_dim3A_946 : vector<1x4096xf32> to vector<4096xf32>
    %convert_element_type3A_983 = arith.fptosi %squeeze3A_982 : vector<4096xf32> to vector<4096xi32>
    %swap3A_984 = arith.constant 11 : index
    %swap3A_985 = arith.constant 0 : index
    %swap3A_986 = vector.load %arg17[%swap3A_984, %swap3A_985] : memref<16x4096xi32, #tpu.memory_space<vmem>>, vector<1x4096xi32>
    %swap3A_987 = vector.shape_cast %swap3A_986 : vector<1x4096xi32> to vector<4096xi32>
    %swap3A_988 = vector.shape_cast %convert_element_type3A_983 : vector<4096xi32> to vector<1x4096xi32>
    tpu.vector_store %arg17[%swap3A_984, %swap3A_985], %swap3A_988 {strides = array<i32>} : memref<16x4096xi32, #tpu.memory_space<vmem>>, vector<1x4096xi32>,
    %swap3A_989 = arith.constant 11 : index
    %swap3A_990 = arith.constant 0 : index
    %swap3A_991 = vector.load %arg10[%swap3A_989, %swap3A_990] : memref<16x4096xf32, #tpu.memory_space<vmem>>, vector<1x4096xf32>
    %swap3A_992 = vector.shape_cast %swap3A_991 : vector<1x4096xf32> to vector<4096xf32>
    %swap3A_993 = vector.shape_cast %reduce_sum3A_959 : vector<4096xf32> to vector<1x4096xf32>
    tpu.vector_store %arg10[%swap3A_989, %swap3A_990], %swap3A_993 {strides = array<i32>} : memref<16x4096xf32, #tpu.memory_space<vmem>>, vector<1x4096xf32>,
    %swap3A_994 = arith.constant 11 : index
    %swap3A_995 = arith.constant 0 : index
    %swap3A_996 = vector.load %arg11[%swap3A_994, %swap3A_995] : memref<16x4096xf32, #tpu.memory_space<vmem>>, vector<1x4096xf32>
    %swap3A_997 = vector.shape_cast %swap3A_996 : vector<1x4096xf32> to vector<4096xf32>
    %swap3A_998 = vector.shape_cast %reduce_sum3A_967 : vector<4096xf32> to vector<1x4096xf32>
    tpu.vector_store %arg11[%swap3A_994, %swap3A_995], %swap3A_998 {strides = array<i32>} : memref<16x4096xf32, #tpu.memory_space<vmem>>, vector<1x4096xf32>,
    %swap3A_999 = arith.constant 11 : index
    %swap3A_1000 = arith.constant 0 : index
    %swap3A_1001 = vector.load %arg12[%swap3A_999, %swap3A_1000] : memref<16x4096xf32, #tpu.memory_space<vmem>>, vector<1x4096xf32>
    %swap3A_1002 = vector.shape_cast %swap3A_1001 : vector<1x4096xf32> to vector<4096xf32>
    %swap3A_1003 = vector.shape_cast %reduce_sum3A_975 : vector<4096xf32> to vector<1x4096xf32>
    tpu.vector_store %arg12[%swap3A_999, %swap3A_1000], %swap3A_1003 {strides = array<i32>} : memref<16x4096xf32, #tpu.memory_space<vmem>>, vector<1x4096xf32>,
    %gt3A_1004 = vector.broadcast %broadcast_in_dim3A_938 : vector<1x4096xf32> to vector<32x4096xf32>
    %gt3A_1005 = arith.cmpf ogt, %select_n3A, %gt3A_1004 : vector<32x4096xf32>
    %eq3A_1006 = vector.broadcast %broadcast_in_dim3A_938 : vector<1x4096xf32> to vector<32x4096xf32>
    %eq3A_1007 = arith.cmpf oeq, %select_n3A, %eq3A_1006 : vector<32x4096xf32>
    %gt3A_1008 = vector.broadcast %broadcast_in_dim3A_946 : vector<1x4096xf32> to vector<32x4096xf32>
    %gt3A_1009 = arith.cmpf ogt, %convert_element_type3A, %gt3A_1008 : vector<32x4096xf32>
    %and3A_1010 = arith.andi %eq3A_1007, %gt3A_1009 : vector<32x4096xi1>
    %or3A_1011 = arith.ori %gt3A_1005, %and3A_1010 : vector<32x4096xi1>
    %jit3A_1012 = arith.constant 3.000000e+38 : f32
    %broadcast_in_dim3A_1013 = vector.broadcast %jit3A_1012 : f32 to vector<32x4096xf32>
    %select_n3A_1014 = arith.select %or3A_1011, %select_n3A, %broadcast_in_dim3A_1013 : vector<32x4096xi1>, vector<32x4096xf32>
    %reduce_min3A_1015 = arith.constant dense<0x7F800000> : vector<4096xf32>
    %reduce_min3A_1016 = vector.multi_reduction <minimumf>, %select_n3A_1014, %reduce_min3A_1015 [0] : vector<32x4096xf32> to vector<4096xf32>
    %broadcast_in_dim3A_1017 = vector.shape_cast %reduce_min3A_1016 : vector<4096xf32> to vector<1x4096xf32>
    %eq3A_1018 = vector.broadcast %broadcast_in_dim3A_1017 : vector<1x4096xf32> to vector<32x4096xf32>
    %eq3A_1019 = arith.cmpf oeq, %select_n3A_1014, %eq3A_1018 : vector<32x4096xf32>
    %jit3A_1020 = arith.constant 3.000000e+38 : f32
    %broadcast_in_dim3A_1021 = vector.broadcast %jit3A_1020 : f32 to vector<32x4096xf32>
    %select_n3A_1022 = arith.select %eq3A_1019, %convert_element_type3A, %broadcast_in_dim3A_1021 : vector<32x4096xi1>, vector<32x4096xf32>
    %reduce_min3A_1023 = arith.constant dense<0x7F800000> : vector<4096xf32>
    %reduce_min3A_1024 = vector.multi_reduction <minimumf>, %select_n3A_1022, %reduce_min3A_1023 [0] : vector<32x4096xf32> to vector<4096xf32>
    %broadcast_in_dim3A_1025 = vector.shape_cast %reduce_min3A_1024 : vector<4096xf32> to vector<1x4096xf32>
    %eq3A_1026 = vector.broadcast %broadcast_in_dim3A_1017 : vector<1x4096xf32> to vector<32x4096xf32>
    %eq3A_1027 = arith.cmpf oeq, %select_n3A_1014, %eq3A_1026 : vector<32x4096xf32>
    %eq3A_1028 = vector.broadcast %broadcast_in_dim3A_1025 : vector<1x4096xf32> to vector<32x4096xf32>
    %eq3A_1029 = arith.cmpf oeq, %convert_element_type3A, %eq3A_1028 : vector<32x4096xf32>
    %and3A_1030 = arith.andi %eq3A_1027, %eq3A_1029 : vector<32x4096xi1>
    %get3A_1031 = arith.constant 0 : index
    %get3A_1032 = arith.constant 0 : index
    %get3A_1033 = vector.load %arg0[%get3A_1031, %get3A_1032] : memref<32x4096xf32, #tpu.memory_space<vmem>>, vector<32x4096xf32>
    %jit3A_1034 = arith.constant 0.000000e+00 : f32
    %broadcast_in_dim3A_1035 = vector.broadcast %jit3A_1034 : f32 to vector<32x4096xf32>
    %select_n3A_1036 = arith.select %and3A_1030, %get3A_1033, %broadcast_in_dim3A_1035 : vector<32x4096xi1>, vector<32x4096xf32>
    %reduce_sum3A_1037 = arith.constant dense<0.000000e+00> : vector<4096xf32>
    %reduce_sum3A_1038 = vector.multi_reduction <add>, %select_n3A_1036, %reduce_sum3A_1037 [0] : vector<32x4096xf32> to vector<4096xf32>
    %get3A_1039 = arith.constant 0 : index
    %get3A_1040 = arith.constant 0 : index
    %get3A_1041 = vector.load %arg1[%get3A_1039, %get3A_1040] : memref<32x4096xf32, #tpu.memory_space<vmem>>, vector<32x4096xf32>
    %jit3A_1042 = arith.constant 0.000000e+00 : f32
    %broadcast_in_dim3A_1043 = vector.broadcast %jit3A_1042 : f32 to vector<32x4096xf32>
    %select_n3A_1044 = arith.select %and3A_1030, %get3A_1041, %broadcast_in_dim3A_1043 : vector<32x4096xi1>, vector<32x4096xf32>
    %reduce_sum3A_1045 = arith.constant dense<0.000000e+00> : vector<4096xf32>
    %reduce_sum3A_1046 = vector.multi_reduction <add>, %select_n3A_1044, %reduce_sum3A_1045 [0] : vector<32x4096xf32> to vector<4096xf32>
    %get3A_1047 = arith.constant 0 : index
    %get3A_1048 = arith.constant 0 : index
    %get3A_1049 = vector.load %arg2[%get3A_1047, %get3A_1048] : memref<32x4096xf32, #tpu.memory_space<vmem>>, vector<32x4096xf32>
    %jit3A_1050 = arith.constant 0.000000e+00 : f32
    %broadcast_in_dim3A_1051 = vector.broadcast %jit3A_1050 : f32 to vector<32x4096xf32>
    %select_n3A_1052 = arith.select %and3A_1030, %get3A_1049, %broadcast_in_dim3A_1051 : vector<32x4096xi1>, vector<32x4096xf32>
    %reduce_sum3A_1053 = arith.constant dense<0.000000e+00> : vector<4096xf32>
    %reduce_sum3A_1054 = vector.multi_reduction <add>, %select_n3A_1052, %reduce_sum3A_1053 [0] : vector<32x4096xf32> to vector<4096xf32>
    %squeeze3A_1055 = vector.shape_cast %broadcast_in_dim3A_1017 : vector<1x4096xf32> to vector<4096xf32>
    %swap3A_1056 = arith.constant 12 : index
    %swap3A_1057 = arith.constant 0 : index
    %swap3A_1058 = vector.load %arg16[%swap3A_1056, %swap3A_1057] : memref<16x4096xf32, #tpu.memory_space<vmem>>, vector<1x4096xf32>
    %swap3A_1059 = vector.shape_cast %swap3A_1058 : vector<1x4096xf32> to vector<4096xf32>
    %swap3A_1060 = vector.shape_cast %squeeze3A_1055 : vector<4096xf32> to vector<1x4096xf32>
    tpu.vector_store %arg16[%swap3A_1056, %swap3A_1057], %swap3A_1060 {strides = array<i32>} : memref<16x4096xf32, #tpu.memory_space<vmem>>, vector<1x4096xf32>,
    %squeeze3A_1061 = vector.shape_cast %broadcast_in_dim3A_1025 : vector<1x4096xf32> to vector<4096xf32>
    %convert_element_type3A_1062 = arith.fptosi %squeeze3A_1061 : vector<4096xf32> to vector<4096xi32>
    %swap3A_1063 = arith.constant 12 : index
    %swap3A_1064 = arith.constant 0 : index
    %swap3A_1065 = vector.load %arg17[%swap3A_1063, %swap3A_1064] : memref<16x4096xi32, #tpu.memory_space<vmem>>, vector<1x4096xi32>
    %swap3A_1066 = vector.shape_cast %swap3A_1065 : vector<1x4096xi32> to vector<4096xi32>
    %swap3A_1067 = vector.shape_cast %convert_element_type3A_1062 : vector<4096xi32> to vector<1x4096xi32>
    tpu.vector_store %arg17[%swap3A_1063, %swap3A_1064], %swap3A_1067 {strides = array<i32>} : memref<16x4096xi32, #tpu.memory_space<vmem>>, vector<1x4096xi32>,
    %swap3A_1068 = arith.constant 12 : index
    %swap3A_1069 = arith.constant 0 : index
    %swap3A_1070 = vector.load %arg10[%swap3A_1068, %swap3A_1069] : memref<16x4096xf32, #tpu.memory_space<vmem>>, vector<1x4096xf32>
    %swap3A_1071 = vector.shape_cast %swap3A_1070 : vector<1x4096xf32> to vector<4096xf32>
    %swap3A_1072 = vector.shape_cast %reduce_sum3A_1038 : vector<4096xf32> to vector<1x4096xf32>
    tpu.vector_store %arg10[%swap3A_1068, %swap3A_1069], %swap3A_1072 {strides = array<i32>} : memref<16x4096xf32, #tpu.memory_space<vmem>>, vector<1x4096xf32>,
    %swap3A_1073 = arith.constant 12 : index
    %swap3A_1074 = arith.constant 0 : index
    %swap3A_1075 = vector.load %arg11[%swap3A_1073, %swap3A_1074] : memref<16x4096xf32, #tpu.memory_space<vmem>>, vector<1x4096xf32>
    %swap3A_1076 = vector.shape_cast %swap3A_1075 : vector<1x4096xf32> to vector<4096xf32>
    %swap3A_1077 = vector.shape_cast %reduce_sum3A_1046 : vector<4096xf32> to vector<1x4096xf32>
    tpu.vector_store %arg11[%swap3A_1073, %swap3A_1074], %swap3A_1077 {strides = array<i32>} : memref<16x4096xf32, #tpu.memory_space<vmem>>, vector<1x4096xf32>,
    %swap3A_1078 = arith.constant 12 : index
    %swap3A_1079 = arith.constant 0 : index
    %swap3A_1080 = vector.load %arg12[%swap3A_1078, %swap3A_1079] : memref<16x4096xf32, #tpu.memory_space<vmem>>, vector<1x4096xf32>
    %swap3A_1081 = vector.shape_cast %swap3A_1080 : vector<1x4096xf32> to vector<4096xf32>
    %swap3A_1082 = vector.shape_cast %reduce_sum3A_1054 : vector<4096xf32> to vector<1x4096xf32>
    tpu.vector_store %arg12[%swap3A_1078, %swap3A_1079], %swap3A_1082 {strides = array<i32>} : memref<16x4096xf32, #tpu.memory_space<vmem>>, vector<1x4096xf32>,
    %gt3A_1083 = vector.broadcast %broadcast_in_dim3A_1017 : vector<1x4096xf32> to vector<32x4096xf32>
    %gt3A_1084 = arith.cmpf ogt, %select_n3A, %gt3A_1083 : vector<32x4096xf32>
    %eq3A_1085 = vector.broadcast %broadcast_in_dim3A_1017 : vector<1x4096xf32> to vector<32x4096xf32>
    %eq3A_1086 = arith.cmpf oeq, %select_n3A, %eq3A_1085 : vector<32x4096xf32>
    %gt3A_1087 = vector.broadcast %broadcast_in_dim3A_1025 : vector<1x4096xf32> to vector<32x4096xf32>
    %gt3A_1088 = arith.cmpf ogt, %convert_element_type3A, %gt3A_1087 : vector<32x4096xf32>
    %and3A_1089 = arith.andi %eq3A_1086, %gt3A_1088 : vector<32x4096xi1>
    %or3A_1090 = arith.ori %gt3A_1084, %and3A_1089 : vector<32x4096xi1>
    %jit3A_1091 = arith.constant 3.000000e+38 : f32
    %broadcast_in_dim3A_1092 = vector.broadcast %jit3A_1091 : f32 to vector<32x4096xf32>
    %select_n3A_1093 = arith.select %or3A_1090, %select_n3A, %broadcast_in_dim3A_1092 : vector<32x4096xi1>, vector<32x4096xf32>
    %reduce_min3A_1094 = arith.constant dense<0x7F800000> : vector<4096xf32>
    %reduce_min3A_1095 = vector.multi_reduction <minimumf>, %select_n3A_1093, %reduce_min3A_1094 [0] : vector<32x4096xf32> to vector<4096xf32>
    %broadcast_in_dim3A_1096 = vector.shape_cast %reduce_min3A_1095 : vector<4096xf32> to vector<1x4096xf32>
    %eq3A_1097 = vector.broadcast %broadcast_in_dim3A_1096 : vector<1x4096xf32> to vector<32x4096xf32>
    %eq3A_1098 = arith.cmpf oeq, %select_n3A_1093, %eq3A_1097 : vector<32x4096xf32>
    %jit3A_1099 = arith.constant 3.000000e+38 : f32
    %broadcast_in_dim3A_1100 = vector.broadcast %jit3A_1099 : f32 to vector<32x4096xf32>
    %select_n3A_1101 = arith.select %eq3A_1098, %convert_element_type3A, %broadcast_in_dim3A_1100 : vector<32x4096xi1>, vector<32x4096xf32>
    %reduce_min3A_1102 = arith.constant dense<0x7F800000> : vector<4096xf32>
    %reduce_min3A_1103 = vector.multi_reduction <minimumf>, %select_n3A_1101, %reduce_min3A_1102 [0] : vector<32x4096xf32> to vector<4096xf32>
    %broadcast_in_dim3A_1104 = vector.shape_cast %reduce_min3A_1103 : vector<4096xf32> to vector<1x4096xf32>
    %eq3A_1105 = vector.broadcast %broadcast_in_dim3A_1096 : vector<1x4096xf32> to vector<32x4096xf32>
    %eq3A_1106 = arith.cmpf oeq, %select_n3A_1093, %eq3A_1105 : vector<32x4096xf32>
    %eq3A_1107 = vector.broadcast %broadcast_in_dim3A_1104 : vector<1x4096xf32> to vector<32x4096xf32>
    %eq3A_1108 = arith.cmpf oeq, %convert_element_type3A, %eq3A_1107 : vector<32x4096xf32>
    %and3A_1109 = arith.andi %eq3A_1106, %eq3A_1108 : vector<32x4096xi1>
    %get3A_1110 = arith.constant 0 : index
    %get3A_1111 = arith.constant 0 : index
    %get3A_1112 = vector.load %arg0[%get3A_1110, %get3A_1111] : memref<32x4096xf32, #tpu.memory_space<vmem>>, vector<32x4096xf32>
    %jit3A_1113 = arith.constant 0.000000e+00 : f32
    %broadcast_in_dim3A_1114 = vector.broadcast %jit3A_1113 : f32 to vector<32x4096xf32>
    %select_n3A_1115 = arith.select %and3A_1109, %get3A_1112, %broadcast_in_dim3A_1114 : vector<32x4096xi1>, vector<32x4096xf32>
    %reduce_sum3A_1116 = arith.constant dense<0.000000e+00> : vector<4096xf32>
    %reduce_sum3A_1117 = vector.multi_reduction <add>, %select_n3A_1115, %reduce_sum3A_1116 [0] : vector<32x4096xf32> to vector<4096xf32>
    %get3A_1118 = arith.constant 0 : index
    %get3A_1119 = arith.constant 0 : index
    %get3A_1120 = vector.load %arg1[%get3A_1118, %get3A_1119] : memref<32x4096xf32, #tpu.memory_space<vmem>>, vector<32x4096xf32>
    %jit3A_1121 = arith.constant 0.000000e+00 : f32
    %broadcast_in_dim3A_1122 = vector.broadcast %jit3A_1121 : f32 to vector<32x4096xf32>
    %select_n3A_1123 = arith.select %and3A_1109, %get3A_1120, %broadcast_in_dim3A_1122 : vector<32x4096xi1>, vector<32x4096xf32>
    %reduce_sum3A_1124 = arith.constant dense<0.000000e+00> : vector<4096xf32>
    %reduce_sum3A_1125 = vector.multi_reduction <add>, %select_n3A_1123, %reduce_sum3A_1124 [0] : vector<32x4096xf32> to vector<4096xf32>
    %get3A_1126 = arith.constant 0 : index
    %get3A_1127 = arith.constant 0 : index
    %get3A_1128 = vector.load %arg2[%get3A_1126, %get3A_1127] : memref<32x4096xf32, #tpu.memory_space<vmem>>, vector<32x4096xf32>
    %jit3A_1129 = arith.constant 0.000000e+00 : f32
    %broadcast_in_dim3A_1130 = vector.broadcast %jit3A_1129 : f32 to vector<32x4096xf32>
    %select_n3A_1131 = arith.select %and3A_1109, %get3A_1128, %broadcast_in_dim3A_1130 : vector<32x4096xi1>, vector<32x4096xf32>
    %reduce_sum3A_1132 = arith.constant dense<0.000000e+00> : vector<4096xf32>
    %reduce_sum3A_1133 = vector.multi_reduction <add>, %select_n3A_1131, %reduce_sum3A_1132 [0] : vector<32x4096xf32> to vector<4096xf32>
    %squeeze3A_1134 = vector.shape_cast %broadcast_in_dim3A_1096 : vector<1x4096xf32> to vector<4096xf32>
    %swap3A_1135 = arith.constant 13 : index
    %swap3A_1136 = arith.constant 0 : index
    %swap3A_1137 = vector.load %arg16[%swap3A_1135, %swap3A_1136] : memref<16x4096xf32, #tpu.memory_space<vmem>>, vector<1x4096xf32>
    %swap3A_1138 = vector.shape_cast %swap3A_1137 : vector<1x4096xf32> to vector<4096xf32>
    %swap3A_1139 = vector.shape_cast %squeeze3A_1134 : vector<4096xf32> to vector<1x4096xf32>
    tpu.vector_store %arg16[%swap3A_1135, %swap3A_1136], %swap3A_1139 {strides = array<i32>} : memref<16x4096xf32, #tpu.memory_space<vmem>>, vector<1x4096xf32>,
    %squeeze3A_1140 = vector.shape_cast %broadcast_in_dim3A_1104 : vector<1x4096xf32> to vector<4096xf32>
    %convert_element_type3A_1141 = arith.fptosi %squeeze3A_1140 : vector<4096xf32> to vector<4096xi32>
    %swap3A_1142 = arith.constant 13 : index
    %swap3A_1143 = arith.constant 0 : index
    %swap3A_1144 = vector.load %arg17[%swap3A_1142, %swap3A_1143] : memref<16x4096xi32, #tpu.memory_space<vmem>>, vector<1x4096xi32>
    %swap3A_1145 = vector.shape_cast %swap3A_1144 : vector<1x4096xi32> to vector<4096xi32>
    %swap3A_1146 = vector.shape_cast %convert_element_type3A_1141 : vector<4096xi32> to vector<1x4096xi32>
    tpu.vector_store %arg17[%swap3A_1142, %swap3A_1143], %swap3A_1146 {strides = array<i32>} : memref<16x4096xi32, #tpu.memory_space<vmem>>, vector<1x4096xi32>,
    %swap3A_1147 = arith.constant 13 : index
    %swap3A_1148 = arith.constant 0 : index
    %swap3A_1149 = vector.load %arg10[%swap3A_1147, %swap3A_1148] : memref<16x4096xf32, #tpu.memory_space<vmem>>, vector<1x4096xf32>
    %swap3A_1150 = vector.shape_cast %swap3A_1149 : vector<1x4096xf32> to vector<4096xf32>
    %swap3A_1151 = vector.shape_cast %reduce_sum3A_1117 : vector<4096xf32> to vector<1x4096xf32>
    tpu.vector_store %arg10[%swap3A_1147, %swap3A_1148], %swap3A_1151 {strides = array<i32>} : memref<16x4096xf32, #tpu.memory_space<vmem>>, vector<1x4096xf32>,
    %swap3A_1152 = arith.constant 13 : index
    %swap3A_1153 = arith.constant 0 : index
    %swap3A_1154 = vector.load %arg11[%swap3A_1152, %swap3A_1153] : memref<16x4096xf32, #tpu.memory_space<vmem>>, vector<1x4096xf32>
    %swap3A_1155 = vector.shape_cast %swap3A_1154 : vector<1x4096xf32> to vector<4096xf32>
    %swap3A_1156 = vector.shape_cast %reduce_sum3A_1125 : vector<4096xf32> to vector<1x4096xf32>
    tpu.vector_store %arg11[%swap3A_1152, %swap3A_1153], %swap3A_1156 {strides = array<i32>} : memref<16x4096xf32, #tpu.memory_space<vmem>>, vector<1x4096xf32>,
    %swap3A_1157 = arith.constant 13 : index
    %swap3A_1158 = arith.constant 0 : index
    %swap3A_1159 = vector.load %arg12[%swap3A_1157, %swap3A_1158] : memref<16x4096xf32, #tpu.memory_space<vmem>>, vector<1x4096xf32>
    %swap3A_1160 = vector.shape_cast %swap3A_1159 : vector<1x4096xf32> to vector<4096xf32>
    %swap3A_1161 = vector.shape_cast %reduce_sum3A_1133 : vector<4096xf32> to vector<1x4096xf32>
    tpu.vector_store %arg12[%swap3A_1157, %swap3A_1158], %swap3A_1161 {strides = array<i32>} : memref<16x4096xf32, #tpu.memory_space<vmem>>, vector<1x4096xf32>,
    %gt3A_1162 = vector.broadcast %broadcast_in_dim3A_1096 : vector<1x4096xf32> to vector<32x4096xf32>
    %gt3A_1163 = arith.cmpf ogt, %select_n3A, %gt3A_1162 : vector<32x4096xf32>
    %eq3A_1164 = vector.broadcast %broadcast_in_dim3A_1096 : vector<1x4096xf32> to vector<32x4096xf32>
    %eq3A_1165 = arith.cmpf oeq, %select_n3A, %eq3A_1164 : vector<32x4096xf32>
    %gt3A_1166 = vector.broadcast %broadcast_in_dim3A_1104 : vector<1x4096xf32> to vector<32x4096xf32>
    %gt3A_1167 = arith.cmpf ogt, %convert_element_type3A, %gt3A_1166 : vector<32x4096xf32>
    %and3A_1168 = arith.andi %eq3A_1165, %gt3A_1167 : vector<32x4096xi1>
    %or3A_1169 = arith.ori %gt3A_1163, %and3A_1168 : vector<32x4096xi1>
    %jit3A_1170 = arith.constant 3.000000e+38 : f32
    %broadcast_in_dim3A_1171 = vector.broadcast %jit3A_1170 : f32 to vector<32x4096xf32>
    %select_n3A_1172 = arith.select %or3A_1169, %select_n3A, %broadcast_in_dim3A_1171 : vector<32x4096xi1>, vector<32x4096xf32>
    %reduce_min3A_1173 = arith.constant dense<0x7F800000> : vector<4096xf32>
    %reduce_min3A_1174 = vector.multi_reduction <minimumf>, %select_n3A_1172, %reduce_min3A_1173 [0] : vector<32x4096xf32> to vector<4096xf32>
    %broadcast_in_dim3A_1175 = vector.shape_cast %reduce_min3A_1174 : vector<4096xf32> to vector<1x4096xf32>
    %eq3A_1176 = vector.broadcast %broadcast_in_dim3A_1175 : vector<1x4096xf32> to vector<32x4096xf32>
    %eq3A_1177 = arith.cmpf oeq, %select_n3A_1172, %eq3A_1176 : vector<32x4096xf32>
    %jit3A_1178 = arith.constant 3.000000e+38 : f32
    %broadcast_in_dim3A_1179 = vector.broadcast %jit3A_1178 : f32 to vector<32x4096xf32>
    %select_n3A_1180 = arith.select %eq3A_1177, %convert_element_type3A, %broadcast_in_dim3A_1179 : vector<32x4096xi1>, vector<32x4096xf32>
    %reduce_min3A_1181 = arith.constant dense<0x7F800000> : vector<4096xf32>
    %reduce_min3A_1182 = vector.multi_reduction <minimumf>, %select_n3A_1180, %reduce_min3A_1181 [0] : vector<32x4096xf32> to vector<4096xf32>
    %broadcast_in_dim3A_1183 = vector.shape_cast %reduce_min3A_1182 : vector<4096xf32> to vector<1x4096xf32>
    %eq3A_1184 = vector.broadcast %broadcast_in_dim3A_1175 : vector<1x4096xf32> to vector<32x4096xf32>
    %eq3A_1185 = arith.cmpf oeq, %select_n3A_1172, %eq3A_1184 : vector<32x4096xf32>
    %eq3A_1186 = vector.broadcast %broadcast_in_dim3A_1183 : vector<1x4096xf32> to vector<32x4096xf32>
    %eq3A_1187 = arith.cmpf oeq, %convert_element_type3A, %eq3A_1186 : vector<32x4096xf32>
    %and3A_1188 = arith.andi %eq3A_1185, %eq3A_1187 : vector<32x4096xi1>
    %get3A_1189 = arith.constant 0 : index
    %get3A_1190 = arith.constant 0 : index
    %get3A_1191 = vector.load %arg0[%get3A_1189, %get3A_1190] : memref<32x4096xf32, #tpu.memory_space<vmem>>, vector<32x4096xf32>
    %jit3A_1192 = arith.constant 0.000000e+00 : f32
    %broadcast_in_dim3A_1193 = vector.broadcast %jit3A_1192 : f32 to vector<32x4096xf32>
    %select_n3A_1194 = arith.select %and3A_1188, %get3A_1191, %broadcast_in_dim3A_1193 : vector<32x4096xi1>, vector<32x4096xf32>
    %reduce_sum3A_1195 = arith.constant dense<0.000000e+00> : vector<4096xf32>
    %reduce_sum3A_1196 = vector.multi_reduction <add>, %select_n3A_1194, %reduce_sum3A_1195 [0] : vector<32x4096xf32> to vector<4096xf32>
    %get3A_1197 = arith.constant 0 : index
    %get3A_1198 = arith.constant 0 : index
    %get3A_1199 = vector.load %arg1[%get3A_1197, %get3A_1198] : memref<32x4096xf32, #tpu.memory_space<vmem>>, vector<32x4096xf32>
    %jit3A_1200 = arith.constant 0.000000e+00 : f32
    %broadcast_in_dim3A_1201 = vector.broadcast %jit3A_1200 : f32 to vector<32x4096xf32>
    %select_n3A_1202 = arith.select %and3A_1188, %get3A_1199, %broadcast_in_dim3A_1201 : vector<32x4096xi1>, vector<32x4096xf32>
    %reduce_sum3A_1203 = arith.constant dense<0.000000e+00> : vector<4096xf32>
    %reduce_sum3A_1204 = vector.multi_reduction <add>, %select_n3A_1202, %reduce_sum3A_1203 [0] : vector<32x4096xf32> to vector<4096xf32>
    %get3A_1205 = arith.constant 0 : index
    %get3A_1206 = arith.constant 0 : index
    %get3A_1207 = vector.load %arg2[%get3A_1205, %get3A_1206] : memref<32x4096xf32, #tpu.memory_space<vmem>>, vector<32x4096xf32>
    %jit3A_1208 = arith.constant 0.000000e+00 : f32
    %broadcast_in_dim3A_1209 = vector.broadcast %jit3A_1208 : f32 to vector<32x4096xf32>
    %select_n3A_1210 = arith.select %and3A_1188, %get3A_1207, %broadcast_in_dim3A_1209 : vector<32x4096xi1>, vector<32x4096xf32>
    %reduce_sum3A_1211 = arith.constant dense<0.000000e+00> : vector<4096xf32>
    %reduce_sum3A_1212 = vector.multi_reduction <add>, %select_n3A_1210, %reduce_sum3A_1211 [0] : vector<32x4096xf32> to vector<4096xf32>
    %squeeze3A_1213 = vector.shape_cast %broadcast_in_dim3A_1175 : vector<1x4096xf32> to vector<4096xf32>
    %swap3A_1214 = arith.constant 14 : index
    %swap3A_1215 = arith.constant 0 : index
    %swap3A_1216 = vector.load %arg16[%swap3A_1214, %swap3A_1215] : memref<16x4096xf32, #tpu.memory_space<vmem>>, vector<1x4096xf32>
    %swap3A_1217 = vector.shape_cast %swap3A_1216 : vector<1x4096xf32> to vector<4096xf32>
    %swap3A_1218 = vector.shape_cast %squeeze3A_1213 : vector<4096xf32> to vector<1x4096xf32>
    tpu.vector_store %arg16[%swap3A_1214, %swap3A_1215], %swap3A_1218 {strides = array<i32>} : memref<16x4096xf32, #tpu.memory_space<vmem>>, vector<1x4096xf32>,
    %squeeze3A_1219 = vector.shape_cast %broadcast_in_dim3A_1183 : vector<1x4096xf32> to vector<4096xf32>
    %convert_element_type3A_1220 = arith.fptosi %squeeze3A_1219 : vector<4096xf32> to vector<4096xi32>
    %swap3A_1221 = arith.constant 14 : index
    %swap3A_1222 = arith.constant 0 : index
    %swap3A_1223 = vector.load %arg17[%swap3A_1221, %swap3A_1222] : memref<16x4096xi32, #tpu.memory_space<vmem>>, vector<1x4096xi32>
    %swap3A_1224 = vector.shape_cast %swap3A_1223 : vector<1x4096xi32> to vector<4096xi32>
    %swap3A_1225 = vector.shape_cast %convert_element_type3A_1220 : vector<4096xi32> to vector<1x4096xi32>
    tpu.vector_store %arg17[%swap3A_1221, %swap3A_1222], %swap3A_1225 {strides = array<i32>} : memref<16x4096xi32, #tpu.memory_space<vmem>>, vector<1x4096xi32>,
    %swap3A_1226 = arith.constant 14 : index
    %swap3A_1227 = arith.constant 0 : index
    %swap3A_1228 = vector.load %arg10[%swap3A_1226, %swap3A_1227] : memref<16x4096xf32, #tpu.memory_space<vmem>>, vector<1x4096xf32>
    %swap3A_1229 = vector.shape_cast %swap3A_1228 : vector<1x4096xf32> to vector<4096xf32>
    %swap3A_1230 = vector.shape_cast %reduce_sum3A_1196 : vector<4096xf32> to vector<1x4096xf32>
    tpu.vector_store %arg10[%swap3A_1226, %swap3A_1227], %swap3A_1230 {strides = array<i32>} : memref<16x4096xf32, #tpu.memory_space<vmem>>, vector<1x4096xf32>,
    %swap3A_1231 = arith.constant 14 : index
    %swap3A_1232 = arith.constant 0 : index
    %swap3A_1233 = vector.load %arg11[%swap3A_1231, %swap3A_1232] : memref<16x4096xf32, #tpu.memory_space<vmem>>, vector<1x4096xf32>
    %swap3A_1234 = vector.shape_cast %swap3A_1233 : vector<1x4096xf32> to vector<4096xf32>
    %swap3A_1235 = vector.shape_cast %reduce_sum3A_1204 : vector<4096xf32> to vector<1x4096xf32>
    tpu.vector_store %arg11[%swap3A_1231, %swap3A_1232], %swap3A_1235 {strides = array<i32>} : memref<16x4096xf32, #tpu.memory_space<vmem>>, vector<1x4096xf32>,
    %swap3A_1236 = arith.constant 14 : index
    %swap3A_1237 = arith.constant 0 : index
    %swap3A_1238 = vector.load %arg12[%swap3A_1236, %swap3A_1237] : memref<16x4096xf32, #tpu.memory_space<vmem>>, vector<1x4096xf32>
    %swap3A_1239 = vector.shape_cast %swap3A_1238 : vector<1x4096xf32> to vector<4096xf32>
    %swap3A_1240 = vector.shape_cast %reduce_sum3A_1212 : vector<4096xf32> to vector<1x4096xf32>
    tpu.vector_store %arg12[%swap3A_1236, %swap3A_1237], %swap3A_1240 {strides = array<i32>} : memref<16x4096xf32, #tpu.memory_space<vmem>>, vector<1x4096xf32>,
    %gt3A_1241 = vector.broadcast %broadcast_in_dim3A_1175 : vector<1x4096xf32> to vector<32x4096xf32>
    %gt3A_1242 = arith.cmpf ogt, %select_n3A, %gt3A_1241 : vector<32x4096xf32>
    %eq3A_1243 = vector.broadcast %broadcast_in_dim3A_1175 : vector<1x4096xf32> to vector<32x4096xf32>
    %eq3A_1244 = arith.cmpf oeq, %select_n3A, %eq3A_1243 : vector<32x4096xf32>
    %gt3A_1245 = vector.broadcast %broadcast_in_dim3A_1183 : vector<1x4096xf32> to vector<32x4096xf32>
    %gt3A_1246 = arith.cmpf ogt, %convert_element_type3A, %gt3A_1245 : vector<32x4096xf32>
    %and3A_1247 = arith.andi %eq3A_1244, %gt3A_1246 : vector<32x4096xi1>
    %or3A_1248 = arith.ori %gt3A_1242, %and3A_1247 : vector<32x4096xi1>
    %jit3A_1249 = arith.constant 3.000000e+38 : f32
    %broadcast_in_dim3A_1250 = vector.broadcast %jit3A_1249 : f32 to vector<32x4096xf32>
    %select_n3A_1251 = arith.select %or3A_1248, %select_n3A, %broadcast_in_dim3A_1250 : vector<32x4096xi1>, vector<32x4096xf32>
    %reduce_min3A_1252 = arith.constant dense<0x7F800000> : vector<4096xf32>
    %reduce_min3A_1253 = vector.multi_reduction <minimumf>, %select_n3A_1251, %reduce_min3A_1252 [0] : vector<32x4096xf32> to vector<4096xf32>
    %broadcast_in_dim3A_1254 = vector.shape_cast %reduce_min3A_1253 : vector<4096xf32> to vector<1x4096xf32>
    %eq3A_1255 = vector.broadcast %broadcast_in_dim3A_1254 : vector<1x4096xf32> to vector<32x4096xf32>
    %eq3A_1256 = arith.cmpf oeq, %select_n3A_1251, %eq3A_1255 : vector<32x4096xf32>
    %jit3A_1257 = arith.constant 3.000000e+38 : f32
    %broadcast_in_dim3A_1258 = vector.broadcast %jit3A_1257 : f32 to vector<32x4096xf32>
    %select_n3A_1259 = arith.select %eq3A_1256, %convert_element_type3A, %broadcast_in_dim3A_1258 : vector<32x4096xi1>, vector<32x4096xf32>
    %reduce_min3A_1260 = arith.constant dense<0x7F800000> : vector<4096xf32>
    %reduce_min3A_1261 = vector.multi_reduction <minimumf>, %select_n3A_1259, %reduce_min3A_1260 [0] : vector<32x4096xf32> to vector<4096xf32>
    %broadcast_in_dim3A_1262 = vector.shape_cast %reduce_min3A_1261 : vector<4096xf32> to vector<1x4096xf32>
    %eq3A_1263 = vector.broadcast %broadcast_in_dim3A_1254 : vector<1x4096xf32> to vector<32x4096xf32>
    %eq3A_1264 = arith.cmpf oeq, %select_n3A_1251, %eq3A_1263 : vector<32x4096xf32>
    %eq3A_1265 = vector.broadcast %broadcast_in_dim3A_1262 : vector<1x4096xf32> to vector<32x4096xf32>
    %eq3A_1266 = arith.cmpf oeq, %convert_element_type3A, %eq3A_1265 : vector<32x4096xf32>
    %and3A_1267 = arith.andi %eq3A_1264, %eq3A_1266 : vector<32x4096xi1>
    %get3A_1268 = arith.constant 0 : index
    %get3A_1269 = arith.constant 0 : index
    %get3A_1270 = vector.load %arg0[%get3A_1268, %get3A_1269] : memref<32x4096xf32, #tpu.memory_space<vmem>>, vector<32x4096xf32>
    %jit3A_1271 = arith.constant 0.000000e+00 : f32
    %broadcast_in_dim3A_1272 = vector.broadcast %jit3A_1271 : f32 to vector<32x4096xf32>
    %select_n3A_1273 = arith.select %and3A_1267, %get3A_1270, %broadcast_in_dim3A_1272 : vector<32x4096xi1>, vector<32x4096xf32>
    %reduce_sum3A_1274 = arith.constant dense<0.000000e+00> : vector<4096xf32>
    %reduce_sum3A_1275 = vector.multi_reduction <add>, %select_n3A_1273, %reduce_sum3A_1274 [0] : vector<32x4096xf32> to vector<4096xf32>
    %get3A_1276 = arith.constant 0 : index
    %get3A_1277 = arith.constant 0 : index
    %get3A_1278 = vector.load %arg1[%get3A_1276, %get3A_1277] : memref<32x4096xf32, #tpu.memory_space<vmem>>, vector<32x4096xf32>
    %jit3A_1279 = arith.constant 0.000000e+00 : f32
    %broadcast_in_dim3A_1280 = vector.broadcast %jit3A_1279 : f32 to vector<32x4096xf32>
    %select_n3A_1281 = arith.select %and3A_1267, %get3A_1278, %broadcast_in_dim3A_1280 : vector<32x4096xi1>, vector<32x4096xf32>
    %reduce_sum3A_1282 = arith.constant dense<0.000000e+00> : vector<4096xf32>
    %reduce_sum3A_1283 = vector.multi_reduction <add>, %select_n3A_1281, %reduce_sum3A_1282 [0] : vector<32x4096xf32> to vector<4096xf32>
    %get3A_1284 = arith.constant 0 : index
    %get3A_1285 = arith.constant 0 : index
    %get3A_1286 = vector.load %arg2[%get3A_1284, %get3A_1285] : memref<32x4096xf32, #tpu.memory_space<vmem>>, vector<32x4096xf32>
    %jit3A_1287 = arith.constant 0.000000e+00 : f32
    %broadcast_in_dim3A_1288 = vector.broadcast %jit3A_1287 : f32 to vector<32x4096xf32>
    %select_n3A_1289 = arith.select %and3A_1267, %get3A_1286, %broadcast_in_dim3A_1288 : vector<32x4096xi1>, vector<32x4096xf32>
    %reduce_sum3A_1290 = arith.constant dense<0.000000e+00> : vector<4096xf32>
    %reduce_sum3A_1291 = vector.multi_reduction <add>, %select_n3A_1289, %reduce_sum3A_1290 [0] : vector<32x4096xf32> to vector<4096xf32>
    %squeeze3A_1292 = vector.shape_cast %broadcast_in_dim3A_1254 : vector<1x4096xf32> to vector<4096xf32>
    %swap3A_1293 = arith.constant 15 : index
    %swap3A_1294 = arith.constant 0 : index
    %swap3A_1295 = vector.load %arg16[%swap3A_1293, %swap3A_1294] : memref<16x4096xf32, #tpu.memory_space<vmem>>, vector<1x4096xf32>
    %swap3A_1296 = vector.shape_cast %swap3A_1295 : vector<1x4096xf32> to vector<4096xf32>
    %swap3A_1297 = vector.shape_cast %squeeze3A_1292 : vector<4096xf32> to vector<1x4096xf32>
    tpu.vector_store %arg16[%swap3A_1293, %swap3A_1294], %swap3A_1297 {strides = array<i32>} : memref<16x4096xf32, #tpu.memory_space<vmem>>, vector<1x4096xf32>,
    %squeeze3A_1298 = vector.shape_cast %broadcast_in_dim3A_1262 : vector<1x4096xf32> to vector<4096xf32>
    %convert_element_type3A_1299 = arith.fptosi %squeeze3A_1298 : vector<4096xf32> to vector<4096xi32>
    %swap3A_1300 = arith.constant 15 : index
    %swap3A_1301 = arith.constant 0 : index
    %swap3A_1302 = vector.load %arg17[%swap3A_1300, %swap3A_1301] : memref<16x4096xi32, #tpu.memory_space<vmem>>, vector<1x4096xi32>
    %swap3A_1303 = vector.shape_cast %swap3A_1302 : vector<1x4096xi32> to vector<4096xi32>
    %swap3A_1304 = vector.shape_cast %convert_element_type3A_1299 : vector<4096xi32> to vector<1x4096xi32>
    tpu.vector_store %arg17[%swap3A_1300, %swap3A_1301], %swap3A_1304 {strides = array<i32>} : memref<16x4096xi32, #tpu.memory_space<vmem>>, vector<1x4096xi32>,
    %swap3A_1305 = arith.constant 15 : index
    %swap3A_1306 = arith.constant 0 : index
    %swap3A_1307 = vector.load %arg10[%swap3A_1305, %swap3A_1306] : memref<16x4096xf32, #tpu.memory_space<vmem>>, vector<1x4096xf32>
    %swap3A_1308 = vector.shape_cast %swap3A_1307 : vector<1x4096xf32> to vector<4096xf32>
    %swap3A_1309 = vector.shape_cast %reduce_sum3A_1275 : vector<4096xf32> to vector<1x4096xf32>
    tpu.vector_store %arg10[%swap3A_1305, %swap3A_1306], %swap3A_1309 {strides = array<i32>} : memref<16x4096xf32, #tpu.memory_space<vmem>>, vector<1x4096xf32>,
    %swap3A_1310 = arith.constant 15 : index
    %swap3A_1311 = arith.constant 0 : index
    %swap3A_1312 = vector.load %arg11[%swap3A_1310, %swap3A_1311] : memref<16x4096xf32, #tpu.memory_space<vmem>>, vector<1x4096xf32>
    %swap3A_1313 = vector.shape_cast %swap3A_1312 : vector<1x4096xf32> to vector<4096xf32>
    %swap3A_1314 = vector.shape_cast %reduce_sum3A_1283 : vector<4096xf32> to vector<1x4096xf32>
    tpu.vector_store %arg11[%swap3A_1310, %swap3A_1311], %swap3A_1314 {strides = array<i32>} : memref<16x4096xf32, #tpu.memory_space<vmem>>, vector<1x4096xf32>,
    %swap3A_1315 = arith.constant 15 : index
    %swap3A_1316 = arith.constant 0 : index
    %swap3A_1317 = vector.load %arg12[%swap3A_1315, %swap3A_1316] : memref<16x4096xf32, #tpu.memory_space<vmem>>, vector<1x4096xf32>
    %swap3A_1318 = vector.shape_cast %swap3A_1317 : vector<1x4096xf32> to vector<4096xf32>
    %swap3A_1319 = vector.shape_cast %reduce_sum3A_1291 : vector<4096xf32> to vector<1x4096xf32>
    tpu.vector_store %arg12[%swap3A_1315, %swap3A_1316], %swap3A_1319 {strides = array<i32>} : memref<16x4096xf32, #tpu.memory_space<vmem>>, vector<1x4096xf32>,
    %get3A_1320 = arith.constant 0 : index
    %get3A_1321 = arith.constant 0 : index
    %get3A_1322 = vector.load %arg10[%get3A_1320, %get3A_1321] : memref<16x4096xf32, #tpu.memory_space<vmem>>, vector<16x4096xf32>
    %get3A_1323 = arith.constant 0 : index
    %get3A_1324 = arith.constant 0 : index
    %get3A_1325 = vector.load %arg4[%get3A_1323, %get3A_1324] : memref<1x4096xf32, #tpu.memory_space<vmem>>, vector<1x4096xf32>
    %sub3A_1326 = vector.broadcast %get3A_1325 : vector<1x4096xf32> to vector<16x4096xf32>
    %sub3A_1327 = arith.subf %get3A_1322, %sub3A_1326 : vector<16x4096xf32>
    %get3A_1328 = arith.constant 0 : index
    %get3A_1329 = arith.constant 0 : index
    %get3A_1330 = vector.load %arg11[%get3A_1328, %get3A_1329] : memref<16x4096xf32, #tpu.memory_space<vmem>>, vector<16x4096xf32>
    %get3A_1331 = arith.constant 0 : index
    %get3A_1332 = arith.constant 0 : index
    %get3A_1333 = vector.load %arg5[%get3A_1331, %get3A_1332] : memref<1x4096xf32, #tpu.memory_space<vmem>>, vector<1x4096xf32>
    %sub3A_1334 = vector.broadcast %get3A_1333 : vector<1x4096xf32> to vector<16x4096xf32>
    %sub3A_1335 = arith.subf %get3A_1330, %sub3A_1334 : vector<16x4096xf32>
    %get3A_1336 = arith.constant 0 : index
    %get3A_1337 = arith.constant 0 : index
    %get3A_1338 = vector.load %arg12[%get3A_1336, %get3A_1337] : memref<16x4096xf32, #tpu.memory_space<vmem>>, vector<16x4096xf32>
    %get3A_1339 = arith.constant 0 : index
    %get3A_1340 = arith.constant 0 : index
    %get3A_1341 = vector.load %arg6[%get3A_1339, %get3A_1340] : memref<1x4096xf32, #tpu.memory_space<vmem>>, vector<1x4096xf32>
    %sub3A_1342 = vector.broadcast %get3A_1341 : vector<1x4096xf32> to vector<16x4096xf32>
    %sub3A_1343 = arith.subf %get3A_1338, %sub3A_1342 : vector<16x4096xf32>
    %mul3A_1344 = arith.mulf %sub3A_1327, %sub3A_1327 : vector<16x4096xf32>
    %mul3A_1345 = arith.mulf %sub3A_1335, %sub3A_1335 : vector<16x4096xf32>
    %add3A_1346 = arith.addf %mul3A_1344, %mul3A_1345 : vector<16x4096xf32>
    %mul3A_1347 = arith.mulf %sub3A_1343, %sub3A_1343 : vector<16x4096xf32>
    %add3A_1348 = arith.addf %add3A_1346, %mul3A_1347 : vector<16x4096xf32>
    %sqrt3A_1349 = math.sqrt %add3A_1348 : vector<16x4096xf32>
    %mul3A_1350 = vector.broadcast %get3A_29 : vector<1x4096xf32> to vector<16x4096xf32>
    %mul3A_1351 = arith.mulf %mul3A_1350, %sqrt3A_1349 : vector<16x4096xf32>
    %mul3A_1352 = vector.broadcast %get3A_32 : vector<1x4096xf32> to vector<16x4096xf32>
    %mul3A_1353 = arith.mulf %mul3A_1352, %sqrt3A_1349 : vector<16x4096xf32>
    %mul3A_1354 = vector.broadcast %get3A_35 : vector<1x4096xf32> to vector<16x4096xf32>
    %mul3A_1355 = arith.mulf %mul3A_1354, %sqrt3A_1349 : vector<16x4096xf32>
    %mul3A_1356 = arith.mulf %mul3A_1351, %mul3A_1351 : vector<16x4096xf32>
    %mul3A_1357 = arith.mulf %mul3A_1353, %mul3A_1353 : vector<16x4096xf32>
    %add3A_1358 = arith.addf %mul3A_1356, %mul3A_1357 : vector<16x4096xf32>
    %mul3A_1359 = arith.mulf %mul3A_1355, %mul3A_1355 : vector<16x4096xf32>
    %add3A_1360 = arith.addf %add3A_1358, %mul3A_1359 : vector<16x4096xf32>
    %sqrt3A_1361 = math.sqrt %add3A_1360 : vector<16x4096xf32>
    %max3A_1362 = arith.constant 9.99999996E-13 : f32
    %max3A_1363 = vector.broadcast %max3A_1362 : f32 to vector<16x4096xf32>
    %max3A_1364 = arith.maximumf %sqrt3A_1361, %max3A_1363 : vector<16x4096xf32>
    %div3A_1365 = arith.divf %mul3A_1351, %max3A_1364 : vector<16x4096xf32>
    %div3A_1366 = arith.divf %mul3A_1353, %max3A_1364 : vector<16x4096xf32>
    %div3A_1367 = arith.divf %mul3A_1355, %max3A_1364 : vector<16x4096xf32>
    %jit3A_1368 = arith.constant -1.000000e+00 : f32
    %jit3A_1369 = arith.constant 1.000000e+00 : f32
    %max3A_1370 = vector.broadcast %jit3A_1368 : f32 to vector<16x4096xf32>
    %max3A_1371 = arith.maximumf %max3A_1370, %div3A_1367 : vector<16x4096xf32>
    %min3A = vector.broadcast %jit3A_1369 : f32 to vector<16x4096xf32>
    %min3A_1372 = arith.minimumf %min3A, %max3A_1371 : vector<16x4096xf32>
    %abs3A = math.absf %min3A_1372 : vector<16x4096xf32>
    %mul3A_1373 = arith.constant -0.0012624911 : f32
    %mul3A_1374 = vector.broadcast %mul3A_1373 : f32 to vector<16x4096xf32>
    %mul3A_1375 = arith.mulf %mul3A_1374, %abs3A : vector<16x4096xf32>
    %add3A_1376 = arith.constant 6.670090e-03 : f32
    %add3A_1377 = vector.broadcast %add3A_1376 : f32 to vector<16x4096xf32>
    %add3A_1378 = arith.addf %mul3A_1375, %add3A_1377 : vector<16x4096xf32>
    %mul3A_1379 = arith.mulf %add3A_1378, %abs3A : vector<16x4096xf32>
    %add3A_1380 = arith.constant -0.0170881264 : f32
    %add3A_1381 = vector.broadcast %add3A_1380 : f32 to vector<16x4096xf32>
    %add3A_1382 = arith.addf %mul3A_1379, %add3A_1381 : vector<16x4096xf32>
    %mul3A_1383 = arith.mulf %add3A_1382, %abs3A : vector<16x4096xf32>
    %add3A_1384 = arith.constant 0.0308918804 : f32
    %add3A_1385 = vector.broadcast %add3A_1384 : f32 to vector<16x4096xf32>
    %add3A_1386 = arith.addf %mul3A_1383, %add3A_1385 : vector<16x4096xf32>
    %mul3A_1387 = arith.mulf %add3A_1386, %abs3A : vector<16x4096xf32>
    %add3A_1388 = arith.constant -0.0501743034 : f32
    %add3A_1389 = vector.broadcast %add3A_1388 : f32 to vector<16x4096xf32>
    %add3A_1390 = arith.addf %mul3A_1387, %add3A_1389 : vector<16x4096xf32>
    %mul3A_1391 = arith.mulf %add3A_1390, %abs3A : vector<16x4096xf32>
    %add3A_1392 = arith.constant 0.0889789909 : f32
    %add3A_1393 = vector.broadcast %add3A_1392 : f32 to vector<16x4096xf32>
    %add3A_1394 = arith.addf %mul3A_1391, %add3A_1393 : vector<16x4096xf32>
    %mul3A_1395 = arith.mulf %add3A_1394, %abs3A : vector<16x4096xf32>
    %add3A_1396 = arith.constant -0.214598805 : f32
    %add3A_1397 = vector.broadcast %add3A_1396 : f32 to vector<16x4096xf32>
    %add3A_1398 = arith.addf %mul3A_1395, %add3A_1397 : vector<16x4096xf32>
    %mul3A_1399 = arith.mulf %add3A_1398, %abs3A : vector<16x4096xf32>
    %add3A_1400 = arith.constant 1.57079625 : f32
    %add3A_1401 = vector.broadcast %add3A_1400 : f32 to vector<16x4096xf32>
    %add3A_1402 = arith.addf %mul3A_1399, %add3A_1401 : vector<16x4096xf32>
    %sub3A_1403 = arith.constant 1.000000e+00 : f32
    %sub3A_1404 = vector.broadcast %sub3A_1403 : f32 to vector<16x4096xf32>
    %sub3A_1405 = arith.subf %sub3A_1404, %abs3A : vector<16x4096xf32>
    %max3A_1406 = arith.constant 0.000000e+00 : f32
    %max3A_1407 = vector.broadcast %max3A_1406 : f32 to vector<16x4096xf32>
    %max3A_1408 = arith.maximumf %sub3A_1405, %max3A_1407 : vector<16x4096xf32>
    %sqrt3A_1409 = math.sqrt %max3A_1408 : vector<16x4096xf32>
    %mul3A_1410 = arith.mulf %sqrt3A_1409, %add3A_1402 : vector<16x4096xf32>
    %lt3A_1411 = arith.constant 0.000000e+00 : f32
    %lt3A_1412 = vector.broadcast %lt3A_1411 : f32 to vector<16x4096xf32>
    %lt3A_1413 = arith.cmpf olt, %min3A_1372, %lt3A_1412 : vector<16x4096xf32>
    %sub3A_1414 = arith.constant 3.14159274 : f32
    %sub3A_1415 = vector.broadcast %sub3A_1414 : f32 to vector<16x4096xf32>
    %sub3A_1416 = arith.subf %sub3A_1415, %mul3A_1410 : vector<16x4096xf32>
    %select_n3A_1417 = arith.select %lt3A_1413, %sub3A_1416, %mul3A_1410 : vector<16x4096xi1>, vector<16x4096xf32>
    %sin3A = math.sin %select_n3A_1417 : vector<16x4096xf32>
    %abs3A_1418 = math.absf %sin3A : vector<16x4096xf32>
    %lt3A_1419 = arith.constant 9.99999974E-6 : f32
    %lt3A_1420 = vector.broadcast %lt3A_1419 : f32 to vector<16x4096xf32>
    %lt3A_1421 = arith.cmpf olt, %abs3A_1418, %lt3A_1420 : vector<16x4096xf32>
    %div3A_1422 = arith.constant 1.000000e+00 : f32
    %div3A_1423 = vector.broadcast %div3A_1422 : f32 to vector<16x4096xf32>
    %div3A_1424 = arith.divf %div3A_1423, %sin3A : vector<16x4096xf32>
    %jit3A_1425 = arith.constant 0.000000e+00 : f32
    %broadcast_in_dim3A_1426 = vector.broadcast %jit3A_1425 : f32 to vector<16x4096xf32>
    %select_n3A_1427 = arith.select %lt3A_1421, %broadcast_in_dim3A_1426, %div3A_1424 : vector<16x4096xi1>, vector<16x4096xf32>
    %mul3A_1428 = arith.mulf %div3A_1365, %select_n3A_1427 : vector<16x4096xf32>
    %jit3A_1429 = arith.constant -1.000000e+00 : f32
    %jit3A_1430 = arith.constant 1.000000e+00 : f32
    %max3A_1431 = vector.broadcast %jit3A_1429 : f32 to vector<16x4096xf32>
    %max3A_1432 = arith.maximumf %max3A_1431, %mul3A_1428 : vector<16x4096xf32>
    %min3A_1433 = vector.broadcast %jit3A_1430 : f32 to vector<16x4096xf32>
    %min3A_1434 = arith.minimumf %min3A_1433, %max3A_1432 : vector<16x4096xf32>
    %abs3A_1435 = math.absf %min3A_1434 : vector<16x4096xf32>
    %mul3A_1436 = arith.constant -0.0012624911 : f32
    %mul3A_1437 = vector.broadcast %mul3A_1436 : f32 to vector<16x4096xf32>
    %mul3A_1438 = arith.mulf %mul3A_1437, %abs3A_1435 : vector<16x4096xf32>
    %add3A_1439 = arith.constant 6.670090e-03 : f32
    %add3A_1440 = vector.broadcast %add3A_1439 : f32 to vector<16x4096xf32>
    %add3A_1441 = arith.addf %mul3A_1438, %add3A_1440 : vector<16x4096xf32>
    %mul3A_1442 = arith.mulf %add3A_1441, %abs3A_1435 : vector<16x4096xf32>
    %add3A_1443 = arith.constant -0.0170881264 : f32
    %add3A_1444 = vector.broadcast %add3A_1443 : f32 to vector<16x4096xf32>
    %add3A_1445 = arith.addf %mul3A_1442, %add3A_1444 : vector<16x4096xf32>
    %mul3A_1446 = arith.mulf %add3A_1445, %abs3A_1435 : vector<16x4096xf32>
    %add3A_1447 = arith.constant 0.0308918804 : f32
    %add3A_1448 = vector.broadcast %add3A_1447 : f32 to vector<16x4096xf32>
    %add3A_1449 = arith.addf %mul3A_1446, %add3A_1448 : vector<16x4096xf32>
    %mul3A_1450 = arith.mulf %add3A_1449, %abs3A_1435 : vector<16x4096xf32>
    %add3A_1451 = arith.constant -0.0501743034 : f32
    %add3A_1452 = vector.broadcast %add3A_1451 : f32 to vector<16x4096xf32>
    %add3A_1453 = arith.addf %mul3A_1450, %add3A_1452 : vector<16x4096xf32>
    %mul3A_1454 = arith.mulf %add3A_1453, %abs3A_1435 : vector<16x4096xf32>
    %add3A_1455 = arith.constant 0.0889789909 : f32
    %add3A_1456 = vector.broadcast %add3A_1455 : f32 to vector<16x4096xf32>
    %add3A_1457 = arith.addf %mul3A_1454, %add3A_1456 : vector<16x4096xf32>
    %mul3A_1458 = arith.mulf %add3A_1457, %abs3A_1435 : vector<16x4096xf32>
    %add3A_1459 = arith.constant -0.214598805 : f32
    %add3A_1460 = vector.broadcast %add3A_1459 : f32 to vector<16x4096xf32>
    %add3A_1461 = arith.addf %mul3A_1458, %add3A_1460 : vector<16x4096xf32>
    %mul3A_1462 = arith.mulf %add3A_1461, %abs3A_1435 : vector<16x4096xf32>
    %add3A_1463 = arith.constant 1.57079625 : f32
    %add3A_1464 = vector.broadcast %add3A_1463 : f32 to vector<16x4096xf32>
    %add3A_1465 = arith.addf %mul3A_1462, %add3A_1464 : vector<16x4096xf32>
    %sub3A_1466 = arith.constant 1.000000e+00 : f32
    %sub3A_1467 = vector.broadcast %sub3A_1466 : f32 to vector<16x4096xf32>
    %sub3A_1468 = arith.subf %sub3A_1467, %abs3A_1435 : vector<16x4096xf32>
    %max3A_1469 = arith.constant 0.000000e+00 : f32
    %max3A_1470 = vector.broadcast %max3A_1469 : f32 to vector<16x4096xf32>
    %max3A_1471 = arith.maximumf %sub3A_1468, %max3A_1470 : vector<16x4096xf32>
    %sqrt3A_1472 = math.sqrt %max3A_1471 : vector<16x4096xf32>
    %mul3A_1473 = arith.mulf %sqrt3A_1472, %add3A_1465 : vector<16x4096xf32>
    %lt3A_1474 = arith.constant 0.000000e+00 : f32
    %lt3A_1475 = vector.broadcast %lt3A_1474 : f32 to vector<16x4096xf32>
    %lt3A_1476 = arith.cmpf olt, %min3A_1434, %lt3A_1475 : vector<16x4096xf32>
    %sub3A_1477 = arith.constant 3.14159274 : f32
    %sub3A_1478 = vector.broadcast %sub3A_1477 : f32 to vector<16x4096xf32>
    %sub3A_1479 = arith.subf %sub3A_1478, %mul3A_1473 : vector<16x4096xf32>
    %select_n3A_1480 = arith.select %lt3A_1476, %sub3A_1479, %mul3A_1473 : vector<16x4096xi1>, vector<16x4096xf32>
    %lt3A_1481 = arith.constant 0.000000e+00 : f32
    %lt3A_1482 = vector.broadcast %lt3A_1481 : f32 to vector<16x4096xf32>
    %lt3A_1483 = arith.cmpf olt, %div3A_1366, %lt3A_1482 : vector<16x4096xf32>
    %sub3A_1484 = arith.constant 6.28318548 : f32
    %sub3A_1485 = vector.broadcast %sub3A_1484 : f32 to vector<16x4096xf32>
    %sub3A_1486 = arith.subf %sub3A_1485, %select_n3A_1480 : vector<16x4096xf32>
    %select_n3A_1487 = arith.select %lt3A_1483, %sub3A_1486, %select_n3A_1480 : vector<16x4096xi1>, vector<16x4096xf32>
    %swap3A_1488 = arith.constant 0 : index
    %swap3A_1489 = arith.constant 0 : index
    %swap3A_1490 = vector.load %arg10[%swap3A_1488, %swap3A_1489] : memref<16x4096xf32, #tpu.memory_space<vmem>>, vector<16x4096xf32>
    tpu.vector_store %arg10[%swap3A_1488, %swap3A_1489], %div3A_1365 {strides = array<i32>} : memref<16x4096xf32, #tpu.memory_space<vmem>>, vector<16x4096xf32>,
    %swap3A_1491 = arith.constant 0 : index
    %swap3A_1492 = arith.constant 0 : index
    %swap3A_1493 = vector.load %arg11[%swap3A_1491, %swap3A_1492] : memref<16x4096xf32, #tpu.memory_space<vmem>>, vector<16x4096xf32>
    tpu.vector_store %arg11[%swap3A_1491, %swap3A_1492], %div3A_1366 {strides = array<i32>} : memref<16x4096xf32, #tpu.memory_space<vmem>>, vector<16x4096xf32>,
    %swap3A_1494 = arith.constant 0 : index
    %swap3A_1495 = arith.constant 0 : index
    %swap3A_1496 = vector.load %arg12[%swap3A_1494, %swap3A_1495] : memref<16x4096xf32, #tpu.memory_space<vmem>>, vector<16x4096xf32>
    tpu.vector_store %arg12[%swap3A_1494, %swap3A_1495], %div3A_1367 {strides = array<i32>} : memref<16x4096xf32, #tpu.memory_space<vmem>>, vector<16x4096xf32>,
    %swap3A_1497 = arith.constant 0 : index
    %swap3A_1498 = arith.constant 0 : index
    %swap3A_1499 = vector.load %arg13[%swap3A_1497, %swap3A_1498] : memref<16x4096xf32, #tpu.memory_space<vmem>>, vector<16x4096xf32>
    tpu.vector_store %arg13[%swap3A_1497, %swap3A_1498], %sqrt3A_1361 {strides = array<i32>} : memref<16x4096xf32, #tpu.memory_space<vmem>>, vector<16x4096xf32>,
    %swap3A_1500 = arith.constant 0 : index
    %swap3A_1501 = arith.constant 0 : index
    %swap3A_1502 = vector.load %arg14[%swap3A_1500, %swap3A_1501] : memref<16x4096xf32, #tpu.memory_space<vmem>>, vector<16x4096xf32>
    tpu.vector_store %arg14[%swap3A_1500, %swap3A_1501], %select_n3A_1487 {strides = array<i32>} : memref<16x4096xf32, #tpu.memory_space<vmem>>, vector<16x4096xf32>,
    %swap3A_1503 = arith.constant 0 : index
    %swap3A_1504 = arith.constant 0 : index
    %swap3A_1505 = vector.load %arg15[%swap3A_1503, %swap3A_1504] : memref<16x4096xf32, #tpu.memory_space<vmem>>, vector<16x4096xf32>
    tpu.vector_store %arg15[%swap3A_1503, %swap3A_1504], %select_n3A_1417 {strides = array<i32>} : memref<16x4096xf32, #tpu.memory_space<vmem>>, vector<16x4096xf32>,
    return
  }
}

</mosaic_0001>

<sc_bundles>
// kernel: kernel.5.cloned.1.call-start
scs
__scs_entry_jumppad:
0x0: {  	(pc) =	sbr.rel $0x88, $3  }
0x1: {  	(tag) =	ssettag $0x0;
	lr =	simm.s32 $0x1  }
0x2: {  	[smem:$0x3F9D] =	sst lr;
	_ =	strace $0xD0000000  }
0x3: {  	_ = 	snop  }
0x4: {  	_ = 	snop  }
0x5: {  	_ = 	snop  }
0x6: {  	_ = 	snop  }
0x7: {  	_ = 	snop  }
__scs_overlays_trampoline_lowered:
0x8: {  	[smem:$0x3FAC] =	sst s0  }
0x9: {  	[smem:$0x3FAD] =	sst s1  }
0xa: {  	[smem:$0x3FAE] =	sst s2  }
0xb: {  	[smem:$0x3FAF] =	sst s3  }
0xc: {  	[smem:$0x3FB0] =	sst s4  }
0xd: {  	[smem:$0x3FB1] =	sst s5  }
0xe: {  	[smem:$0x3FB2] =	sst s6  }
0xf: {  	[smem:$0x3FB3] =	sst s7  }
0x10: {  	[smem:$0x3FB4] =	sst s8  }
0x11: {  	[smem:$0x3FB5] =	sst s9;
	s0 =	simm.s32 @!p0 $0x0  }
0x12: {  	s1 =	sld [smem:$0x3F9B];
	s0 =	simm.s32 @p0 $0x1  }
0x13: {  	[smem:$0x3FB6] =	sst s0;
	s0 =	simm.s32 @!p1 $0x0  }
0x14: {  	s2 =	sld [smem:$0x3F9A];
	s0 =	simm.s32 @p1 $0x1  }
0x15: {  	[smem:$0x3FB7] =	sst s0;
	s0 =	simm.s32 @!p2 $0x0  }
0x16: {  	s3 =	sld [smem:$0x3FDB];
	s0 =	simm.s32 @p2 $0x1  }
0x17: {  	s4 =	simm.s32 $0x1BF5;
	[smem:$0x3FB9] =	sst s0  }
0x18: {  	s0 =	sld [smem:$0x3F9C];
	_ =	swait.ge [sflag:s4], $0x0  }
0x19: {  	s7 =	sld [smem:$0x3F9D]  }
0x1a: {  	s8 =	sadd.s32 $0xFFFFE003, lr  }
0x1b: {  	s9 =	sadd.s32 $0xFFFFFEF7, lr;
	s5 =	simm.s32 $0xFFFFFFFF;
	p2 =	slt.u32 s8, $0xFFFFF086  }
0x1c: {  	p1 =	slt.u32 s9, $0xF7A;
	s5 =	simm.s32 @!p2 $0x0  }
0x1d: {  	s5 =	simm.s32 @p1 $0x1;
	p0 =	seq.s32 s7, s2  }
0x1e: {  	s7 =	smul.u32 @!p0 $0xF7A, s2;
	p2 =	seq.s32 @!p0 s5, $0x0  }
0x1f: {  	s9 =	smul.u32 $0xF7A, s1;
	s8 =	simm.s32 @!p0 $0x1BF5;
	p2 =	por !p2, p0  }
0x20: {  	[sflag:s8] =	ssyncset.s32 @!p0 $0xFFFFF086;
	s6 =	sadd.s32 @!p0 s3, s7;
	s7 =	simm.s32 @!p0 $0x108  }
0x21: {  	s3 =	sadd.s32 s3, s9;
	s6 =	sadd.s32 @!p0 $0x88, s6;
	s7 =	simm.s32 @p2 $0x1082  }
0x22: {  	[simem:s7], [sflag:s8] =	dma.local @!p0 [hbm:s6], $0xF7A  }
0x23: {  	s9 =	sor.u32 $0xD0000000, s2;
	s6 =	simm.s32 $0x108;
	_ =	swait.ge @!p0 [sflag:s8], $0x0  }
0x24: {  	s3 =	sadd.s32 $0x88, s3;
	s6 =	simm.s32 @!p1 $0x1082;
	[sflag:s4] =	ssyncset.s32 $0xFFFFF086  }
0x25: {  	[simem:s6], [sflag:s4] =	dma.local [hbm:s3], $0xF7A  }
0x26: {  	[smem:$0x3F9D] =	sst s1;
	(tag) =	ssettag s2;
	_ =	strace s9  }
0x27: {  	s1 =	sld [smem:$0x3FAD]  }
0x28: {  	s2 =	sld [smem:$0x3FAE]  }
0x29: {  	s4 =	sld [smem:$0x3FB0]  }
0x2a: {  	p0 =	seq.s32 s5, $0x0;
	s5 =	sld [smem:$0x3FB1]  }
0x2b: {  	s6 =	sld [smem:$0x3FB2]  }
0x2c: {  	s7 =	sld [smem:$0x3FB3]  }
0x2d: {  	s3 =	simm.s32 $0x108;
	s8 =	sld [smem:$0x3FB4]  }
0x2e: {  	s3 =	simm.s32 @!p0 $0x1082;
	s9 =	sld [smem:$0x3FB5]  }
0x2f: {  	lr =	sadd.s32 s0, s3;
	s0 =	sld [smem:$0x3FAC]  }
0x30: {  	s3 =	sld [smem:$0x3FAF]  }
0x31: {  	[smem:$0x3FB8] =	sst s10  }
0x32: {  	s10 =	sld [smem:$0x3FB6];
	_ =	sdelay $0x3  }
0x33: {  	p0 =	seq.s32 s10, $0x1;
	s10 =	sld [smem:$0x3FB8];
	_ =	sdelay $0x3  }
0x34: {  	[smem:$0x3FB8] =	sst s10  }
0x35: {  	s10 =	sld [smem:$0x3FB7];
	_ =	sdelay $0x3  }
0x36: {  	p1 =	seq.s32 s10, $0x1;
	s10 =	sld [smem:$0x3FB8];
	_ =	sdelay $0x3  }
0x37: {  	[smem:$0x3FB8] =	sst s10  }
0x38: {  	s10 =	sld [smem:$0x3FB9]  }
0x39: {  	_ = 	snop;
	(pc) =	sbr.ind lr, $3  }
0x3a: {  	_ = 	snop  }
0x3b: {  	_ = 	snop  }
0x3c: {  	p2 =	seq.s32 s10, $0x1;
	s10 =	sld [smem:$0x3FB8]  }
0x3d: {  	_ =	shalt  }
0x3e: {  	_ =	shalt  }
0x3f: {  	_ =	shalt  }
0x40: {  	_ =	shalt  }
0x41: {  	_ =	shalt  }
0x42: {  	_ =	shalt  }
0x43: {  	_ =	shalt  }
0x44: {  	_ =	shalt  }
0x45: {  	_ =	shalt  }
0x46: {  	_ =	shalt  }
0x47: {  	_ =	shalt  }
0x48: {  	_ =	shalt  }
0x49: {  	_ =	shalt  }
0x4a: {  	_ =	shalt  }
0x4b: {  	_ =	shalt  }
0x4c: {  	_ =	shalt  }
0x4d: {  	_ =	shalt  }
0x4e: {  	_ =	shalt  }
0x4f: {  	_ =	shalt  }
0x50: {  	_ =	shalt  }
0x51: {  	_ =	shalt  }
0x52: {  	_ =	shalt  }
0x53: {  	_ =	shalt  }
0x54: {  	_ =	shalt  }
0x55: {  	_ =	shalt  }
0x56: {  	_ =	shalt  }
0x57: {  	_ =	shalt  }
0x58: {  	_ =	shalt  }
0x59: {  	_ =	shalt  }
0x5a: {  	_ =	shalt  }
0x5b: {  	_ =	shalt  }
0x5c: {  	_ =	shalt  }
0x5d: {  	_ =	shalt  }
0x5e: {  	_ =	shalt  }
0x5f: {  	_ =	shalt  }
0x60: {  	_ =	shalt  }
0x61: {  	_ =	shalt  }
0x62: {  	_ =	shalt  }
0x63: {  	_ =	shalt  }
0x64: {  	_ =	shalt  }
0x65: {  	_ =	shalt  }
0x66: {  	_ =	shalt  }
0x67: {  	_ =	shalt  }
0x68: {  	_ =	shalt  }
0x69: {  	_ =	shalt  }
0x6a: {  	_ =	shalt  }
0x6b: {  	_ =	shalt  }
0x6c: {  	_ =	shalt  }
0x6d: {  	_ =	shalt  }
0x6e: {  	_ =	shalt  }
0x6f: {  	_ =	shalt  }
0x70: {  	_ =	shalt  }
0x71: {  	_ =	shalt  }
0x72: {  	_ =	shalt  }
0x73: {  	_ =	shalt  }
0x74: {  	_ =	shalt  }
0x75: {  	_ =	shalt  }
0x76: {  	_ =	shalt  }
0x77: {  	_ =	shalt  }
0x78: {  	_ =	shalt  }
0x79: {  	_ =	shalt  }
0x7a: {  	_ =	shalt  }
0x7b: {  	_ =	shalt  }
0x7c: {  	_ =	shalt  }
0x7d: {  	_ =	shalt  }
0x7e: {  	_ =	shalt  }
0x7f: {  	_ =	shalt  }
0x80: {  	_ =	shalt  }
0x81: {  	_ =	shalt  }
0x82: {  	_ =	shalt  }
0x83: {  	_ =	shalt  }
0x84: {  	_ =	shalt  }
0x85: {  	_ =	shalt  }
0x86: {  	_ =	shalt  }
0x87: {  	_ =	shalt  }
.Lfunc_end0:
.L_simem_size_0:
called_computation_lowered:
.L_overlay_start_0:
0x88: {  	s2 =	sld [smem:$0x3FD9]  }
0x89: {  	s3 =	sld [smem:$0x3FFE];
	_ =	sdelay $0x1  }
0x8a: {  	s1 =	srdreg.scid  }
0x8b: {  	s0 =	sand.u32 $0x1, s1  }
0x8c: {  	s14 =	sshll.u32 s0, $0xA;
	s2 =	sadd.s32 s3, s2  }
0x8d: {  	s2 =	sadd.s32 s2, s14  }
0x8e: {  	[smem:$0x3FC4] =	sst s2  }
0x8f: {  	_ = 	snop  }
0x90: {  	s2 =	sld [smem:$0x3FD0];
	_ =	sdelay $0x2  }
0x91: {  	s15 =	simm.s32 $0xA;
	s4 =	simm.s32 $0x10  }
0x92: {  	[smem:s4], [sflag:s15] =	dma.local [hbm:s2], $0x1  }
0x93: {  	_ =	swait.eq [sflag:s15], $0x1  }
0x94: {  	s16 =	sld [smem:$0x10]  }
0x95: {  	s17 =	sld [smem:$0x11];
	[sflag:s15] =	ssyncset.done $0x0  }
0x96: {  	s5 =	sld [smem:$0x12];
	[sflag:s15] =	ssyncadd.s32 $0xFFFFFFFF  }
0x97: {  	s18 =	sld [smem:$0x13];
	(tm) =	ssettm $0x1  }
0x98: {  	s6 =	sld [smem:$0x3FFB];
	_ =	sdelay $0x3  }
0x99: {  	_ =	strace s6  }
0x9a: {  	s6 =	sld [smem:$0x3FFC];
	_ =	sdelay $0x3  }
0x9b: {  	_ =	strace s6  }
0x9c: {  	s6 =	sld [smem:$0x3FFD];
	_ =	sdelay $0x3  }
0x9d: {  	_ =	strace s6  }
0x9e: {  	_ =	strace $0x8FFFFFFF  }
0x9f: {  	s19 =	sld [smem:$0x3FDB];
	_ =	sdelay $0x1  }
0xa0: {  	s7 =	simm.s32 $_scs_section_size  }
0xa1: {  	s8 =	simm.s32 $_size__tile_overlayer_lowered;
	s9 =	simm.s32 $_tile_overlayer_lowered  }
0xa2: {  	s22 =	simm.s32 $0x1BFF;
	s21 =	sshll.u32 s9, $0x1;
	s6 =	sadd.s32 s7, s19  }
0xa3: {  	s10 =	simm.s32 $0x0;
	s20 =	sshll.u32 s8, $0x1;
	s8 =	sadd.s32 s21, s6  }
0xa4: {  	[timem:s10], [sflag:s22] =	dma.local [hbm:s8], s20  }
0xa5: {  	_ =	swait.ge [sflag:s22], s20  }
0xa6: {  	s7 =	ssub.s32 $0x0, s20;
	[sflag:s22] =	ssyncset.done $0x0  }
0xa7: {  	[sflag:s22] =	ssyncadd.s32 s7;
	_ =	sdelay $0x1  }
0xa8: {  	s23 =	simm.s32 $0x1B8B  }
0xa9: {  	_ =	swait.ge [sflag:s23], $0x1  }
0xaa: {  	[sflag:s23] =	ssyncset.done $0x0  }
0xab: {  	s25 =	simm.s32 $0x1B8E;
	s24 =	sld [smem:$0x3FFE];
	[sflag:s23] =	ssyncadd.s32 $0xFFFFFFFF  }
0xac: {  	s26 =	simm.s32 $execute0_lowered;
	[smem:$0x3FD2] =	sst s25  }
0xad: {  	s8 =	sshll.u32 s26, $0x1;
	_ =	strace $0x80000046;
	[dreg:$0x1] =	wrdreg $0xFFFFFFFF  }
0xae: {  	s28 =	simm.s32 $_size_execute0_lowered;
	s6 =	sadd.s32 s6, s8;
	[dreg:$0x0] =	wrdreg $0x0  }
0xaf: {  	s8 =	sshll.u32 s28, $0x1;
	[dreg:$0x2] =	wrdreg s6  }
0xb0: {  	[dreg:$0x3] =	wrdreg s8  }
0xb1: {  	[dreg:$0x4] =	wrdreg $0xC0  }
0xb2: {  	_ =	task [dreg:s10], $0x5FFFF  }
0xb3: {  	[dreg:$0x1] =	wrdreg $0xFFFFFFFF  }
0xb4: {  	[dreg:$0x0] =	wrdreg $0x60  }
0xb5: {  	[dreg:$0x2] =	wrdreg s18  }
0xb6: {  	[dreg:$0x3] =	wrdreg s5  }
0xb7: {  	[dreg:$0x4] =	wrdreg s17  }
0xb8: {  	[dreg:$0x5] =	wrdreg s16  }
0xb9: {  	[dreg:$0x6] =	wrdreg s24  }
0xba: {  	[dreg:$0x7] =	wrdreg $0x9  }
0xbb: {  	_ =	task.clear_ibuf [dreg:s10], $0x8FFFF;
	_ =	strace $0x90000046  }
0xbc: {  	s29 =	simm.s32 $0x9;
	_ =	strace $0x80000048  }
0xbd: {  	_ =	swait.ge [sflag:s29], $0x1  }
0xbe: {  	[sflag:s29] =	ssyncadd.s32 $0xFFFFFFFF  }
0xbf: {  	_ =	strace $0x90000048  }
0xc0: {  	_ =	sfence  }
0xc1: {  	s30 =	sld [smem:$0x0];
	_ =	sdelay $0x2  }
0xc2: {  	s31 =	sshll.u32 s1, $0xD;
	s1 =	sshrl.u32 s1, $0x2  }
0xc3: {  	s3 =	sand.u32 $0x4000, s31;
	s1 =	sadd.s32 s1, s30  }
0xc4: {  	s0 =	sor.u32 s3, s0;
	s1 =	sshll.u32 s1, $0x11  }
0xc5: {  	s0 =	sor.u32 s1, s0  }
0xc6: {  	s0 =	sadd.s32 $0x8F2B, s0  }
0xc7: {  	[sflag:s0] =	ssyncadd.remote.s32 $0x1  }
0xc8: {  	_ =	sfence.sel $0xFFFF  }
0xc9: {  	[dreg:$0x0] =	wrdreg $0xFFFFFFFF;
	(pc) =	sbr.abs _section_cstart, $3  }
0xca: {  	[dreg:$0x1] =	wrdreg $0xFFFFFFFF  }
0xcb: {  	_ =	task.clear_ibuf [dreg:s10], $0x2FFFF;
	_ =	strace $0x9FFFFFFF  }
0xcc: {  	(tm) =	ssettm $0x7FFFFFFF  }
0xcd: {  	_ =	shalt  }
tec
execute0_lowered:
.L_overlay_start_1:
0x0: {  	(tag) =	ssettag $0x1  }
0x1: {  	v0 =	vimm.f32 $1.048591000e+06;
	vm0 =	vcmask $0x300  }
0x2: {  	s0 =	rddreg [dreg:$0x3];
	vm14 =	vcmask $0x704;
	v0 =	vsel vm0, $0x49800000, v0  }
0x3: {  	s1 =	rddreg [dreg:$0x4];
	vm15 =	vcmask $0xB08;
	s2 =	srdreg.scid;
	v0 =	vsel vm14, $0x49800008, v0  }
0x4: {  	vm4 =	vcmask $0xF0C;
	s5 =	simm.s32 $0x0;
	s3 =	stileid.u32;
	s16 =	simm.s32 $0x2780;
	v0 =	vsel vm15, $0x49800010, v0  }
0x5: {  	vm5 =	vcmask $0x1310;
	s18 =	simm.s32 $0x4F00;
	s19 =	simm.s32 $0x11480;
	s21 =	simm.s32 $0x11500;
	v0 =	vsel vm4, $0x49800018, v0  }
0x6: {  	vm6 =	vcmask $0x1714;
	s22 =	simm.s32 $0x11580;
	s28 =	simm.s32 $0x11780;
	s29 =	simm.s32 $0x11B80;
	v0 =	vsel vm5, $0x49800020, v0  }
0x7: {  	vm7 =	vcmask $0x1B18;
	s30 =	simm.s32 $0x11F80;
	s31 =	simm.s32 $0x12380;
	s2 =	sand.u32 $0x1, s2;
	v0 =	vsel vm6, $0x49800028, v0  }
0x8: {  	vm8 =	vcmask $0x1F1C;
	[smem:$0x7FF] =	sst s5;
	s3 =	sshll.u32 s3, $0x8;
	s7 =	sadd.s32 $0x31E00, s1;
	v0 =	vsel vm7, $0x49800030, v0  }
0x9: {  	vm9 =	vcmask $0x2320;
	s8 =	sadd.s32 $0x1E00, s1;
	s9 =	sadd.s32 $0x11E00, s1;
	s4 =	sshll.u32 s2, $0x7;
	v0 =	vsel vm8, $0x49800038, v0  }
0xa: {  	vm10 =	vcmask $0x2724;
	s10 =	sadd.s32 $0x21E00, s1;
	s24 =	ssub.s32 $0x2, s2;
	s6 =	sor.u32 s4, s3;
	v0 =	vsel vm9, $0x49800040, v0  }
0xb: {  	vm11 =	vcmask $0x2B28;
	_ =	strace $0x80000047;
	s26 =	sshrl.u32 s24, $0x1;
	s3 =	sshrl.u32 s6, $0x3;
	v0 =	vsel vm10, $0x49800048, v0  }
0xc: {  	vm12 =	vcmask $0x2F2C;
	s23 =	sadd.s32 s3, s1;
	s1 =	ssub.s32 s24, s26;
	s17 =	sadd.s32 s0, s3;
	v0 =	vsel vm11, $0x49800050, v0  }
0xd: {  	vm13 =	vcmask $0x3330;
	v1 =	vlaneseq.u32;
	s24 =	simm.s32 $0x11600;
	s26 =	simm.s32 $0x11700;
	s3 =	simm.s32 $0x0;
	v0 =	vsel vm12, $0x49800058, v0  }
0xe: {  	v2 =	vmul.u32 $0xFFFFFFFF, v1;
	vm14 =	vcmask $0x3734;
	s25 =	sadd.s32 $0x1A00, s23;
	s12 =	sadd.s32 $0x1C00, s23;
	s13 =	sadd.s32 $0x1800, s23;
	v0 =	vsel vm13, $0x49800060, v0  }
0xf: {  	vm15 =	vcmask $0x3B38;
	s14 =	sadd.s32 $0x1600, s23;
	s15 =	sadd.s32 $0x1400, s23;
	s20 =	smax.u32 s1, $0x1;
	v0 =	vsel vm14, $0x49800068, v0  }
0x10: {  	v1 =	vimm.f32 $1.000000020e+30;
	v2 =	vadd.s32 $0xF, v2;
	s23 =	simm.s32 $0x1;
	[dreg:$0x6] =	wrdreg s25;
	s25 =	simm.s32 $0x11680;
	v0 =	vsel vm15, $0x49800070, v0  }
.LBB2_1:
0x11: {  	s0 =	rddreg [dreg:$0x0]  }
0x12: {  	[tilespmem:s5], [sflag:$0x1] =	stream.linear.gather [hbm4b:s0+s5], $0x2780, $0x38;
	[tilespmem:$0x12780] =	vst v63  }
0x13: {  	_ =	swait.ge [sflag:s23], $0x2780  }
0x14: {  	[sflag:s23] =	ssyncset.done $0x0  }
0x15: {  	[sflag:s23] =	ssyncadd.s32 $0xFFFFD880  }
0x16: {  	s2 =	rddreg [dreg:$0x1]  }
0x17: {  	[tilespmem:s16], [sflag:$0x1] =	stream.linear.gather [hbm4b:s2+s5], $0x2780, $0x38;
	[tilespmem:$0x12780] =	vst v63  }
0x18: {  	_ =	swait.ge [sflag:s23], $0x2780  }
0x19: {  	[sflag:s23] =	ssyncset.done $0x0  }
0x1a: {  	[sflag:s23] =	ssyncadd.s32 $0xFFFFD880  }
0x1b: {  	s4 =	rddreg [dreg:$0x2]  }
0x1c: {  	[tilespmem:s18], [sflag:$0x1] =	stream.linear.gather [hbm4b:s4+s5], $0x2780, $0x38;
	[tilespmem:$0x12780] =	vst v63  }
0x1d: {  	_ =	swait.ge [sflag:s23], $0x2780  }
0x1e: {  	[sflag:s23] =	ssyncset.done $0x0  }
0x1f: {  	[sflag:s23] =	ssyncadd.s32 $0xFFFFD880  }
0x20: {  	[tilespmem:s19], [sflag:$0x1] =	stream.linear.gather [hbm4b:s17+s5], $0x80, $0x38;
	[tilespmem:$0x12780] =	vst v63  }
0x21: {  	_ =	swait.ge [sflag:s23], $0x80  }
0x22: {  	[sflag:s23] =	ssyncset.done $0x0  }
0x23: {  	s11 =	rddreg [dreg:$0x6];
	[sflag:s23] =	ssyncadd.s32 $0xFFFFFF80  }
0x24: {  	[tilespmem:s21], [sflag:$0x1] =	stream.linear.gather [hbm4b:s11+s5], $0x80, $0x38;
	[tilespmem:$0x12780] =	vst v63  }
0x25: {  	_ =	swait.ge [sflag:s23], $0x80  }
0x26: {  	[sflag:s23] =	ssyncset.done $0x0  }
0x27: {  	[sflag:s23] =	ssyncadd.s32 $0xFFFFFF80  }
0x28: {  	[tilespmem:s22], [sflag:$0x1] =	stream.linear.gather [hbm4b:s12+s5], $0x80, $0x38;
	[tilespmem:$0x12780] =	vst v63  }
0x29: {  	_ =	swait.ge [sflag:s23], $0x80  }
0x2a: {  	[sflag:s23] =	ssyncset.done $0x0  }
0x2b: {  	[sflag:s23] =	ssyncadd.s32 $0xFFFFFF80  }
0x2c: {  	[tilespmem:s24], [sflag:$0x1] =	stream.linear.gather [hbm4b:s13+s5], $0x80, $0x38;
	[tilespmem:$0x12780] =	vst v63  }
0x2d: {  	_ =	swait.ge [sflag:s23], $0x80  }
0x2e: {  	[sflag:s23] =	ssyncset.done $0x0  }
0x2f: {  	[sflag:s23] =	ssyncadd.s32 $0xFFFFFF80  }
0x30: {  	[tilespmem:s25], [sflag:$0x1] =	stream.linear.gather [hbm4b:s14+s5], $0x80, $0x38;
	[tilespmem:$0x12780] =	vst v63  }
0x31: {  	_ =	swait.ge [sflag:s23], $0x80  }
0x32: {  	[sflag:s23] =	ssyncset.done $0x0  }
0x33: {  	[sflag:s23] =	ssyncadd.s32 $0xFFFFFF80  }
0x34: {  	[tilespmem:s26], [sflag:$0x1] =	stream.linear.gather [hbm4b:s15+s5], $0x80, $0x38;
	[tilespmem:$0x12780] =	vst v63  }
0x35: {  	_ =	swait.ge [sflag:s23], $0x80  }
0x36: {  	[sflag:s23] =	ssyncset.done $0x0  }
0x37: {  	s4 =	simm.s32 $0x0;
	[sflag:s23] =	ssyncadd.s32 $0xFFFFFF80  }
.LBB2_2:
0x38: {  	s0 =	sshll.u32 s4, $0x3  }
0x39: {  	v3 =	vmov s0  }
0x3a: {  	v3 =	vbroadcast v3, $0x0;
	_ =	sdelay $0x1  }
0x3b: {  	s1 =	simm.s32 $0x0  }
0x3c: {  	v6 =	vld [tilespmem:s1+$0x30]  }
0x3d: {  	v7 =	vld [tilespmem:s1+$0x27B0]  }
0x3e: {  	v8 =	vld [tilespmem:s1+$0x0]  }
0x3f: {  	v5 =	vld.idx.msk [tilespmem:v3+s24+$0x0], $0xffff  }
0x40: {  	v4 =	vld.idx.msk [tilespmem:v3+s25+$0x0], $0xffff  }
0x41: {  	v9 =	vld [tilespmem:s1+$0x4F30]  }
0x42: {  	v3 =	vld.idx.msk [tilespmem:v3+s26+$0x0], $0xffff  }
0x43: {  	v10 =	vld [tilespmem:s1+$0x2780]  }
0x44: {  	v11 =	vld [tilespmem:s1+$0x10]  }
0x45: {  	v13 =	vsub.f32 v6, v5;
	v7 =	vsub.f32 v7, v4  }
0x46: {  	v12 =	vld [tilespmem:s1+$0x2790]  }
0x47: {  	v14 =	vld [tilespmem:s1+$0x20];
	v6 =	vsub.f32 v9, v3;
	[tilespmem:s1+$0x76B0] =	vst v13;
	v9 =	vmul.f32 v13, v13;
	v13 =	vmul.f32 v7, v7  }
0x48: {  	v15 =	vld [tilespmem:s1+$0x27A0];
	v8 =	vsub.f32 v8, v5;
	v10 =	vsub.f32 v10, v4  }
0x49: {  	v16 =	vld [tilespmem:s1+$0x4F00];
	[tilespmem:s1+$0x9E30] =	vst v7;
	v7 =	vsub.f32 v11, v5;
	v11 =	vmul.f32 v6, v6;
	v9 =	vadd.f32 v13, v9  }
0x4a: {  	v17 =	vld [tilespmem:s1+$0x4F10];
	[tilespmem:s1+$0x7680] =	vst v8  }
0x4b: {  	v18 =	vld [tilespmem:s1+$0x4F20];
	[tilespmem:s1+$0x9E00] =	vst v10;
	v9 =	vadd.f32 v11, v9  }
0x4c: {  	v12 =	vsub.f32 v12, v4;
	v8 =	vmul.f32 v8, v8;
	v10 =	vmul.f32 v10, v10;
	[tilespmem:s1+$0x7690] =	vst v7  }
0x4d: {  	v7 =	vmul.f32 v7, v7;
	v11 =	vsub.f32 v14, v5;
	[tilespmem:s1+$0xED30] =	vst v9;
	v9 =	vsub.f32 v15, v4  }
0x4e: {  	[tilespmem:s1+$0x9E10] =	vst v12;
	v8 =	vadd.f32 v10, v8;
	v10 =	vmul.f32 v12, v12;
	v14 =	vsub.f32 v16, v3  }
0x4f: {  	s2 =	simm.s32 $0x40;
	v12 =	vsub.f32 v17, v3;
	[tilespmem:s1+$0x76A0] =	vst v11;
	v11 =	vmul.f32 v11, v11;
	v13 =	vmul.f32 v9, v9  }
0x50: {  	s11 =	simm.s32 $0x200;
	v10 =	vadd.f32 v10, v7;
	v15 =	vmul.f32 v14, v14;
	v7 =	vld [tilespmem:s2+$0x30];
	[tilespmem:s1+$0xC580] =	vst v14;
	v14 =	vsub.f32 v18, v3  }
.LBB2_3:
0x51: {  	p0 =	sne.s32 s11, $0x9C00;
	v16 =	vld [tilespmem:s2+$0x27B0];
	[tilespmem:s1+$0xC590] =	vst v12;
	v12 =	vmul.f32 v12, v12;
	v11 =	vadd.f32 v13, v11  }
0x52: {  	v13 =	vld [tilespmem:s2+$0x0];
	v8 =	vadd.f32 v15, v8;
	[tilespmem:s1+$0x9E20] =	vst v9;
	v9 =	vmul.f32 v14, v14  }
0x53: {  	v15 =	vld [tilespmem:s2+$0x4F30];
	v10 =	vadd.f32 v12, v10;
	[tilespmem:s1+$0xC5A0] =	vst v14  }
0x54: {  	v12 =	vld [tilespmem:s2+$0x2780];
	[tilespmem:s1+$0xED00] =	vst v8;
	v8 =	vadd.f32 v9, v11  }
0x55: {  	v9 =	vld [tilespmem:s2+$0x10];
	[tilespmem:s1+$0xED10] =	vst v10  }
0x56: {  	v7 =	vsub.f32 v7, v5;
	v10 =	vld [tilespmem:s2+$0x2790];
	v11 =	vsub.f32 v16, v4;
	[tilespmem:s1+$0xED20] =	vst v8  }
0x57: {  	v8 =	vsub.f32 v13, v5;
	v13 =	vld [tilespmem:s2+$0x20];
	[tilespmem:s1+$0xC5B0] =	vst v6;
	s1 =	smov.u32 s2  }
0x58: {  	v14 =	vld [tilespmem:s1+$0x27A0];
	v6 =	vsub.f32 v15, v3;
	[tilespmem:s1+$0x76B0] =	vst v7;
	v7 =	vmul.f32 v7, v7;
	v15 =	vmul.f32 v11, v11  }
0x59: {  	v12 =	vsub.f32 v12, v4;
	v16 =	vld [tilespmem:s1+$0x4F00];
	[tilespmem:s1+$0x7680] =	vst v8;
	v8 =	vmul.f32 v8, v8  }
0x5a: {  	v9 =	vsub.f32 v9, v5;
	v17 =	vld [tilespmem:s1+$0x4F10];
	[tilespmem:s1+$0x9E30] =	vst v11;
	v7 =	vadd.f32 v15, v7;
	v11 =	vmul.f32 v6, v6  }
0x5b: {  	[tilespmem:s1+$0x9E00] =	vst v12;
	v12 =	vmul.f32 v12, v12;
	v10 =	vsub.f32 v10, v4;
	v18 =	vld [tilespmem:s1+$0x4F20]  }
.Ltmp0:
0x5c: {  	[tilespmem:s1+$0x7690] =	vst v9;
	v15 =	vmul.f32 v9, v9;
	v13 =	vsub.f32 v13, v5;
	v7 =	vadd.f32 v11, v7;
	(pc) =	sbr.rel @p0 .LBB2_3-.Ltmp0, $4  }
0x5d: {  	v8 =	vadd.f32 v12, v8;
	[tilespmem:s1+$0x9E10] =	vst v10;
	v10 =	vmul.f32 v10, v10;
	v9 =	vsub.f32 v14, v4  }
0x5e: {  	v14 =	vsub.f32 v16, v3;
	v11 =	vmul.f32 v13, v13;
	[tilespmem:s1+$0xED30] =	vst v7  }
0x5f: {  	s2 =	sshra.s32 s11, $0x2;
	v12 =	vsub.f32 v17, v3;
	v10 =	vadd.f32 v10, v15;
	[tilespmem:s1+$0x76A0] =	vst v13;
	v13 =	vmul.f32 v9, v9  }
0x60: {  	s11 =	sadd.s32 $0x100, s11;
	v7 =	vld [tilespmem:s2+$0x30];
	[tilespmem:s1+$0xC580] =	vst v14;
	v15 =	vmul.f32 v14, v14;
	v14 =	vsub.f32 v18, v3  }
0x61: {  	v16 =	vld [tilespmem:s2+$0x27B0];
	[tilespmem:s1+$0xC590] =	vst v12;
	v45 =	vmul.f32 v12, v12  }
0x62: {  	v11 =	vadd.f32 v13, v11;
	v17 =	vld [tilespmem:s2+$0x0];
	[tilespmem:s1+$0x9E20] =	vst v9;
	v8 =	vadd.f32 v15, v8;
	v47 =	vmul.f32 v14, v14  }
0x63: {  	v9 =	vld [tilespmem:s2+$0x4F30];
	[tilespmem:s1+$0xC5A0] =	vst v14;
	v10 =	vadd.f32 v45, v10  }
0x64: {  	v46 =	vld [tilespmem:s2+$0x2780];
	[tilespmem:s1+$0xED00] =	vst v8;
	v11 =	vadd.f32 v47, v11  }
0x65: {  	v8 =	vld [tilespmem:s2+$0x10];
	[tilespmem:s1+$0xED10] =	vst v10  }
0x66: {  	v7 =	vsub.f32 v7, v5;
	v10 =	vld [tilespmem:s2+$0x2790];
	[tilespmem:s1+$0xED20] =	vst v11  }
0x67: {  	v49 =	vsub.f32 v16, v4;
	v11 =	vld [tilespmem:s2+$0x20];
	[tilespmem:s1+$0xC5B0] =	vst v6  }
0x68: {  	v48 =	vsub.f32 v17, v5;
	[tilespmem:s2+$0x76B0] =	vst v7  }
0x69: {  	v6 =	vld [tilespmem:s2+$0x27A0];
	v9 =	vsub.f32 v9, v3;
	v7 =	vmul.f32 v7, v7;
	v16 =	vmul.f32 v49, v49;
	[tilespmem:s2+$0x9E30] =	vst v49  }
0x6a: {  	v50 =	vld [tilespmem:s2+$0x4F00];
	[tilespmem:s2+$0x7680] =	vst v48;
	v15 =	vsub.f32 v46, v4  }
0x6b: {  	v51 =	vld [tilespmem:s2+$0x4F10];
	v8 =	vsub.f32 v8, v5;
	v7 =	vadd.f32 v16, v7;
	v52 =	vmul.f32 v9, v9;
	[tilespmem:s2+$0xC5B0] =	vst v9  }
0x6c: {  	v53 =	vld [tilespmem:s2+$0x4F20];
	v12 =	vmul.f32 v48, v48;
	[tilespmem:s2+$0x9E00] =	vst v15;
	v15 =	vmul.f32 v15, v15;
	v10 =	vsub.f32 v10, v4  }
0x6d: {  	[tilespmem:s2+$0x7690] =	vst v8;
	v7 =	vadd.f32 v52, v7  }
0x6e: {  	v54 =	vsub.f32 v11, v5;
	v55 =	vadd.f32 v15, v12;
	[tilespmem:s2+$0x9E10] =	vst v10  }
0x6f: {  	v8 =	vmul.f32 v8, v8;
	v56 =	vsub.f32 v6, v4;
	v57 =	vsub.f32 v50, v3;
	[tilespmem:s2+$0xED30] =	vst v7  }
0x70: {  	v58 =	vmul.f32 v10, v10;
	v60 =	vsub.f32 v51, v3;
	v59 =	vmul.f32 v54, v54;
	[tilespmem:s2+$0x76A0] =	vst v54  }
0x71: {  	v3 =	vsub.f32 v53, v3;
	v61 =	vmul.f32 v56, v56;
	[tilespmem:s2+$0xC580] =	vst v57;
	v6 =	vmul.f32 v57, v57  }
0x72: {  	v7 =	vadd.f32 v58, v8;
	[tilespmem:s2+$0xC590] =	vst v60;
	v62 =	vmul.f32 v60, v60  }
0x73: {  	[tilespmem:s2+$0x9E20] =	vst v56;
	v63 =	vmul.f32 v3, v3;
	v5 =	vadd.f32 v61, v59;
	v6 =	vadd.f32 v6, v55  }
0x74: {  	[tilespmem:s2+$0xC5A0] =	vst v3;
	v7 =	vadd.f32 v62, v7  }
0x75: {  	[tilespmem:s2+$0xED00] =	vst v6;
	v3 =	vadd.f32 v63, v5  }
0x76: {  	[tilespmem:s2+$0xED10] =	vst v7  }
0x77: {  	[tilespmem:s2+$0xED20] =	vst v3  }
0x78: {  	[tilespmem:$0x11410] =	vst v1  }
0x79: {  	[tilespmem:$0x11420] =	vst v1  }
0x7a: {  	s1 =	simm.s32 $0x0;
	[tilespmem:$0x11430] =	vst v1  }
.LBB2_5:
0x7b: {  	s11 =	simm.s32 $0x0  }
0x7c: {  	v8 =	vld [tilespmem:s11+$0xED00]  }
0x7d: {  	v9 =	vld [tilespmem:s11+$0xED20]  }
0x7e: {  	v6 =	vld [tilespmem:s11+$0xC580]  }
0x7f: {  	v7 =	vld [tilespmem:s11+$0x9E00]  }
0x80: {  	v10 =	vld [tilespmem:s11+$0xC5B0]  }
0x81: {  	s2 =	sor.u32 s0, s1;
	v11 =	vld [tilespmem:s11+$0xC590]  }
0x82: {  	v5 =	vmov s2;
	v12 =	vld [tilespmem:s11+$0x7680]  }
0x83: {  	v13 =	vld [tilespmem:s11+$0x7690]  }
0x84: {  	v14 =	vld [tilespmem:s11+$0x9E10]  }
0x85: {  	v15 =	vld [tilespmem:s11+$0x9E30]  }
0x86: {  	v16 =	vld [tilespmem:s11+$0x76B0]  }
0x87: {  	v3 =	vld.idx.msk [tilespmem:v5+s19+$0x0], $0xffff  }
0x88: {  	v4 =	vld.idx.msk [tilespmem:v5+s21+$0x0], $0xffff  }
0x89: {  	v5 =	vld.idx.msk [tilespmem:v5+s22+$0x0], $0xffff  }
0x8a: {  	v18 =	vld [tilespmem:s11+$0x76A0]  }
0x8b: {  	v21 =	vld [tilespmem:s11+$0x9E20]  }
0x8c: {  	v22 =	vld [tilespmem:s11+$0xC5A0]  }
0x8d: {  	v24 =	vld [tilespmem:s11+$0xED30];
	v20 =	vmul.f32 $7.499485020e-01, v8;
	v23 =	vmul.f32 $7.499485020e-01, v9  }
0x8e: {  	v26 =	vld [tilespmem:s11+$0xED10];
	s11 =	simm.s32 $0x40;
	v17 =	vmul.f32 v7, v4;
	v19 =	vmul.f32 v6, v5  }
0x8f: {  	v25 =	vlaneseq.u32;
	v29 =	vld [tilespmem:s11+$0xC5B0];
	v12 =	vmul.f32 v12, v3;
	v13 =	vmul.f32 v13, v3  }
0x90: {  	v30 =	vadd.s32 $0x40, v25;
	v14 =	vmul.f32 v14, v4;
	v16 =	vmul.f32 v16, v3  }
0x91: {  	v6 =	vimm.f32 $3.000000010e+38;
	v15 =	vmul.f32 v15, v4;
	v11 =	vmul.f32 v11, v5  }
0x92: {  	v10 =	vmul.f32 v10, v5;
	v13 =	vadd.f32 v14, v13;
	v14 =	vmul.f32 v18, v3  }
0x93: {  	v18 =	vmul.f32 v21, v4;
	v15 =	vadd.f32 v15, v16;
	v16 =	vadd.f32 $1.600000000e+01, v0  }
0x94: {  	v29 =	vmul.f32 v29, v5;
	v12 =	vadd.f32 v17, v12;
	v11 =	vadd.f32 v11, v13  }
0x95: {  	v21 =	vmul.f32 v22, v5;
	v14 =	vadd.f32 v18, v14;
	v10 =	vadd.f32 v10, v15;
	v15 =	vld [tilespmem:s11+$0xC580]  }
0x96: {  	v22 =	vmul.f32 $7.499485020e-01, v24;
	v12 =	vadd.f32 v19, v12;
	v19 =	vld [tilespmem:s11+$0x7690];
	v18 =	vmul.f32 v11, v11  }
0x97: {  	v27 =	vld [tilespmem:s11+$0x9E00];
	v17 =	vmul.f32 $7.499485020e-01, v26;
	v14 =	vadd.f32 v21, v14;
	v28 =	vmul.f32 v10, v10  }
0x98: {  	v13 =	vld [tilespmem:s11+$0xED00];
	vm0 =	vge.f32 v11, $0.0e+00;
	vm2 =	vge.f32 v10, $0.0e+00;
	v26 =	vsub.f32 v26, v18  }
0x99: {  	v11 =	vld [tilespmem:s11+$0xC590];
	vm1 =	vge.f32 v18, v17;
	v17 =	vmul.f32 v14, v14;
	v18 =	vadd.s32 $0x10, v25  }
0x9a: {  	v10 =	vld [tilespmem:s11+$0x7680];
	vm0 =	vmand vm0, vm1;
	vm1 =	vge.f32 v14, $0.0e+00;
	v15 =	vmul.f32 v15, v5  }
0x9b: {  	v14 =	vld [tilespmem:s11+$0x9E10];
	v19 =	vmul.f32 v19, v3;
	v16 =	vsel vm0, v26, v16;
	vm0 =	vge.f32 v28, v22  }
0x9c: {  	v21 =	vadd.f32 $4.800000000e+01, v0;
	v9 =	vsub.f32 v9, v17;
	vm3 =	vge.f32 v17, v23;
	v17 =	vld [tilespmem:s11+$0x9E30];
	(xrf1) =	vsort.ascd.msk.f32 $0xffff, v16, v18  }
0x9d: {  	v22 =	vadd.f32 $3.200000000e+01, v0;
	v23 =	vld [tilespmem:s11+$0x76B0];
	v26 =	vmul.f32 $7.499485020e-01, v13;
	v16 =	vmul.f32 v12, v12  }
0x9e: {  	v18 =	vsub.f32 v24, v28;
	vm0 =	vmand vm2, vm0;
	vm1 =	vmand vm1, vm3;
	v24 =	vld [tilespmem:s11+$0x76A0]  }
0x9f: {  	v28 =	vadd.f32 $6.400000000e+01, v0;
	v8 =	vsub.f32 v8, v16;
	vm2 =	vge.f32 v16, v20;
	v16 =	vld [tilespmem:s11+$0x9E20]  }
0xa0: {  	v10 =	vmul.f32 v10, v3;
	v11 =	vmul.f32 v11, v5;
	v9 =	vsel vm1, v9, v22;
	v20 =	vld [tilespmem:s11+$0xC5A0]  }
0xa1: {  	vm1 =	vge.f32 v12, $0.0e+00;
	v12 =	vmul.f32 v27, v4;
	v31 =	vadd.f32 $1.600000000e+01, v28  }
0xa2: {  	v27 =	vld [tilespmem:s11+$0xED20];
	vm1 =	vmand vm1, vm2;
	v23 =	vmul.f32 v23, v3;
	v17 =	vmul.f32 v17, v4  }
0xa3: {  	v18 =	vsel vm0, v18, v21;
	v14 =	vmul.f32 v14, v4;
	v8 =	vsel vm1, v8, v0  }
0xa4: {  	v32 =	vld [tilespmem:s11+$0xED10];
	v24 =	vmul.f32 v24, v3;
	v17 =	vadd.f32 v17, v23;
	v16 =	vmul.f32 v16, v4  }
0xa5: {  	v10 =	vadd.f32 v12, v10;
	(xrf1) =	vsort.ascd.msk.f32 $0xffff, v8, v25;
	v23 =	vadd.s32 $0x30, v25;
	v20 =	vmul.f32 v20, v5  }
0xa6: {  	v22 =	vadd.s32 $0x20, v25;
	(xrf1) =	vsort.ascd.msk.f32 $0xffff, v18, v23;
	v17 =	vadd.f32 v29, v17;
	v16 =	vadd.f32 v16, v24  }
0xa7: {  	v8 =	vld [tilespmem:s11+$0xED30];
	v14 =	vadd.f32 v14, v19;
	s11 =	simm.s32 $0x80;
	v10 =	vadd.f32 v15, v10;
	v21 =	vmul.f32 $7.499485020e-01, v27  }
0xa8: {  	(xrf1) =	vsort.ascd.msk.f32 $0xffff, v9, v22;
	v23 =	vmul.f32 v17, v17;
	vm0 =	vge.f32 v17, $0.0e+00;
	v17 =	vld [tilespmem:s11+$0xED20];
	v16 =	vadd.f32 v20, v16  }
0xa9: {  	v18 =	vmul.f32 $7.499485020e-01, v32;
	v11 =	vadd.f32 v11, v14;
	v14 =	vadd.f32 $4.800000000e+01, v28  }
0xaa: {  	v24 =	vadd.f32 $3.200000000e+01, v28;
	v22 =	vmul.f32 v16, v16;
	vm1 =	vge.f32 v16, $0.0e+00;
	v16 =	vld [tilespmem:s11+$0xC580];
	v19, v20, _ =	vpop (xrf1)  }
0xab: {  	v15 =	vld [tilespmem:s11+$0xED00];
	vm2 =	vge.f32 v11, $0.0e+00;
	v9 =	vperm.xlane v19, v2;
	v19 =	vmul.f32 v11, v11  }
0xac: {  	v25 =	vld [tilespmem:s11+$0x9E00];
	v12 =	vmul.f32 $7.499485020e-01, v8;
	v8 =	vsub.f32 v8, v23;
	v11 =	vsub.f32 v27, v22  }
0xad: {  	v27 =	vld [tilespmem:s11+$0x7680];
	v34 =	vmul.f32 $7.499485020e-01, v17;
	v29 =	vsub.f32 v32, v19;
	vm3 =	vge.f32 v19, v18  }
0xae: {  	v63 =	vld [tilespmem:s11+$0x9E20];
	v19 =	vmul.f32 v10, v10;
	vm2 =	vmand vm2, vm3;
	vm3 =	vge.f32 v22, v21  }
0xaf: {  	v18 =	vld [tilespmem:s11+$0xC5B0];
	v22 =	vadd.s32 $0x10, v30;
	v16 =	vmul.f32 v16, v5;
	v21 =	vsel vm2, v29, v31  }
0xb0: {  	v13 =	vsub.f32 v13, v19;
	vm2 =	vge.f32 v10, $0.0e+00;
	vm4 =	vge.f32 v19, v26;
	v10 =	vld [tilespmem:s11+$0x7690]  }
0xb1: {  	vm1 =	vmand vm1, vm3;
	vm3 =	vge.f32 v23, v12;
	v23 =	vld [tilespmem:s11+$0xC590];
	vm2 =	vmand vm2, vm4  }
0xb2: {  	(xrf1) =	vsort.ascd.msk.f32 $0xffff, v21, v22;
	v21 =	vld [tilespmem:s11+$0x9E30];
	vm0 =	vmand vm0, vm3;
	v22 =	vmul.f32 v25, v4;
	v27 =	vmul.f32 v27, v3  }
0xb3: {  	v11 =	vsel vm1, v11, v24;
	v24 =	vld [tilespmem:s11+$0x76B0];
	v13 =	vsel vm2, v13, v28;
	v8 =	vsel vm0, v8, v14;
	v12, v19, _ =	vpop (xrf1)  }
0xb4: {  	v26 =	vadd.s32 $0x20, v30;
	v25 =	vld [tilespmem:s11+$0x76A0];
	(xrf1) =	vsort.ascd.msk.f32 $0xffff, v13, v30;
	v13 =	vperm.xlane v20, v2;
	v22 =	vadd.f32 v22, v27;
	v29, v31, _ =	vpop (xrf1)  }
0xb5: {  	v33 =	vld [tilespmem:s11+$0x9E10];
	v18 =	vmul.f32 v18, v5;
	vm12 =	vlt.f32 v12, v9;
	v29 =	vperm.xlane v29, v2  }
0xb6: {  	v35 =	vld [tilespmem:s11+$0xC5A0];
	v13 =	vsel vm12, v19, v13;
	v19 =	vmul.f32 v23, v5;
	v23, v36, _ =	vpop (xrf1);
	v31 =	vperm.xlane v31, v2  }
0xb7: {  	v12 =	vsel vm12, v12, v9;
	v10 =	vmul.f32 v10, v3;
	vm1 =	vlt.f32 v23, v29  }
0xb8: {  	v24 =	vmul.f32 v24, v3;
	v23 =	vsel vm1, v23, v29;
	v29 =	vsel vm1, v36, v31  }
0xb9: {  	v37 =	vld [tilespmem:s11+$0xED30];
	v28 =	vadd.f32 $6.400000000e+01, v28;
	v21 =	vmul.f32 v21, v4;
	v25 =	vmul.f32 v25, v3;
	(xrf1) =	vsort.ascd.msk.f32 $0xffff, v23, v29  }
0xba: {  	v27 =	vld [tilespmem:s11+$0xED10];
	v16 =	vadd.f32 v16, v22;
	v31 =	vmul.f32 v63, v4;
	v23 =	vmul.f32 v33, v4  }
0xbb: {  	v20 =	vmul.f32 $7.499485020e-01, v15;
	v21 =	vadd.f32 v21, v24;
	v29 =	vmul.f32 v35, v5;
	(xrf1) =	vsort.ascd.msk.f32 $0xffff, v12, v13  }
0xbc: {  	v9 =	vadd.s32 $0x40, v30;
	v25 =	vadd.f32 v31, v25;
	v10 =	vadd.f32 v23, v10  }
0xbd: {  	v24 =	vadd.f32 $1.600000000e+01, v28;
	v13 =	vadd.f32 v18, v21;
	v23 =	vadd.s32 $0x30, v30  }
0xbe: {  	v12 =	vmul.f32 $7.499485020e-01, v37;
	v21 =	vadd.f32 v29, v25;
	(xrf1) =	vsort.ascd.msk.f32 $0xffff, v8, v23;
	v10 =	vadd.f32 v19, v10  }
0xbf: {  	v18 =	vmul.f32 $7.499485020e-01, v27;
	v30 =	vmul.f32 v13, v13;
	vm0 =	vge.f32 v13, $0.0e+00  }
0xc0: {  	(xrf1) =	vsort.ascd.msk.f32 $0xffff, v11, v26;
	v22 =	vmul.f32 v21, v21;
	vm2 =	vge.f32 v21, $0.0e+00;
	v25, v29, _ =	vpop (xrf1);
	v21 =	vmul.f32 v10, v10  }
0xc1: {  	s11 =	simm.s32 $0xC0;
	v26 =	vadd.f32 $3.200000000e+01, v28;
	vm1 =	vge.f32 v30, v12;
	v25 =	vperm.xlane v25, v2  }
0xc2: {  	v40 =	vld [tilespmem:s11+$0x76B0];
	vm3 =	vge.f32 v22, v34;
	vm13 =	vge.f32 v21, v18;
	v18 =	vmul.f32 v16, v16  }
0xc3: {  	v42 =	vld [tilespmem:s11+$0x76A0];
	vm0 =	vmand vm0, vm1;
	v17 =	vsub.f32 v17, v22;
	v12, v13, _ =	vpop (xrf1);
	vm2 =	vmand vm2, vm3  }
0xc4: {  	v11 =	vld [tilespmem:s11+$0xC580];
	v27 =	vsub.f32 v27, v21;
	vm3 =	vge.f32 v10, $0.0e+00;
	vm1 =	vlt.f32 v12, v25  }
0xc5: {  	v22 =	vld [tilespmem:s11+$0x9E00];
	v17 =	vsel vm2, v17, v26;
	vm2 =	vmand vm3, vm13;
	v15 =	vsub.f32 v15, v18  }
0xc6: {  	v7 =	vimm.s32 $0x0;
	v26 =	vld [tilespmem:s11+$0x7680];
	v12 =	vsel vm1, v12, v25;
	v24 =	vsel vm2, v27, v24  }
0xc7: {  	v23 =	vld [tilespmem:s11+$0xED20];
	v25 =	vadd.s32 $0x10, v9;
	vm2 =	vge.f32 v16, $0.0e+00;
	vm3 =	vge.f32 v18, v20;
	v16, v18, _ =	vpop (xrf1)  }
0xc8: {  	v19 =	vsub.f32 v37, v30;
	v30 =	vld [tilespmem:s11+$0x9E30];
	(xrf1) =	vsort.ascd.msk.f32 $0xffff, v24, v25;
	vm2 =	vmand vm2, vm3;
	v16 =	vperm.xlane v16, v2  }
0xc9: {  	v10 =	vld [tilespmem:s11+$0xC5B0];
	v25 =	vmul.f32 v11, v5;
	v11 =	vsel vm2, v15, v28;
	v15, v27, _ =	vpop (xrf1);
	v18 =	vperm.xlane v18, v2  }
0xca: {  	v14 =	vadd.f32 $4.800000000e+01, v28;
	v20 =	vld [tilespmem:s11+$0x7690];
	v22 =	vmul.f32 v22, v4;
	(xrf1) =	vsort.ascd.msk.f32 $0xffff, v11, v9;
	vm2 =	vlt.f32 v15, v16  }
0xcb: {  	v15 =	vsel vm2, v15, v16;
	v16 =	vsel vm2, v27, v18;
	v18 =	vmul.f32 v26, v3;
	v26 =	vld [tilespmem:s11+$0x9E20]  }
0xcc: {  	v32 =	vmul.f32 v40, v3;
	v29 =	vperm.xlane v29, v2;
	v24 =	vld [tilespmem:s11+$0x9E10];
	(xrf1) =	vsort.ascd.msk.f32 $0xffff, v15, v16;
	v16 =	vadd.f32 $6.400000000e+01, v28;
	v27, v28, _ =	vpop (xrf1)  }
0xcd: {  	v31 =	vadd.s32 $0x20, v9;
	v34 =	vmul.f32 v42, v3;
	v15 =	vld [tilespmem:s11+$0xC5A0];
	v27 =	vperm.xlane v27, v2  }
0xce: {  	v21 =	vld [tilespmem:s11+$0xC590];
	v13 =	vsel vm1, v13, v29;
	v30 =	vmul.f32 v30, v4;
	v18 =	vadd.f32 v22, v18;
	v22, v38, _ =	vpop (xrf1)  }
0xcf: {  	v10 =	vmul.f32 v10, v5;
	v20 =	vmul.f32 v20, v3;
	vm1 =	vlt.f32 v22, v27  }
0xd0: {  	v45 =	vld [tilespmem:s11+$0xED10];
	v26 =	vmul.f32 v26, v4;
	v22 =	vsel vm1, v22, v27;
	v27 =	vadd.f32 v30, v32  }
0xd1: {  	v14 =	vsel vm0, v19, v14;
	v29 =	vld [tilespmem:s11+$0xED30];
	v24 =	vmul.f32 v24, v4;
	v28 =	vperm.xlane v28, v2  }
0xd2: {  	v15 =	vmul.f32 v15, v5;
	v26 =	vadd.f32 v26, v34;
	v10 =	vadd.f32 v10, v27  }
0xd3: {  	v43 =	vmul.f32 $7.499485020e-01, v23;
	v21 =	vmul.f32 v21, v5;
	v20 =	vadd.f32 v24, v20  }
0xd4: {  	v28 =	vsel vm1, v38, v28;
	v15 =	vadd.f32 v15, v26;
	v26 =	vmul.f32 v10, v10  }
0xd5: {  	v11 =	vadd.s32 $0x40, v9;
	v9 =	vadd.s32 $0x30, v9;
	v24 =	vmul.f32 $7.499485020e-01, v45;
	(xrf1) =	vsort.ascd.msk.f32 $0xffff, v22, v28  }
0xd6: {  	v30 =	vmul.f32 $7.499485020e-01, v29;
	(xrf1) =	vsort.ascd.msk.f32 $0xffff, v12, v13;
	v13 =	vadd.f32 v25, v18;
	v12 =	vadd.f32 v21, v20  }
0xd7: {  	v44 =	vadd.f32 $1.600000000e+01, v16;
	v18 =	vperm.xlane v6, v2;
	v25 =	vperm.xlane v7, v2;
	(xrf1) =	vsort.ascd.msk.f32 $0xffff, v14, v9  }
0xd8: {  	vm2 =	vge.f32 v10, $0.0e+00;
	v10 =	vadd.f32 $3.200000000e+01, v16;
	(xrf1) =	vsort.ascd.msk.f32 $0xffff, v17, v31;
	v17 =	vmul.f32 v12, v12;
	v22, v27, _ =	vpop (xrf1)  }
0xd9: {  	v28 =	vsub.f32 v29, v26;
	vm0 =	vge.f32 v26, v30;
	v7 =	vmul.f32 v15, v15;
	v6, v26, _ =	vpop (xrf1)  }
0xda: {  	v22 =	vperm.xlane v22, v2;
	vm3 =	vge.f32 v15, $0.0e+00;
	vm0 =	vmand vm2, vm0;
	v14, v15, _ =	vpop (xrf1)  }
0xdb: {  	vm14 =	vge.f32 v7, v43;
	v20 =	vsub.f32 v23, v7;
	vm15 =	vlt.f32 v14, v18  }
0xdc: {  	v8 =	vld [tilespmem:s11+$0xED00];
	s11 =	simm.s32 $0x100;
	vm3 =	vmand vm3, vm14;
	v21 =	vsel vm15, v25, v15;
	v29 =	vsel vm15, v18, v14  }
0xdd: {  	v49 =	vld [tilespmem:s11+$0x76B0];
	vm2 =	vge.f32 v12, $0.0e+00;
	vm1 =	vlt.f32 v6, v22;
	v10 =	vsel vm3, v20, v10;
	(xrf1) =	vsort.ascd.msk.f32 $0xffff, v29, v21  }
0xde: {  	v50 =	vld [tilespmem:s11+$0x9E10];
	vm3 =	vge.f32 v17, v24;
	v30 =	vsel vm1, v6, v22;
	v6 =	vsub.f32 v45, v17  }
0xdf: {  	v52 =	vld [tilespmem:s11+$0x76A0];
	vm2 =	vmand vm2, vm3;
	v12 =	vsel vm15, v14, v18;
	v15 =	vsel vm15, v15, v25  }
0xe0: {  	v39 =	vld [tilespmem:s11+$0x9E20];
	v22 =	vsel vm2, v6, v44;
	v29 =	vadd.s32 $0x10, v11;
	(xrf1) =	vsort.ascd.msk.f32 $0xffff, v12, v15  }
0xe1: {  	v21 =	vmul.f32 v13, v13;
	(xrf1) =	vsort.ascd.msk.f32 $0xffff, v22, v29;
	v29 =	vld [tilespmem:s11+$0x9E30]  }
0xe2: {  	v23 =	vld [tilespmem:s11+$0xC580]  }
0xe3: {  	v40 =	vld [tilespmem:s11+$0xED30]  }
0xe4: {  	v41 =	vmul.f32 $7.499485020e-01, v8;
	v19 =	vadd.f32 $4.800000000e+01, v16;
	v35 =	vmul.f32 v49, v3;
	v9 =	vld [tilespmem:s11+$0xED00]  }
0xe5: {  	v36 =	vmul.f32 v50, v4;
	v37 =	vmul.f32 v52, v3;
	v20 =	vld [tilespmem:s11+$0x9E00];
	vm2 =	vge.f32 v13, $0.0e+00  }
0xe6: {  	v17 =	vld [tilespmem:s11+$0xC5B0];
	v8 =	vsub.f32 v8, v21;
	vm3 =	vge.f32 v21, v41;
	v13, v21, _ =	vpop (xrf1);
	v29 =	vmul.f32 v29, v4  }
0xe7: {  	v14 =	vld [tilespmem:s11+$0xC5A0];
	v31 =	vmul.f32 v23, v5;
	vm2 =	vmand vm2, vm3;
	v23 =	vperm.xlane v13, v2  }
0xe8: {  	v39 =	vmul.f32 v39, v4;
	v15 =	vld [tilespmem:s11+$0x7680];
	v46 =	vsel vm2, v8, v16;
	v48, v47, _ =	vpop (xrf1);
	v21 =	vperm.xlane v21, v2  }
0xe9: {  	v62 =	vadd.s32 $0x30, v11;
	v27 =	vperm.xlane v27, v2;
	v24 =	vld [tilespmem:s11+$0xC590];
	(xrf1) =	vsort.ascd.msk.f32 $0xffff, v46, v11;
	v55, v54, _ =	vpop (xrf1);
	vm2 =	vlt.f32 v48, v23  }
0xea: {  	v7 =	vld [tilespmem:s11+$0xED20];
	v19 =	vsel vm0, v28, v19;
	v57, v56, _ =	vpop (xrf1);
	v23 =	vsel vm2, v48, v23;
	v53 =	vsel vm2, v47, v21  }
0xeb: {  	v42 =	vmul.f32 $7.499485020e-01, v40;
	v26 =	vsel vm1, v26, v27;
	v58 =	vadd.f32 v29, v35;
	v35, v29, _ =	vpop (xrf1);
	(xrf1) =	vsort.ascd.msk.f32 $0xffff, v23, v53  }
0xec: {  	v6 =	vadd.s32 $0x40, v11;
	v20 =	vmul.f32 v20, v4;
	v22 =	vld [tilespmem:s11+$0x7690];
	v17 =	vmul.f32 v17, v5  }
0xed: {  	v12 =	vadd.s32 $0x20, v11;
	v14 =	vmul.f32 v14, v5;
	v51 =	vmul.f32 v15, v3  }
0xee: {  	v8 =	vadd.f32 $6.400000000e+01, v16;
	v21 =	vmul.f32 v24, v5;
	v24 =	vperm.xlane v55, v2  }
0xef: {  	v13 =	vmul.f32 $7.499485020e-01, v9;
	v15 =	vmul.f32 $7.499485020e-01, v7;
	v27 =	vadd.f32 v20, v51  }
0xf0: {  	v20 =	vld [tilespmem:s11+$0xED10];
	v38 =	vperm.xlane v54, v2;
	vm1 =	vlt.f32 v57, v24;
	v17 =	vadd.f32 v17, v58  }
0xf1: {  	v16 =	vadd.f32 $1.600000000e+01, v8;
	v22 =	vmul.f32 v22, v3;
	v24 =	vsel vm1, v57, v24  }
0xf2: {  	v34 =	vsel vm1, v56, v38;
	v63 =	vmul.f32 v17, v17;
	vm2 =	vlt.f32 v35, v18  }
0xf3: {  	v11 =	vadd.f32 $4.800000000e+01, v8;
	(xrf1) =	vsort.ascd.msk.f32 $0xffff, v24, v34;
	v41 =	vsel vm2, v29, v25;
	v61 =	vsel vm2, v35, v18  }
0xf4: {  	vm0 =	vge.f32 v17, $0.0e+00;
	v60, v59, _ =	vpop (xrf1);
	v29 =	vadd.f32 v36, v22;
	v22 =	vadd.f32 v39, v37;
	(xrf1) =	vsort.ascd.msk.f32 $0xffff, v61, v41  }
0xf5: {  	v24 =	vadd.f32 v31, v27;
	vm1 =	vge.f32 v63, v42;
	v25 =	vmul.f32 $7.499485020e-01, v20;
	v35, v18, _ =	vpop (xrf1);
	(xrf1) =	vsort.ascd.msk.f32 $0xffff, v30, v26  }
0xf6: {  	v27 =	vperm.xlane v60, v2;
	v23 =	vadd.f32 v14, v22;
	v22 =	vperm.xlane v35, v2  }
0xf7: {  	v28 =	vperm.xlane v59, v2;
	vm0 =	vmand vm0, vm1;
	v14 =	vsub.f32 v40, v63;
	v26, v17, _ =	vpop (xrf1)  }
0xf8: {  	s2 =	simm.s32 $0x500;
	(xrf1) =	vsort.ascd.msk.f32 $0xffff, v19, v62;
	v19 =	vmov v6;
	v30 =	vmul.f32 v23, v23;
	vm1 =	vlt.f32 v26, v22  }
.LBB2_6:
0xf9: {  	s11 =	sshra.s32 s2, $0x2;
	p0 =	sne.s32 s2, $0x9C00;
	s2 =	sadd.s32 $0x100, s2;
	v21 =	vadd.f32 v21, v29;
	v29 =	vadd.f32 $3.200000000e+01, v8;
	vm2 =	vge.f32 v23, $0.0e+00;
	v23, v31, _ =	vpop (xrf1)  }
0xfa: {  	v32 =	vld [tilespmem:s11+$0xED00];
	v33 =	vsub.f32 v7, v30;
	vm3 =	vge.f32 v30, v15;
	vm4 =	vlt.f32 v23, v27  }
0xfb: {  	v7 =	vld [tilespmem:s11+$0xED20];
	v15 =	vmul.f32 v21, v21;
	vm2 =	vmand vm2, vm3;
	(xrf1) =	vsort.ascd.msk.f32 $0xffff, v10, v12;
	v12 =	vsel vm4, v28, v31  }
0xfc: {  	v26 =	vsel vm1, v26, v22;
	v22 =	vsel vm4, v27, v23;
	v30 =	vld [tilespmem:s11+$0xC580];
	v10 =	vsel vm2, v33, v29  }
0xfd: {  	vm2 =	vge.f32 v21, $0.0e+00;
	v29 =	vld [tilespmem:s11+$0x9E00];
	v20 =	vsub.f32 v20, v15;
	vm3 =	vge.f32 v15, v25;
	(xrf1) =	vsort.ascd.msk.f32 $0xffff, v22, v12  }
0xfe: {  	v21 =	vsel vm4, v31, v28;
	v12 =	vsel vm4, v23, v27;
	v22 =	vld [tilespmem:s11+$0xC5B0];
	vm2 =	vmand vm2, vm3  }
0xff: {  	v31 =	vmul.f32 v24, v24;
	v23 =	vld [tilespmem:s11+$0xC5A0];
	v16 =	vsel vm2, v20, v16;
	(xrf1) =	vsort.ascd.msk.f32 $0xffff, v12, v21  }
0x100: {  	v19 =	vadd.s32 $0x40, v19;
	v27 =	vadd.s32 $0x10, v6;
	v12 =	vadd.s32 $0x20, v6;
	v20 =	vld [tilespmem:s11+$0xC590]  }
0x101: {  	v37 =	vsub.f32 v9, v31;
	vm3 =	vge.f32 v31, v13;
	vm2 =	vge.f32 v24, $0.0e+00;
	v25 =	vld [tilespmem:s11+$0x7680];
	(xrf1) =	vsort.ascd.msk.f32 $0xffff, v16, v27;
	v13, v15, _ =	vpop (xrf1)  }
0x102: {  	vm2 =	vmand vm2, vm3;
	v27 =	vmul.f32 v30, v5;
	v24 =	vmul.f32 v29, v4;
	v16 =	vld [tilespmem:s11+$0x7690];
	v21, v28, _ =	vpop (xrf1)  }
0x103: {  	v18 =	vperm.xlane v18, v2;
	v30 =	vsel vm2, v37, v8;
	v31 =	vperm.xlane v13, v2;
	v29 =	vld [tilespmem:s11+$0x9E10];
	v33, v34, _ =	vpop (xrf1)  }
0x104: {  	v9 =	vmovc v32;
	v8 =	vadd.f32 $6.400000000e+01, v8;
	v15 =	vperm.xlane v15, v2;
	v36 =	vperm.xlane v21, v2;
	v35 =	vld [tilespmem:s11+$0x9E30]  }
0x105: {  	v13 =	vmul.f32 $7.499485020e-01, v9;
	v28 =	vperm.xlane v28, v2;
	vm2 =	vlt.f32 v33, v31;
	v32 =	vld [tilespmem:s11+$0x76B0];
	(xrf1) =	vsort.ascd.msk.f32 $0xffff, v30, v6  }
0x106: {  	v21 =	vsel vm2, v33, v31;
	v31 =	vsel vm2, v34, v15;
	v25 =	vmul.f32 v25, v3;
	v30 =	vld [tilespmem:s11+$0x76A0];
	v37, v38, _ =	vpop (xrf1)  }
0x107: {  	v17 =	vsel vm1, v17, v18;
	v15 =	vmul.f32 $7.499485020e-01, v7;
	v33 =	vmul.f32 v16, v3;
	v34 =	vld [tilespmem:s11+$0x9E20];
	(xrf1) =	vsort.ascd.msk.f32 $0xffff, v21, v31  }
0x108: {  	v16 =	vadd.f32 $1.600000000e+01, v8;
	v21 =	vmul.f32 v20, v5;
	v41 =	vperm.xlane v37, v2;
	v31 =	vld [tilespmem:s11+$0xED30]  }
0x109: {  	v22 =	vmul.f32 v22, v5;
	v24 =	vadd.f32 v24, v25;
	v25 =	vmul.f32 v29, v4;
	v29, v37, _ =	vpop (xrf1)  }
0x10a: {  	v23 =	vmul.f32 v23, v5;
	v38 =	vperm.xlane v38, v2;
	v20 =	vld [tilespmem:s11+$0xED10];
	vm1 =	vlt.f32 v29, v41  }
0x10b: {  	v35 =	vmul.f32 v35, v4;
	v32 =	vmul.f32 v32, v3;
	v39 =	vsel vm1, v29, v41;
	v40, v18, _ =	vpop (xrf1)  }
0x10c: {  	v30 =	vmul.f32 v30, v3;
	v34 =	vmul.f32 v34, v4;
	vm2 =	vlt.f32 v40, v36  }
0x10d: {  	v32 =	vadd.f32 v35, v32;
	v35 =	vmul.f32 $7.499485020e-01, v31;
	v28 =	vsel vm2, v18, v28;
	v41, v42, _ =	vpop (xrf1)  }
0x10e: {  	v29 =	vadd.f32 v25, v33;
	v33 =	vsel vm1, v37, v38;
	v30 =	vadd.f32 v34, v30  }
0x10f: {  	v32 =	vadd.f32 v22, v32;
	v25 =	vmul.f32 $7.499485020e-01, v20;
	v22, v18, _ =	vpop (xrf1);
	(xrf1) =	vsort.ascd.msk.f32 $0xffff, v39, v33;
	v33 =	vsel vm2, v40, v36  }
.Ltmp1:
0x110: {  	v34 =	vadd.s32 $0x30, v6;
	v36 =	vsel vm0, v14, v11;
	v23 =	vadd.f32 v23, v30;
	(xrf1) =	vsort.ascd.msk.f32 $0xffff, v33, v28;
	(pc) =	sbr.rel @p0 .LBB2_6-.Ltmp1, $4  }
0x111: {  	v11 =	vadd.f32 $4.800000000e+01, v8;
	v30 =	vmul.f32 v32, v32;
	v22 =	vperm.xlane v22, v2;
	(xrf1) =	vsort.ascd.msk.f32 $0xffff, v26, v17  }
0x112: {  	v24 =	vadd.f32 v27, v24;
	v27 =	vperm.xlane v41, v2;
	v6 =	vmovc v19;
	v28 =	vperm.xlane v42, v2  }
0x113: {  	vm0 =	vge.f32 v32, $0.0e+00;
	v14 =	vsub.f32 v31, v30;
	vm1 =	vge.f32 v30, v35;
	v26, v17, _ =	vpop (xrf1)  }
0x114: {  	v30 =	vmul.f32 v23, v23;
	vm0 =	vmand vm0, vm1;
	vm1 =	vlt.f32 v26, v22;
	(xrf1) =	vsort.ascd.msk.f32 $0xffff, v36, v34  }
0x115: {  	_ =	sdelay $0x1  }
0x116: {  	v3 =	vadd.f32 v21, v29  }
0x117: {  	v4, v5, _ =	vpop (xrf1)  }
0x118: {  	v42 =	vmul.f32 v24, v24;
	vm2 =	vlt.f32 v4, v27;
	v19 =	vmul.f32 v3, v3  }
0x119: {  	(xrf1) =	vsort.ascd.msk.f32 $0xffff, v10, v12;
	v40 =	vsel vm2, v28, v5;
	vm3 =	vge.f32 v3, $0.0e+00;
	v3 =	vsel vm2, v27, v4  }
0x11a: {  	(xrf1) =	vsort.ascd.msk.f32 $0xffff, v3, v40;
	v41 =	vsub.f32 v20, v19;
	vm4 =	vge.f32 v19, v25  }
0x11b: {  	v43 =	vsel vm2, v5, v28;
	v3 =	vsel vm2, v4, v27;
	vm3 =	vmand vm3, vm4  }
0x11c: {  	v9 =	vsub.f32 v9, v42;
	v44 =	vsel vm3, v41, v16;
	v45, v46, _ =	vpop (xrf1);
	(xrf1) =	vsort.ascd.msk.f32 $0xffff, v3, v43;
	v3 =	vadd.s32 $0x10, v6  }
0x11d: {  	vm9 =	vge.f32 v24, $0.0e+00;
	vm10 =	vge.f32 v42, v13;
	v48, v47, _ =	vpop (xrf1);
	v10 =	vperm.xlane v45, v2;
	(xrf1) =	vsort.ascd.msk.f32 $0xffff, v44, v3  }
0x11e: {  	vm2 =	vmand vm9, vm10;
	v12 =	vperm.xlane v46, v2;
	v50, v49, _ =	vpop (xrf1)  }
0x11f: {  	v3 =	vsel vm2, v9, v8;
	vm11 =	vlt.f32 v50, v10  }
0x120: {  	(xrf1) =	vsort.ascd.msk.f32 $0xffff, v3, v6;
	v3 =	vsel vm11, v50, v10;
	v51 =	vsel vm11, v49, v12  }
0x121: {  	(xrf1) =	vsort.ascd.msk.f32 $0xffff, v3, v51;
	_ =	sdelay $0x3  }
0x122: {  	v3, v4, _ =	vpop (xrf1)  }
0x123: {  	v3 =	vperm.xlane v3, v2  }
0x124: {  	v53 =	vperm.xlane v48, v2;
	v54, v55, _ =	vpop (xrf1);
	v4 =	vperm.xlane v4, v2  }
0x125: {  	v56 =	vperm.xlane v18, v2;
	v57 =	vperm.xlane v47, v2;
	v58, v59, _ =	vpop (xrf1);
	vm13 =	vlt.f32 v54, v3  }
0x126: {  	vm14 =	vlt.f32 v58, v53;
	v3 =	vsel vm13, v54, v3;
	v4 =	vsel vm13, v55, v4  }
0x127: {  	v61 =	vsel vm14, v59, v57;
	v62, v63, _ =	vpop (xrf1);
	(xrf1) =	vsort.ascd.msk.f32 $0xffff, v3, v4;
	v3 =	vsel vm14, v58, v53  }
0x128: {  	v18 =	vsel vm1, v26, v22;
	v19 =	vsel vm1, v17, v56;
	v21, v20, _ =	vpop (xrf1);
	(xrf1) =	vsort.ascd.msk.f32 $0xffff, v3, v61  }
0x129: {  	v3 =	vadd.s32 $0x30, v6;
	(xrf1) =	vsort.ascd.msk.f32 $0xffff, v18, v19  }
0x12a: {  	v60 =	vadd.f32 $3.200000000e+01, v8;
	vm15 =	vge.f32 v23, $0.0e+00;
	v22 =	vsel vm0, v14, v11  }
0x12b: {  	v52 =	vsub.f32 v7, v30;
	vm12 =	vge.f32 v30, v15;
	v23 =	vperm.xlane v62, v2;
	v24, v25, _ =	vpop (xrf1)  }
0x12c: {  	vm5 =	vmand vm15, vm12;
	v26 =	vperm.xlane v63, v2;
	(xrf1) =	vsort.ascd.msk.f32 $0xffff, v22, v3;
	v3, v9, _ =	vpop (xrf1)  }
0x12d: {  	v5 =	vsel vm5, v52, v60;
	v27 =	vadd.s32 $0x20, v6;
	vm6 =	vlt.f32 v3, v23  }
0x12e: {  	(xrf1) =	vsort.ascd.msk.f32 $0xffff, v5, v27;
	v28 =	vsel vm6, v26, v9;
	v29 =	vsel vm6, v23, v3  }
0x12f: {  	(xrf1) =	vsort.ascd.msk.f32 $0xffff, v29, v28;
	_ =	sdelay $0x5  }
0x130: {  	v32, v31, _ =	vpop (xrf1)  }
0x131: {  	v34, v33, _ =	vpop (xrf1);
	v6 =	vperm.xlane v32, v2  }
0x132: {  	v35 =	vsel vm6, v9, v26;
	v9, v11, _ =	vpop (xrf1)  }
0x133: {  	v36 =	vperm.xlane v31, v2;
	vm8 =	vlt.f32 v9, v6  }
0x134: {  	v6 =	vsel vm8, v9, v6  }
0x135: {  	v30 =	vperm.xlane v21, v2;
	v3 =	vsel vm6, v3, v23;
	v38, v37, _ =	vpop (xrf1);
	v4 =	vsel vm8, v11, v36  }
0x136: {  	(xrf1) =	vsort.ascd.msk.f32 $0xffff, v3, v35;
	v3 =	vperm.xlane v20, v2;
	v8 =	vperm.xlane v38, v2  }
0x137: {  	vm7 =	vlt.f32 v24, v30;
	v12 =	vperm.xlane v34, v2;
	v39, v40, _ =	vpop (xrf1);
	v14 =	vperm.xlane v37, v2  }
0x138: {  	v13 =	vperm.xlane v33, v2;
	(xrf1) =	vsort.ascd.msk.f32 $0xffff, v6, v4;
	vm9 =	vlt.f32 v39, v8;
	v4, v6, _ =	vpop (xrf1)  }
0x139: {  	v8 =	vsel vm9, v39, v8;
	v41 =	vsel vm9, v40, v14;
	vm10 =	vlt.f32 v4, v12  }
0x13a: {  	(xrf1) =	vsort.ascd.msk.f32 $0xffff, v8, v41;
	v6 =	vsel vm10, v6, v13;
	v4 =	vsel vm10, v4, v12  }
0x13b: {  	v5 =	vsel vm7, v24, v30;
	v3 =	vsel vm7, v25, v3;
	(xrf1) =	vsort.ascd.msk.f32 $0xffff, v4, v6  }
0x13c: {  	(xrf1) =	vsort.ascd.msk.f32 $0xffff, v5, v3;
	_ =	sdelay $0x7  }
0x13d: {  	v3, v42, _ =	vpop (xrf1)  }
0x13e: {  	v3 =	vperm.xlane v3, v2  }
0x13f: {  	v4 =	vperm.xlane v42, v2;
	v44, v43, _ =	vpop (xrf1)  }
0x140: {  	vm11 =	vlt.f32 v44, v3  }
0x141: {  	v45 =	vsel vm11, v4, v43;
	v9, v47, _ =	vpop (xrf1)  }
0x142: {  	v46 =	vsel vm11, v3, v44;
	v3 =	vsel vm11, v44, v3;
	v9 =	vperm.xlane v9, v2;
	v7, v8, _ =	vpop (xrf1)  }
0x143: {  	v4 =	vsel vm11, v43, v4;
	(xrf1) =	vsort.ascd.msk.f32 $0xffff, v46, v45;
	v10 =	vperm.xlane v47, v2;
	v48, v49, _ =	vpop (xrf1)  }
0x144: {  	(xrf1) =	vsort.ascd.msk.f32 $0xffff, v3, v4;
	vm12 =	vlt.f32 v48, v9  }
0x145: {  	v3 =	vsel vm12, v48, v9;
	v50 =	vsel vm12, v49, v10  }
0x146: {  	(xrf1) =	vsort.ascd.msk.f32 $0xffff, v3, v50;
	_ =	sdelay $0xa  }
0x147: {  	v3, v4, _ =	vpop (xrf1)  }
0x148: {  	v51 =	vperm.xlane v7, v2;
	v52, v53, _ =	vpop (xrf1)  }
0x149: {  	v8 =	vperm.xlane v8, v2;
	v6 =	vperm.xlane v52, v2  }
0x14a: {  	vm13 =	vlt.f32 v3, v51;
	v7 =	vperm.xlane v53, v2;
	v54, v55, _ =	vpop (xrf1)  }
0x14b: {  	v4 =	vsel vm13, v4, v8;
	v3 =	vsel vm13, v3, v51;
	vm14 =	vlt.f32 v54, v6  }
0x14c: {  	(xrf1) =	vsort.ascd.msk.f32 $0xffff, v3, v4;
	v3 =	vsel vm14, v7, v55;
	v56 =	vsel vm14, v6, v54  }
0x14d: {  	v57 =	vsel vm14, v55, v7;
	(xrf1) =	vsort.ascd.msk.f32 $0xffff, v56, v3;
	v3 =	vsel vm14, v54, v6  }
0x14e: {  	(xrf1) =	vsort.ascd.msk.f32 $0xffff, v3, v57;
	_ =	sdelay $0xb  }
0x14f: {  	v3, v4, _ =	vpop (xrf1)  }
0x150: {  	v58, v59, _ =	vpop (xrf1)  }
0x151: {  	v3 =	vperm.xlane v3, v2;
	v61, v60, _ =	vpop (xrf1)  }
0x152: {  	v4 =	vperm.xlane v4, v2  }
0x153: {  	s2 =	sshll.u32 s1, $0x7;
	vm15 =	vlt.f32 v58, v3  }
0x154: {  	[tilespmem:s2+$0x11780] =	vst v60;
	v4 =	vsel vm15, v59, v4;
	v3 =	vsel vm15, v58, v3  }
0x155: {  	(xrf1) =	vsort.ascd.msk.f32 $0xffff, v3, v4;
	v62 =	vld.idx.msk [tilespmem:v60+s5+$0x0], $0xffff;
	_ =	sdelay $0x4  }
0x156: {  	[tilespmem:s2+$0x11B80] =	vst v62  }
0x157: {  	v3 =	vld.idx.msk [tilespmem:v60+s16+$0x0], $0xffff;
	_ =	sdelay $0x4  }
0x158: {  	[tilespmem:s2+$0x11F80] =	vst v3  }
0x159: {  	v3 =	vld.idx.msk [tilespmem:v60+s18+$0x0], $0xffff;
	_ =	sdelay $0x1  }
0x15a: {  	v4, v63, _ =	vpop (xrf1);
	_ =	sdelay $0x1  }
0x15b: {  	[tilespmem:s2+$0x11790] =	vst v63  }
0x15c: {  	[tilespmem:s2+$0x12380] =	vst v3  }
0x15d: {  	v3 =	vld.idx.msk [tilespmem:v63+s5+$0x0], $0xffff;
	_ =	sdelay $0x4  }
0x15e: {  	[tilespmem:s2+$0x11B90] =	vst v3  }
0x15f: {  	v3 =	vld.idx.msk [tilespmem:v63+s16+$0x0], $0xffff;
	_ =	sdelay $0x4  }
0x160: {  	s1 =	sadd.s32 $0x1, s1;
	[tilespmem:s2+$0x11F90] =	vst v3  }
0x161: {  	p0 =	sne.s32 s1, $0x8;
	v3 =	vld.idx.msk [tilespmem:v63+s18+$0x0], $0xffff  }
.Ltmp2:
0x162: {  	_ = 	snop;
	(pc) =	sbr.rel @p0 .LBB2_5-.Ltmp2, $2  }
0x163: {  	_ =	sdelay $0x2  }
0x164: {  	[tilespmem:s2+$0x12390] =	vst v3  }
0x165: {  	s0 =	sor.u32 s6, s0  }
0x166: {  	s0 =	sshll.u32 s0, $0x4  }
0x167: {  	s1 =	sadd.s32 s7, s0  }
0x168: {  	[hbm4b:s1+s5] =	stream.linear.scatter [tilespmem:s28], [sflag:$0x1], $0x400, $0x38;
	[tilespmem:$0x12780] =	vst v63  }
0x169: {  	_ =	swait.ge [sflag:s23], $0x400  }
0x16a: {  	[sflag:s23] =	ssyncset.done $0x0  }
0x16b: {  	s2 =	sadd.s32 s8, s0;
	[sflag:s23] =	ssyncadd.s32 $0xFFFFFC00  }
0x16c: {  	[hbm4b:s2+s5] =	stream.linear.scatter [tilespmem:s29], [sflag:$0x1], $0x400, $0x38;
	[tilespmem:$0x12780] =	vst v63  }
0x16d: {  	_ =	swait.ge [sflag:s23], $0x400  }
0x16e: {  	[sflag:s23] =	ssyncset.done $0x0  }
0x16f: {  	s11 =	sadd.s32 s9, s0;
	[sflag:s23] =	ssyncadd.s32 $0xFFFFFC00  }
0x170: {  	[hbm4b:s11+s5] =	stream.linear.scatter [tilespmem:s30], [sflag:$0x1], $0x400, $0x38;
	[tilespmem:$0x12780] =	vst v63  }
0x171: {  	s4 =	sadd.s32 $0x1, s4;
	_ =	swait.ge [sflag:s23], $0x400  }
0x172: {  	p0 =	sne.s32 s4, $0x10;
	[sflag:s23] =	ssyncset.done $0x0  }
.Ltmp3:
0x173: {  	s0 =	sadd.s32 s10, s0;
	[sflag:s23] =	ssyncadd.s32 $0xFFFFFC00;
	(pc) =	sbr.rel @p0 .LBB2_2-.Ltmp3, $4  }
0x174: {  	[hbm4b:s0+s5] =	stream.linear.scatter [tilespmem:s31], [sflag:$0x1], $0x400, $0x38;
	[tilespmem:$0x12780] =	vst v63  }
0x175: {  	_ =	swait.ge [sflag:s23], $0x400  }
0x176: {  	[sflag:s23] =	ssyncset.done $0x0  }
0x177: {  	[sflag:s23] =	ssyncadd.s32 $0xFFFFFC00  }
0x178: {  	s3 =	sadd.s32 $0x1, s3  }
0x179: {  	p0 =	sne.s32 s3, s20  }
.Ltmp4:
0x17a: {  	_ = 	snop;
	(pc) =	sbr.rel @p0 .LBB2_1-.Ltmp4, $1  }
0x17b: {  	_ =	sdelay $0x3  }
0x17c: {  	_ =	sfence.sel $0x180000  }
0x17d: {  	[bflag:$0x0] =	sbarrier.arrive $0xFFFF  }
0x17e: {  	_ =	strace $0x90000047  }
0x17f: {  	s0 =	stileid.u32;
	[bflag:$0x2] =	sbarrier.arrive $0xFFFF  }
0x180: {  	p0 =	sne.s32 s0, $0x0;
	s0 =	rddreg [dreg:$0x5]  }
0x181: {  	s0 =	sadd.s32 @!p0 $0x100000, s0  }
0x182: {  	[sflag:s0] =	ssyncadd.tile.s32 @!p0 $0x1;
	_ =	shalt  }
.Lfunc_end2:
_tile_overlayer_lowered:
.L_overlay_start_2:
0x183: {  	(tag) =	ssettag $0x2  }
0x184: {  	s0 =	rddreg [dreg:$0x0];
	s2 =	stileid.u32  }
0x185: {  	s1 =	rddreg [dreg:$0x1];
	p0 =	sne.s32 s2, $0x0  }
0x186: {  	s3 =	rddreg [dreg:$0x2];
	[bflag:$0x3] =	sbarrier.arrive $0xFFFF;
	s2 =	simm.s32 @!p0 $0x1C01  }
0x187: {  	[timem:s3], [sflag:s2] =	dma.local @!p0 [hbm:s0], s1  }
0x188: {  	s0 =	simm.s32 @!p0 $0x1  }
0x189: {  	_ =	swait.ge @!p0 [sflag:s0], s1  }
0x18a: {  	s1 =	ssub.s32 @!p0 $0x0, s1;
	[sflag:s0] =	ssyncset.done @!p0 $0x0  }
0x18b: {  	[sflag:s0] =	ssyncadd.s32 @!p0 s1  }
0x18c: {  	[bflag:$0x3] =	sbarrier.arrive $0xFFFF  }
0x18d: {  	_ =	shalt  }

</sc_bundles>
